<compile_context>
chip_gen: v7x
topology: tpu7x:2x2x1
jax: 0.10.2.dev20260603
libtpu: 0.0.44.dev20260713+nightly
codegen_flags: <defaults>
</compile_context>

<pallas_src>
import functools

import jax
import jax.numpy as jnp
from jax import lax
from jax.experimental import pallas as pl
from jax.experimental.pallas import tpu as pltpu
from jax.experimental.pallas import tpu_sc as plsc

IN_C = 96
OUT_C = 192
CHUNK_ROWS = 96
NBUF = 3
LANES = 16
UNROLL = 4
COPY_VECS = IN_C // LANES
FILL_VECS = (OUT_C - IN_C) // LANES


def _expand_body(x_hbm, out_hbm, *refs, rows_per_worker):
    xbufs = refs[0:NBUF]
    obufs = refs[NBUF : 2 * NBUF]
    rsems = refs[2 * NBUF : 3 * NBUF]
    wsems = refs[3 * NBUF : 4 * NBUF]
    num_chunks = rows_per_worker // CHUNK_ROWS
    wid = lax.axis_index("s") * 2 + lax.axis_index("c")
    base = wid * rows_per_worker

    def start_read(i, b):
        pltpu.async_copy(
            x_hbm.at[pl.ds(base + i * CHUNK_ROWS, CHUNK_ROWS)],
            xbufs[b], rsems[b],
        )

    def wait_read(b):
        pltpu.make_async_copy(
            x_hbm.at[pl.ds(base, CHUNK_ROWS)], xbufs[b], rsems[b]
        ).wait()

    def start_write(i, b):
        pltpu.async_copy(
            obufs[b],
            out_hbm.at[pl.ds(base + i * CHUNK_ROWS, CHUNK_ROWS)],
            wsems[b],
        )

    def wait_write(b):
        pltpu.make_async_copy(
            obufs[b], out_hbm.at[pl.ds(base, CHUNK_ROWS)], wsems[b]
        ).wait()

    def compute(b):
        xbuf, obuf = xbufs[b], obufs[b]

        @plsc.parallel_loop(0, CHUNK_ROWS, step=1, unroll=UNROLL)
        def _row(r):
            tail = xbuf[r, pl.ds(IN_C - LANES, LANES)]
            for k in range(COPY_VECS - 1):
                obuf[r, pl.ds(k * LANES, LANES)] = xbuf[
                    r, pl.ds(k * LANES, LANES)
                ]
            obuf[r, pl.ds(IN_C - LANES, LANES)] = tail
            fill = lax.broadcast_in_dim(
                lax.slice(tail, (LANES - 1,), (LANES,)), (LANES,), (0,)
            )
            for k in range(FILL_VECS):
                obuf[r, pl.ds(IN_C + k * LANES, LANES)] = fill

    for b in range(NBUF):
        start_read(b, b)
    for b in range(NBUF):
        wait_read(b)
        compute(b)
        start_write(b, b)
        start_read(b + NBUF, b)

    def chunk_round(j, carry):
        for b in range(NBUF):
            i = j * NBUF + b
            wait_read(b)
            wait_write(b)
            compute(b)
            start_write(i, b)

            @pl.when(i + NBUF < num_chunks)
            def _():
                start_read(i + NBUF, b)

        return carry

    lax.fori_loop(1, num_chunks // NBUF, chunk_round, 0)
    for b in range(NBUF):
        wait_write(b)


def kernel(x, mask):
    b, h, w, c = x.shape
    out_c = mask.shape[-1]
    n = b * h * w
    info = plsc.get_sparse_core_info()
    n_workers = info.num_cores * info.num_subcores
    rows_per_worker = n // n_workers

    x2 = x.reshape(n, c)

    run = functools.partial(
        pl.kernel,
        out_type=jax.ShapeDtypeStruct((n, out_c), x.dtype),
        mesh=plsc.VectorSubcoreMesh(core_axis_name="c", subcore_axis_name="s"),
        scratch_types=(
            [pltpu.VMEM((CHUNK_ROWS, IN_C), x.dtype) for _ in range(NBUF)]
            + [pltpu.VMEM((CHUNK_ROWS, OUT_C), x.dtype) for _ in range(NBUF)]
            + [pltpu.SemaphoreType.DMA for _ in range(2 * NBUF)]
        ),
        compiler_params=pltpu.CompilerParams(use_tc_tiling_on_sc=True),
    )(functools.partial(_expand_body, rows_per_worker=rows_per_worker))
    out = run(x2)
    return out.reshape(b, h, w, out_c)

# --- scband reference (transcript-rebuilt; emitter-appended) ---
"""Pipeline reference for scband-expand-channel-82308753260905 (READ-ONLY COPY).

The authoritative reference and input builder live on the scoring server;
editing this copy changes nothing except your own understanding.
"""

import jax, jax.numpy as jnp
import numpy as np

IN_C = 96
OUT_C = 192


def setup_inputs(seed: int = 0) -> dict:
    key = jax.random.key(seed)
    kx, = jax.random.split(key, 1)
    x = jax.random.normal(kx, (2, 384, 384, IN_C), dtype=jnp.float32)
    # non-trainable mask buffer, OnesZeros([in_c, out_c - in_c]) initializer:
    # first in_c entries 1, remaining out_c - in_c entries 0, shape [1,1,1,out_c]
    mask = jnp.concatenate([
        jnp.ones((IN_C,), dtype=jnp.float32),
        jnp.zeros((OUT_C - IN_C,), dtype=jnp.float32),
    ]).reshape(1, 1, 1, OUT_C)
    return {"x": x, "mask": mask}


def reference(x, mask):
    in_c = x.shape[-1]
    out_c = mask.shape[-1]
    mask_vec = mask.reshape(-1)
    # indices of nonzero (valid) and zero mask entries
    valid_idx = jnp.nonzero(mask_vec != 0, size=in_c)[0]
    zero_idx = jnp.nonzero(mask_vec == 0, size=out_c - in_c)[0]
    # y = x * gather(mask, valid_idx) -> multiplies by the (all-ones) valid mask slots
    y = x * jnp.take(mask, valid_idx, axis=-1)
    # tf.dynamic_stitch: valid slots get arange(in_c), zero slots get -1
    expand_idx = (
        jnp.zeros((out_c,), dtype=jnp.int32)
        .at[valid_idx].set(jnp.arange(in_c, dtype=jnp.int32))
        .at[zero_idx].set(jnp.int32(-1))
    )
    # tf.gather with out-of-range index -1 yields zeros (GPU semantics / intent);
    # replicate with mode='fill'
    z = jnp.take(y, expand_idx, axis=-1, mode="fill", fill_value=0.0)
    return z

if __name__ == "__main__":
    import jax
    _d = setup_inputs()
    print(jax.jit(kernel)(*tuple(_d.values())))

</pallas_src>

<mosaic_0001>
#map = affine_map<(d0, d1) -> (0, 0)>
module attributes {stable_mosaic.version = 14 : i64} {
  func.func @_expand_body(%arg0: i32, %arg1: i32, %arg2: memref<294912x96xf32, #tpu.memory_space<hbm>>, %arg3: memref<294912x192xf32, #tpu.memory_space<hbm>>, %arg4: memref<96x96xf32, #tpu.memory_space<vmem>>, %arg5: memref<96x96xf32, #tpu.memory_space<vmem>>, %arg6: memref<96x96xf32, #tpu.memory_space<vmem>>, %arg7: memref<96x192xf32, #tpu.memory_space<vmem>>, %arg8: memref<96x192xf32, #tpu.memory_space<vmem>>, %arg9: memref<96x192xf32, #tpu.memory_space<vmem>>, %arg10: memref<!tpu.dma_semaphore, #tpu.memory_space<semaphore_mem>>, %arg11: memref<!tpu.dma_semaphore, #tpu.memory_space<semaphore_mem>>, %arg12: memref<!tpu.dma_semaphore, #tpu.memory_space<semaphore_mem>>, %arg13: memref<!tpu.dma_semaphore, #tpu.memory_space<semaphore_mem>>, %arg14: memref<!tpu.dma_semaphore, #tpu.memory_space<semaphore_mem>>, %arg15: memref<!tpu.dma_semaphore, #tpu.memory_space<semaphore_mem>>) attributes {dimension_semantics = [#tpu.dimension_semantics<core_parallel>, #tpu.dimension_semantics<subcore_parallel>], iteration_bounds = array<i64: 2, 16>, scalar_prefetch = 0 : i64, scratch_operands = 12 : i64, tpu.core_type = #tpu.core_type<sc_vector_subcore>, window_params = [{transform_indices = #map}, {transform_indices = #map}]} {
    %mul3A = arith.constant 2 : i32
    %mul3A_0 = arith.muli %arg1, %mul3A : i32
    %add3A = arith.addi %mul3A_0, %arg0 : i32
    %mul3A_1 = arith.constant 9216 : i32
    %mul3A_2 = arith.muli %add3A, %mul3A_1 : i32
    %add3A_3 = arith.constant 0 : i32
    %add3A_4 = arith.addi %mul3A_2, %add3A_3 : i32
    %dma_start3A = arith.constant 0 : i32
    %dma_start3A_5 = tpu.memref_slice %arg2[%add3A_4, %dma_start3A] : memref<294912x96xf32, #tpu.memory_space<hbm>> -> memref<96x96xf32, #tpu.memory_space<hbm>>
    %dma_start3A_6 = arith.constant 0 : i32
    %dma_start3A_7 = tpu.memref_slice %arg2[%add3A_4, %dma_start3A_6] : memref<294912x96xf32, #tpu.memory_space<hbm>> -> memref<96x96xf32, #tpu.memory_space<hbm>>
    tpu.enqueue_dma source(%dma_start3A_7 : memref<96x96xf32, #tpu.memory_space<hbm>>) target(%arg4 : memref<96x96xf32, #tpu.memory_space<vmem>>) target_semaphore(%arg10 : memref<!tpu.dma_semaphore, #tpu.memory_space<semaphore_mem>>)
    %add3A_8 = arith.constant 96 : i32
    %add3A_9 = arith.addi %mul3A_2, %add3A_8 : i32
    %dma_start3A_10 = arith.constant 0 : i32
    %dma_start3A_11 = tpu.memref_slice %arg2[%add3A_9, %dma_start3A_10] : memref<294912x96xf32, #tpu.memory_space<hbm>> -> memref<96x96xf32, #tpu.memory_space<hbm>>
    %dma_start3A_12 = arith.constant 0 : i32
    %dma_start3A_13 = tpu.memref_slice %arg2[%add3A_9, %dma_start3A_12] : memref<294912x96xf32, #tpu.memory_space<hbm>> -> memref<96x96xf32, #tpu.memory_space<hbm>>
    tpu.enqueue_dma source(%dma_start3A_13 : memref<96x96xf32, #tpu.memory_space<hbm>>) target(%arg5 : memref<96x96xf32, #tpu.memory_space<vmem>>) target_semaphore(%arg11 : memref<!tpu.dma_semaphore, #tpu.memory_space<semaphore_mem>>)
    %add3A_14 = arith.constant 192 : i32
    %add3A_15 = arith.addi %mul3A_2, %add3A_14 : i32
    %dma_start3A_16 = arith.constant 0 : i32
    %dma_start3A_17 = tpu.memref_slice %arg2[%add3A_15, %dma_start3A_16] : memref<294912x96xf32, #tpu.memory_space<hbm>> -> memref<96x96xf32, #tpu.memory_space<hbm>>
    %dma_start3A_18 = arith.constant 0 : i32
    %dma_start3A_19 = tpu.memref_slice %arg2[%add3A_15, %dma_start3A_18] : memref<294912x96xf32, #tpu.memory_space<hbm>> -> memref<96x96xf32, #tpu.memory_space<hbm>>
    tpu.enqueue_dma source(%dma_start3A_19 : memref<96x96xf32, #tpu.memory_space<hbm>>) target(%arg6 : memref<96x96xf32, #tpu.memory_space<vmem>>) target_semaphore(%arg12 : memref<!tpu.dma_semaphore, #tpu.memory_space<semaphore_mem>>)
    %dma_wait3A = arith.constant 0 : i32
    %dma_wait3A_20 = tpu.memref_slice %arg2[%mul3A_2, %dma_wait3A] : memref<294912x96xf32, #tpu.memory_space<hbm>> -> memref<96x96xf32, #tpu.memory_space<hbm>>
    %dma_wait3A_21 = arith.constant 0 : i32
    %dma_wait3A_22 = tpu.memref_slice %arg2[%mul3A_2, %dma_wait3A_21] : memref<294912x96xf32, #tpu.memory_space<hbm>> -> memref<96x96xf32, #tpu.memory_space<hbm>>
    tpu.wait_dma2 semaphore(%arg10 : memref<!tpu.dma_semaphore, #tpu.memory_space<semaphore_mem>>) src(%dma_wait3A_22 : memref<96x96xf32, #tpu.memory_space<hbm>>) dst(%arg4 : memref<96x96xf32, #tpu.memory_space<vmem>>)
    %parallel_loop3A = arith.constant 0 : i32
    %parallel_loop3A_23 = arith.constant 96 : i32
    %parallel_loop3A_24 = arith.constant 1 : i32
    scf.for %parallel_loop3A_92 = %parallel_loop3A to %parallel_loop3A_23 step %parallel_loop3A_24  : i32 {
      %parallel_loop3A_93 = arith.index_cast %parallel_loop3A_92 : i32 to index
      %parallel_loop3A_94 = arith.constant 80 : index
      %parallel_loop3A_95 = tpu.vector_load %arg4[%parallel_loop3A_93, %parallel_loop3A_94] {strides = array<i32>} : memref<96x96xf32, #tpu.memory_space<vmem>>, vector<1x16xf32>,
      %parallel_loop3A_96 = vector.shape_cast %parallel_loop3A_95 : vector<1x16xf32> to vector<16xf32>
      %parallel_loop3A_97 = arith.index_cast %parallel_loop3A_92 : i32 to index
      %parallel_loop3A_98 = arith.constant 0 : index
      %parallel_loop3A_99 = tpu.vector_load %arg4[%parallel_loop3A_97, %parallel_loop3A_98] {strides = array<i32>} : memref<96x96xf32, #tpu.memory_space<vmem>>, vector<1x16xf32>,
      %parallel_loop3A_100 = vector.shape_cast %parallel_loop3A_99 : vector<1x16xf32> to vector<16xf32>
      %parallel_loop3A_101 = arith.index_cast %parallel_loop3A_92 : i32 to index
      %parallel_loop3A_102 = arith.constant 0 : index
      %parallel_loop3A_103 = tpu.vector_load %arg7[%parallel_loop3A_101, %parallel_loop3A_102] {strides = array<i32>} : memref<96x192xf32, #tpu.memory_space<vmem>>, vector<1x16xf32>,
      %parallel_loop3A_104 = vector.shape_cast %parallel_loop3A_103 : vector<1x16xf32> to vector<16xf32>
      %parallel_loop3A_105 = vector.shape_cast %parallel_loop3A_100 : vector<16xf32> to vector<1x16xf32>
      tpu.vector_store %arg7[%parallel_loop3A_101, %parallel_loop3A_102], %parallel_loop3A_105 {strides = array<i32>} : memref<96x192xf32, #tpu.memory_space<vmem>>, vector<1x16xf32>,
      %parallel_loop3A_106 = arith.index_cast %parallel_loop3A_92 : i32 to index
      %parallel_loop3A_107 = arith.constant 16 : index
      %parallel_loop3A_108 = tpu.vector_load %arg4[%parallel_loop3A_106, %parallel_loop3A_107] {strides = array<i32>} : memref<96x96xf32, #tpu.memory_space<vmem>>, vector<1x16xf32>,
      %parallel_loop3A_109 = vector.shape_cast %parallel_loop3A_108 : vector<1x16xf32> to vector<16xf32>
      %parallel_loop3A_110 = arith.index_cast %parallel_loop3A_92 : i32 to index
      %parallel_loop3A_111 = arith.constant 16 : index
      %parallel_loop3A_112 = tpu.vector_load %arg7[%parallel_loop3A_110, %parallel_loop3A_111] {strides = array<i32>} : memref<96x192xf32, #tpu.memory_space<vmem>>, vector<1x16xf32>,
      %parallel_loop3A_113 = vector.shape_cast %parallel_loop3A_112 : vector<1x16xf32> to vector<16xf32>
      %parallel_loop3A_114 = vector.shape_cast %parallel_loop3A_109 : vector<16xf32> to vector<1x16xf32>
      tpu.vector_store %arg7[%parallel_loop3A_110, %parallel_loop3A_111], %parallel_loop3A_114 {strides = array<i32>} : memref<96x192xf32, #tpu.memory_space<vmem>>, vector<1x16xf32>,
      %parallel_loop3A_115 = arith.index_cast %parallel_loop3A_92 : i32 to index
      %parallel_loop3A_116 = arith.constant 32 : index
      %parallel_loop3A_117 = tpu.vector_load %arg4[%parallel_loop3A_115, %parallel_loop3A_116] {strides = array<i32>} : memref<96x96xf32, #tpu.memory_space<vmem>>, vector<1x16xf32>,
      %parallel_loop3A_118 = vector.shape_cast %parallel_loop3A_117 : vector<1x16xf32> to vector<16xf32>
      %parallel_loop3A_119 = arith.index_cast %parallel_loop3A_92 : i32 to index
      %parallel_loop3A_120 = arith.constant 32 : index
      %parallel_loop3A_121 = tpu.vector_load %arg7[%parallel_loop3A_119, %parallel_loop3A_120] {strides = array<i32>} : memref<96x192xf32, #tpu.memory_space<vmem>>, vector<1x16xf32>,
      %parallel_loop3A_122 = vector.shape_cast %parallel_loop3A_121 : vector<1x16xf32> to vector<16xf32>
      %parallel_loop3A_123 = vector.shape_cast %parallel_loop3A_118 : vector<16xf32> to vector<1x16xf32>
      tpu.vector_store %arg7[%parallel_loop3A_119, %parallel_loop3A_120], %parallel_loop3A_123 {strides = array<i32>} : memref<96x192xf32, #tpu.memory_space<vmem>>, vector<1x16xf32>,
      %parallel_loop3A_124 = arith.index_cast %parallel_loop3A_92 : i32 to index
      %parallel_loop3A_125 = arith.constant 48 : index
      %parallel_loop3A_126 = tpu.vector_load %arg4[%parallel_loop3A_124, %parallel_loop3A_125] {strides = array<i32>} : memref<96x96xf32, #tpu.memory_space<vmem>>, vector<1x16xf32>,
      %parallel_loop3A_127 = vector.shape_cast %parallel_loop3A_126 : vector<1x16xf32> to vector<16xf32>
      %parallel_loop3A_128 = arith.index_cast %parallel_loop3A_92 : i32 to index
      %parallel_loop3A_129 = arith.constant 48 : index
      %parallel_loop3A_130 = tpu.vector_load %arg7[%parallel_loop3A_128, %parallel_loop3A_129] {strides = array<i32>} : memref<96x192xf32, #tpu.memory_space<vmem>>, vector<1x16xf32>,
      %parallel_loop3A_131 = vector.shape_cast %parallel_loop3A_130 : vector<1x16xf32> to vector<16xf32>
      %parallel_loop3A_132 = vector.shape_cast %parallel_loop3A_127 : vector<16xf32> to vector<1x16xf32>
      tpu.vector_store %arg7[%parallel_loop3A_128, %parallel_loop3A_129], %parallel_loop3A_132 {strides = array<i32>} : memref<96x192xf32, #tpu.memory_space<vmem>>, vector<1x16xf32>,
      %parallel_loop3A_133 = arith.index_cast %parallel_loop3A_92 : i32 to index
      %parallel_loop3A_134 = arith.constant 64 : index
      %parallel_loop3A_135 = tpu.vector_load %arg4[%parallel_loop3A_133, %parallel_loop3A_134] {strides = array<i32>} : memref<96x96xf32, #tpu.memory_space<vmem>>, vector<1x16xf32>,
      %parallel_loop3A_136 = vector.shape_cast %parallel_loop3A_135 : vector<1x16xf32> to vector<16xf32>
      %parallel_loop3A_137 = arith.index_cast %parallel_loop3A_92 : i32 to index
      %parallel_loop3A_138 = arith.constant 64 : index
      %parallel_loop3A_139 = tpu.vector_load %arg7[%parallel_loop3A_137, %parallel_loop3A_138] {strides = array<i32>} : memref<96x192xf32, #tpu.memory_space<vmem>>, vector<1x16xf32>,
      %parallel_loop3A_140 = vector.shape_cast %parallel_loop3A_139 : vector<1x16xf32> to vector<16xf32>
      %parallel_loop3A_141 = vector.shape_cast %parallel_loop3A_136 : vector<16xf32> to vector<1x16xf32>
      tpu.vector_store %arg7[%parallel_loop3A_137, %parallel_loop3A_138], %parallel_loop3A_141 {strides = array<i32>} : memref<96x192xf32, #tpu.memory_space<vmem>>, vector<1x16xf32>,
      %parallel_loop3A_142 = arith.index_cast %parallel_loop3A_92 : i32 to index
      %parallel_loop3A_143 = arith.constant 80 : index
      %parallel_loop3A_144 = tpu.vector_load %arg7[%parallel_loop3A_142, %parallel_loop3A_143] {strides = array<i32>} : memref<96x192xf32, #tpu.memory_space<vmem>>, vector<1x16xf32>,
      %parallel_loop3A_145 = vector.shape_cast %parallel_loop3A_144 : vector<1x16xf32> to vector<16xf32>
      %parallel_loop3A_146 = vector.shape_cast %parallel_loop3A_96 : vector<16xf32> to vector<1x16xf32>
      tpu.vector_store %arg7[%parallel_loop3A_142, %parallel_loop3A_143], %parallel_loop3A_146 {strides = array<i32>} : memref<96x192xf32, #tpu.memory_space<vmem>>, vector<1x16xf32>,
      %parallel_loop3A_147 = vector.extract_strided_slice %parallel_loop3A_96 {offsets = [15], sizes = [1], strides = [1]} : vector<16xf32> to vector<1xf32>
      %parallel_loop3A_148 = vector.shape_cast %parallel_loop3A_147 : vector<1xf32> to vector<1xf32>
      %parallel_loop3A_149 = vector.broadcast %parallel_loop3A_148 : vector<1xf32> to vector<16xf32>
      %parallel_loop3A_150 = arith.index_cast %parallel_loop3A_92 : i32 to index
      %parallel_loop3A_151 = arith.constant 96 : index
      %parallel_loop3A_152 = tpu.vector_load %arg7[%parallel_loop3A_150, %parallel_loop3A_151] {strides = array<i32>} : memref<96x192xf32, #tpu.memory_space<vmem>>, vector<1x16xf32>,
      %parallel_loop3A_153 = vector.shape_cast %parallel_loop3A_152 : vector<1x16xf32> to vector<16xf32>
      %parallel_loop3A_154 = vector.shape_cast %parallel_loop3A_149 : vector<16xf32> to vector<1x16xf32>
      tpu.vector_store %arg7[%parallel_loop3A_150, %parallel_loop3A_151], %parallel_loop3A_154 {strides = array<i32>} : memref<96x192xf32, #tpu.memory_space<vmem>>, vector<1x16xf32>,
      %parallel_loop3A_155 = arith.index_cast %parallel_loop3A_92 : i32 to index
      %parallel_loop3A_156 = arith.constant 112 : index
      %parallel_loop3A_157 = tpu.vector_load %arg7[%parallel_loop3A_155, %parallel_loop3A_156] {strides = array<i32>} : memref<96x192xf32, #tpu.memory_space<vmem>>, vector<1x16xf32>,
      %parallel_loop3A_158 = vector.shape_cast %parallel_loop3A_157 : vector<1x16xf32> to vector<16xf32>
      %parallel_loop3A_159 = vector.shape_cast %parallel_loop3A_149 : vector<16xf32> to vector<1x16xf32>
      tpu.vector_store %arg7[%parallel_loop3A_155, %parallel_loop3A_156], %parallel_loop3A_159 {strides = array<i32>} : memref<96x192xf32, #tpu.memory_space<vmem>>, vector<1x16xf32>,
      %parallel_loop3A_160 = arith.index_cast %parallel_loop3A_92 : i32 to index
      %parallel_loop3A_161 = arith.constant 128 : index
      %parallel_loop3A_162 = tpu.vector_load %arg7[%parallel_loop3A_160, %parallel_loop3A_161] {strides = array<i32>} : memref<96x192xf32, #tpu.memory_space<vmem>>, vector<1x16xf32>,
      %parallel_loop3A_163 = vector.shape_cast %parallel_loop3A_162 : vector<1x16xf32> to vector<16xf32>
      %parallel_loop3A_164 = vector.shape_cast %parallel_loop3A_149 : vector<16xf32> to vector<1x16xf32>
      tpu.vector_store %arg7[%parallel_loop3A_160, %parallel_loop3A_161], %parallel_loop3A_164 {strides = array<i32>} : memref<96x192xf32, #tpu.memory_space<vmem>>, vector<1x16xf32>,
      %parallel_loop3A_165 = arith.index_cast %parallel_loop3A_92 : i32 to index
      %parallel_loop3A_166 = arith.constant 144 : index
      %parallel_loop3A_167 = tpu.vector_load %arg7[%parallel_loop3A_165, %parallel_loop3A_166] {strides = array<i32>} : memref<96x192xf32, #tpu.memory_space<vmem>>, vector<1x16xf32>,
      %parallel_loop3A_168 = vector.shape_cast %parallel_loop3A_167 : vector<1x16xf32> to vector<16xf32>
      %parallel_loop3A_169 = vector.shape_cast %parallel_loop3A_149 : vector<16xf32> to vector<1x16xf32>
      tpu.vector_store %arg7[%parallel_loop3A_165, %parallel_loop3A_166], %parallel_loop3A_169 {strides = array<i32>} : memref<96x192xf32, #tpu.memory_space<vmem>>, vector<1x16xf32>,
      %parallel_loop3A_170 = arith.index_cast %parallel_loop3A_92 : i32 to index
      %parallel_loop3A_171 = arith.constant 160 : index
      %parallel_loop3A_172 = tpu.vector_load %arg7[%parallel_loop3A_170, %parallel_loop3A_171] {strides = array<i32>} : memref<96x192xf32, #tpu.memory_space<vmem>>, vector<1x16xf32>,
      %parallel_loop3A_173 = vector.shape_cast %parallel_loop3A_172 : vector<1x16xf32> to vector<16xf32>
      %parallel_loop3A_174 = vector.shape_cast %parallel_loop3A_149 : vector<16xf32> to vector<1x16xf32>
      tpu.vector_store %arg7[%parallel_loop3A_170, %parallel_loop3A_171], %parallel_loop3A_174 {strides = array<i32>} : memref<96x192xf32, #tpu.memory_space<vmem>>, vector<1x16xf32>,
      %parallel_loop3A_175 = arith.index_cast %parallel_loop3A_92 : i32 to index
      %parallel_loop3A_176 = arith.constant 176 : index
      %parallel_loop3A_177 = tpu.vector_load %arg7[%parallel_loop3A_175, %parallel_loop3A_176] {strides = array<i32>} : memref<96x192xf32, #tpu.memory_space<vmem>>, vector<1x16xf32>,
      %parallel_loop3A_178 = vector.shape_cast %parallel_loop3A_177 : vector<1x16xf32> to vector<16xf32>
      %parallel_loop3A_179 = vector.shape_cast %parallel_loop3A_149 : vector<16xf32> to vector<1x16xf32>
      tpu.vector_store %arg7[%parallel_loop3A_175, %parallel_loop3A_176], %parallel_loop3A_179 {strides = array<i32>} : memref<96x192xf32, #tpu.memory_space<vmem>>, vector<1x16xf32>,
    } {sc.loop_unroll_factor = 4 : i64, sc.parallel_access}
    %add3A_25 = arith.constant 0 : i32
    %add3A_26 = arith.addi %mul3A_2, %add3A_25 : i32
    %dma_start3A_27 = arith.constant 0 : i32
    %dma_start3A_28 = tpu.memref_slice %arg3[%add3A_26, %dma_start3A_27] : memref<294912x192xf32, #tpu.memory_space<hbm>> -> memref<96x192xf32, #tpu.memory_space<hbm>>
    %dma_start3A_29 = arith.constant 0 : i32
    %dma_start3A_30 = tpu.memref_slice %arg3[%add3A_26, %dma_start3A_29] : memref<294912x192xf32, #tpu.memory_space<hbm>> -> memref<96x192xf32, #tpu.memory_space<hbm>>
    tpu.enqueue_dma source(%arg7 : memref<96x192xf32, #tpu.memory_space<vmem>>) target(%dma_start3A_30 : memref<96x192xf32, #tpu.memory_space<hbm>>) target_semaphore(%arg13 : memref<!tpu.dma_semaphore, #tpu.memory_space<semaphore_mem>>)
    %add3A_31 = arith.constant 288 : i32
    %add3A_32 = arith.addi %mul3A_2, %add3A_31 : i32
    %dma_start3A_33 = arith.constant 0 : i32
    %dma_start3A_34 = tpu.memref_slice %arg2[%add3A_32, %dma_start3A_33] : memref<294912x96xf32, #tpu.memory_space<hbm>> -> memref<96x96xf32, #tpu.memory_space<hbm>>
    %dma_start3A_35 = arith.constant 0 : i32
    %dma_start3A_36 = tpu.memref_slice %arg2[%add3A_32, %dma_start3A_35] : memref<294912x96xf32, #tpu.memory_space<hbm>> -> memref<96x96xf32, #tpu.memory_space<hbm>>
    tpu.enqueue_dma source(%dma_start3A_36 : memref<96x96xf32, #tpu.memory_space<hbm>>) target(%arg4 : memref<96x96xf32, #tpu.memory_space<vmem>>) target_semaphore(%arg10 : memref<!tpu.dma_semaphore, #tpu.memory_space<semaphore_mem>>)
    %dma_wait3A_37 = arith.constant 0 : i32
    %dma_wait3A_38 = tpu.memref_slice %arg2[%mul3A_2, %dma_wait3A_37] : memref<294912x96xf32, #tpu.memory_space<hbm>> -> memref<96x96xf32, #tpu.memory_space<hbm>>
    %dma_wait3A_39 = arith.constant 0 : i32
    %dma_wait3A_40 = tpu.memref_slice %arg2[%mul3A_2, %dma_wait3A_39] : memref<294912x96xf32, #tpu.memory_space<hbm>> -> memref<96x96xf32, #tpu.memory_space<hbm>>
    tpu.wait_dma2 semaphore(%arg11 : memref<!tpu.dma_semaphore, #tpu.memory_space<semaphore_mem>>) src(%dma_wait3A_40 : memref<96x96xf32, #tpu.memory_space<hbm>>) dst(%arg5 : memref<96x96xf32, #tpu.memory_space<vmem>>)
    %parallel_loop3A_41 = arith.constant 0 : i32
    %parallel_loop3A_42 = arith.constant 96 : i32
    %parallel_loop3A_43 = arith.constant 1 : i32
    scf.for %parallel_loop3A_92 = %parallel_loop3A_41 to %parallel_loop3A_42 step %parallel_loop3A_43  : i32 {
      %parallel_loop3A_93 = arith.index_cast %parallel_loop3A_92 : i32 to index
      %parallel_loop3A_94 = arith.constant 80 : index
      %parallel_loop3A_95 = tpu.vector_load %arg5[%parallel_loop3A_93, %parallel_loop3A_94] {strides = array<i32>} : memref<96x96xf32, #tpu.memory_space<vmem>>, vector<1x16xf32>,
      %parallel_loop3A_96 = vector.shape_cast %parallel_loop3A_95 : vector<1x16xf32> to vector<16xf32>
      %parallel_loop3A_97 = arith.index_cast %parallel_loop3A_92 : i32 to index
      %parallel_loop3A_98 = arith.constant 0 : index
      %parallel_loop3A_99 = tpu.vector_load %arg5[%parallel_loop3A_97, %parallel_loop3A_98] {strides = array<i32>} : memref<96x96xf32, #tpu.memory_space<vmem>>, vector<1x16xf32>,
      %parallel_loop3A_100 = vector.shape_cast %parallel_loop3A_99 : vector<1x16xf32> to vector<16xf32>
      %parallel_loop3A_101 = arith.index_cast %parallel_loop3A_92 : i32 to index
      %parallel_loop3A_102 = arith.constant 0 : index
      %parallel_loop3A_103 = tpu.vector_load %arg8[%parallel_loop3A_101, %parallel_loop3A_102] {strides = array<i32>} : memref<96x192xf32, #tpu.memory_space<vmem>>, vector<1x16xf32>,
      %parallel_loop3A_104 = vector.shape_cast %parallel_loop3A_103 : vector<1x16xf32> to vector<16xf32>
      %parallel_loop3A_105 = vector.shape_cast %parallel_loop3A_100 : vector<16xf32> to vector<1x16xf32>
      tpu.vector_store %arg8[%parallel_loop3A_101, %parallel_loop3A_102], %parallel_loop3A_105 {strides = array<i32>} : memref<96x192xf32, #tpu.memory_space<vmem>>, vector<1x16xf32>,
      %parallel_loop3A_106 = arith.index_cast %parallel_loop3A_92 : i32 to index
      %parallel_loop3A_107 = arith.constant 16 : index
      %parallel_loop3A_108 = tpu.vector_load %arg5[%parallel_loop3A_106, %parallel_loop3A_107] {strides = array<i32>} : memref<96x96xf32, #tpu.memory_space<vmem>>, vector<1x16xf32>,
      %parallel_loop3A_109 = vector.shape_cast %parallel_loop3A_108 : vector<1x16xf32> to vector<16xf32>
      %parallel_loop3A_110 = arith.index_cast %parallel_loop3A_92 : i32 to index
      %parallel_loop3A_111 = arith.constant 16 : index
      %parallel_loop3A_112 = tpu.vector_load %arg8[%parallel_loop3A_110, %parallel_loop3A_111] {strides = array<i32>} : memref<96x192xf32, #tpu.memory_space<vmem>>, vector<1x16xf32>,
      %parallel_loop3A_113 = vector.shape_cast %parallel_loop3A_112 : vector<1x16xf32> to vector<16xf32>
      %parallel_loop3A_114 = vector.shape_cast %parallel_loop3A_109 : vector<16xf32> to vector<1x16xf32>
      tpu.vector_store %arg8[%parallel_loop3A_110, %parallel_loop3A_111], %parallel_loop3A_114 {strides = array<i32>} : memref<96x192xf32, #tpu.memory_space<vmem>>, vector<1x16xf32>,
      %parallel_loop3A_115 = arith.index_cast %parallel_loop3A_92 : i32 to index
      %parallel_loop3A_116 = arith.constant 32 : index
      %parallel_loop3A_117 = tpu.vector_load %arg5[%parallel_loop3A_115, %parallel_loop3A_116] {strides = array<i32>} : memref<96x96xf32, #tpu.memory_space<vmem>>, vector<1x16xf32>,
      %parallel_loop3A_118 = vector.shape_cast %parallel_loop3A_117 : vector<1x16xf32> to vector<16xf32>
      %parallel_loop3A_119 = arith.index_cast %parallel_loop3A_92 : i32 to index
      %parallel_loop3A_120 = arith.constant 32 : index
      %parallel_loop3A_121 = tpu.vector_load %arg8[%parallel_loop3A_119, %parallel_loop3A_120] {strides = array<i32>} : memref<96x192xf32, #tpu.memory_space<vmem>>, vector<1x16xf32>,
      %parallel_loop3A_122 = vector.shape_cast %parallel_loop3A_121 : vector<1x16xf32> to vector<16xf32>
      %parallel_loop3A_123 = vector.shape_cast %parallel_loop3A_118 : vector<16xf32> to vector<1x16xf32>
      tpu.vector_store %arg8[%parallel_loop3A_119, %parallel_loop3A_120], %parallel_loop3A_123 {strides = array<i32>} : memref<96x192xf32, #tpu.memory_space<vmem>>, vector<1x16xf32>,
      %parallel_loop3A_124 = arith.index_cast %parallel_loop3A_92 : i32 to index
      %parallel_loop3A_125 = arith.constant 48 : index
      %parallel_loop3A_126 = tpu.vector_load %arg5[%parallel_loop3A_124, %parallel_loop3A_125] {strides = array<i32>} : memref<96x96xf32, #tpu.memory_space<vmem>>, vector<1x16xf32>,
      %parallel_loop3A_127 = vector.shape_cast %parallel_loop3A_126 : vector<1x16xf32> to vector<16xf32>
      %parallel_loop3A_128 = arith.index_cast %parallel_loop3A_92 : i32 to index
      %parallel_loop3A_129 = arith.constant 48 : index
      %parallel_loop3A_130 = tpu.vector_load %arg8[%parallel_loop3A_128, %parallel_loop3A_129] {strides = array<i32>} : memref<96x192xf32, #tpu.memory_space<vmem>>, vector<1x16xf32>,
      %parallel_loop3A_131 = vector.shape_cast %parallel_loop3A_130 : vector<1x16xf32> to vector<16xf32>
      %parallel_loop3A_132 = vector.shape_cast %parallel_loop3A_127 : vector<16xf32> to vector<1x16xf32>
      tpu.vector_store %arg8[%parallel_loop3A_128, %parallel_loop3A_129], %parallel_loop3A_132 {strides = array<i32>} : memref<96x192xf32, #tpu.memory_space<vmem>>, vector<1x16xf32>,
      %parallel_loop3A_133 = arith.index_cast %parallel_loop3A_92 : i32 to index
      %parallel_loop3A_134 = arith.constant 64 : index
      %parallel_loop3A_135 = tpu.vector_load %arg5[%parallel_loop3A_133, %parallel_loop3A_134] {strides = array<i32>} : memref<96x96xf32, #tpu.memory_space<vmem>>, vector<1x16xf32>,
      %parallel_loop3A_136 = vector.shape_cast %parallel_loop3A_135 : vector<1x16xf32> to vector<16xf32>
      %parallel_loop3A_137 = arith.index_cast %parallel_loop3A_92 : i32 to index
      %parallel_loop3A_138 = arith.constant 64 : index
      %parallel_loop3A_139 = tpu.vector_load %arg8[%parallel_loop3A_137, %parallel_loop3A_138] {strides = array<i32>} : memref<96x192xf32, #tpu.memory_space<vmem>>, vector<1x16xf32>,
      %parallel_loop3A_140 = vector.shape_cast %parallel_loop3A_139 : vector<1x16xf32> to vector<16xf32>
      %parallel_loop3A_141 = vector.shape_cast %parallel_loop3A_136 : vector<16xf32> to vector<1x16xf32>
      tpu.vector_store %arg8[%parallel_loop3A_137, %parallel_loop3A_138], %parallel_loop3A_141 {strides = array<i32>} : memref<96x192xf32, #tpu.memory_space<vmem>>, vector<1x16xf32>,
      %parallel_loop3A_142 = arith.index_cast %parallel_loop3A_92 : i32 to index
      %parallel_loop3A_143 = arith.constant 80 : index
      %parallel_loop3A_144 = tpu.vector_load %arg8[%parallel_loop3A_142, %parallel_loop3A_143] {strides = array<i32>} : memref<96x192xf32, #tpu.memory_space<vmem>>, vector<1x16xf32>,
      %parallel_loop3A_145 = vector.shape_cast %parallel_loop3A_144 : vector<1x16xf32> to vector<16xf32>
      %parallel_loop3A_146 = vector.shape_cast %parallel_loop3A_96 : vector<16xf32> to vector<1x16xf32>
      tpu.vector_store %arg8[%parallel_loop3A_142, %parallel_loop3A_143], %parallel_loop3A_146 {strides = array<i32>} : memref<96x192xf32, #tpu.memory_space<vmem>>, vector<1x16xf32>,
      %parallel_loop3A_147 = vector.extract_strided_slice %parallel_loop3A_96 {offsets = [15], sizes = [1], strides = [1]} : vector<16xf32> to vector<1xf32>
      %parallel_loop3A_148 = vector.shape_cast %parallel_loop3A_147 : vector<1xf32> to vector<1xf32>
      %parallel_loop3A_149 = vector.broadcast %parallel_loop3A_148 : vector<1xf32> to vector<16xf32>
      %parallel_loop3A_150 = arith.index_cast %parallel_loop3A_92 : i32 to index
      %parallel_loop3A_151 = arith.constant 96 : index
      %parallel_loop3A_152 = tpu.vector_load %arg8[%parallel_loop3A_150, %parallel_loop3A_151] {strides = array<i32>} : memref<96x192xf32, #tpu.memory_space<vmem>>, vector<1x16xf32>,
      %parallel_loop3A_153 = vector.shape_cast %parallel_loop3A_152 : vector<1x16xf32> to vector<16xf32>
      %parallel_loop3A_154 = vector.shape_cast %parallel_loop3A_149 : vector<16xf32> to vector<1x16xf32>
      tpu.vector_store %arg8[%parallel_loop3A_150, %parallel_loop3A_151], %parallel_loop3A_154 {strides = array<i32>} : memref<96x192xf32, #tpu.memory_space<vmem>>, vector<1x16xf32>,
      %parallel_loop3A_155 = arith.index_cast %parallel_loop3A_92 : i32 to index
      %parallel_loop3A_156 = arith.constant 112 : index
      %parallel_loop3A_157 = tpu.vector_load %arg8[%parallel_loop3A_155, %parallel_loop3A_156] {strides = array<i32>} : memref<96x192xf32, #tpu.memory_space<vmem>>, vector<1x16xf32>,
      %parallel_loop3A_158 = vector.shape_cast %parallel_loop3A_157 : vector<1x16xf32> to vector<16xf32>
      %parallel_loop3A_159 = vector.shape_cast %parallel_loop3A_149 : vector<16xf32> to vector<1x16xf32>
      tpu.vector_store %arg8[%parallel_loop3A_155, %parallel_loop3A_156], %parallel_loop3A_159 {strides = array<i32>} : memref<96x192xf32, #tpu.memory_space<vmem>>, vector<1x16xf32>,
      %parallel_loop3A_160 = arith.index_cast %parallel_loop3A_92 : i32 to index
      %parallel_loop3A_161 = arith.constant 128 : index
      %parallel_loop3A_162 = tpu.vector_load %arg8[%parallel_loop3A_160, %parallel_loop3A_161] {strides = array<i32>} : memref<96x192xf32, #tpu.memory_space<vmem>>, vector<1x16xf32>,
      %parallel_loop3A_163 = vector.shape_cast %parallel_loop3A_162 : vector<1x16xf32> to vector<16xf32>
      %parallel_loop3A_164 = vector.shape_cast %parallel_loop3A_149 : vector<16xf32> to vector<1x16xf32>
      tpu.vector_store %arg8[%parallel_loop3A_160, %parallel_loop3A_161], %parallel_loop3A_164 {strides = array<i32>} : memref<96x192xf32, #tpu.memory_space<vmem>>, vector<1x16xf32>,
      %parallel_loop3A_165 = arith.index_cast %parallel_loop3A_92 : i32 to index
      %parallel_loop3A_166 = arith.constant 144 : index
      %parallel_loop3A_167 = tpu.vector_load %arg8[%parallel_loop3A_165, %parallel_loop3A_166] {strides = array<i32>} : memref<96x192xf32, #tpu.memory_space<vmem>>, vector<1x16xf32>,
      %parallel_loop3A_168 = vector.shape_cast %parallel_loop3A_167 : vector<1x16xf32> to vector<16xf32>
      %parallel_loop3A_169 = vector.shape_cast %parallel_loop3A_149 : vector<16xf32> to vector<1x16xf32>
      tpu.vector_store %arg8[%parallel_loop3A_165, %parallel_loop3A_166], %parallel_loop3A_169 {strides = array<i32>} : memref<96x192xf32, #tpu.memory_space<vmem>>, vector<1x16xf32>,
      %parallel_loop3A_170 = arith.index_cast %parallel_loop3A_92 : i32 to index
      %parallel_loop3A_171 = arith.constant 160 : index
      %parallel_loop3A_172 = tpu.vector_load %arg8[%parallel_loop3A_170, %parallel_loop3A_171] {strides = array<i32>} : memref<96x192xf32, #tpu.memory_space<vmem>>, vector<1x16xf32>,
      %parallel_loop3A_173 = vector.shape_cast %parallel_loop3A_172 : vector<1x16xf32> to vector<16xf32>
      %parallel_loop3A_174 = vector.shape_cast %parallel_loop3A_149 : vector<16xf32> to vector<1x16xf32>
      tpu.vector_store %arg8[%parallel_loop3A_170, %parallel_loop3A_171], %parallel_loop3A_174 {strides = array<i32>} : memref<96x192xf32, #tpu.memory_space<vmem>>, vector<1x16xf32>,
      %parallel_loop3A_175 = arith.index_cast %parallel_loop3A_92 : i32 to index
      %parallel_loop3A_176 = arith.constant 176 : index
      %parallel_loop3A_177 = tpu.vector_load %arg8[%parallel_loop3A_175, %parallel_loop3A_176] {strides = array<i32>} : memref<96x192xf32, #tpu.memory_space<vmem>>, vector<1x16xf32>,
      %parallel_loop3A_178 = vector.shape_cast %parallel_loop3A_177 : vector<1x16xf32> to vector<16xf32>
      %parallel_loop3A_179 = vector.shape_cast %parallel_loop3A_149 : vector<16xf32> to vector<1x16xf32>
      tpu.vector_store %arg8[%parallel_loop3A_175, %parallel_loop3A_176], %parallel_loop3A_179 {strides = array<i32>} : memref<96x192xf32, #tpu.memory_space<vmem>>, vector<1x16xf32>,
    } {sc.loop_unroll_factor = 4 : i64, sc.parallel_access}
    %add3A_44 = arith.constant 96 : i32
    %add3A_45 = arith.addi %mul3A_2, %add3A_44 : i32
    %dma_start3A_46 = arith.constant 0 : i32
    %dma_start3A_47 = tpu.memref_slice %arg3[%add3A_45, %dma_start3A_46] : memref<294912x192xf32, #tpu.memory_space<hbm>> -> memref<96x192xf32, #tpu.memory_space<hbm>>
    %dma_start3A_48 = arith.constant 0 : i32
    %dma_start3A_49 = tpu.memref_slice %arg3[%add3A_45, %dma_start3A_48] : memref<294912x192xf32, #tpu.memory_space<hbm>> -> memref<96x192xf32, #tpu.memory_space<hbm>>
    tpu.enqueue_dma source(%arg8 : memref<96x192xf32, #tpu.memory_space<vmem>>) target(%dma_start3A_49 : memref<96x192xf32, #tpu.memory_space<hbm>>) target_semaphore(%arg14 : memref<!tpu.dma_semaphore, #tpu.memory_space<semaphore_mem>>)
    %add3A_50 = arith.constant 384 : i32
    %add3A_51 = arith.addi %mul3A_2, %add3A_50 : i32
    %dma_start3A_52 = arith.constant 0 : i32
    %dma_start3A_53 = tpu.memref_slice %arg2[%add3A_51, %dma_start3A_52] : memref<294912x96xf32, #tpu.memory_space<hbm>> -> memref<96x96xf32, #tpu.memory_space<hbm>>
    %dma_start3A_54 = arith.constant 0 : i32
    %dma_start3A_55 = tpu.memref_slice %arg2[%add3A_51, %dma_start3A_54] : memref<294912x96xf32, #tpu.memory_space<hbm>> -> memref<96x96xf32, #tpu.memory_space<hbm>>
    tpu.enqueue_dma source(%dma_start3A_55 : memref<96x96xf32, #tpu.memory_space<hbm>>) target(%arg5 : memref<96x96xf32, #tpu.memory_space<vmem>>) target_semaphore(%arg11 : memref<!tpu.dma_semaphore, #tpu.memory_space<semaphore_mem>>)
    %dma_wait3A_56 = arith.constant 0 : i32
    %dma_wait3A_57 = tpu.memref_slice %arg2[%mul3A_2, %dma_wait3A_56] : memref<294912x96xf32, #tpu.memory_space<hbm>> -> memref<96x96xf32, #tpu.memory_space<hbm>>
    %dma_wait3A_58 = arith.constant 0 : i32
    %dma_wait3A_59 = tpu.memref_slice %arg2[%mul3A_2, %dma_wait3A_58] : memref<294912x96xf32, #tpu.memory_space<hbm>> -> memref<96x96xf32, #tpu.memory_space<hbm>>
    tpu.wait_dma2 semaphore(%arg12 : memref<!tpu.dma_semaphore, #tpu.memory_space<semaphore_mem>>) src(%dma_wait3A_59 : memref<96x96xf32, #tpu.memory_space<hbm>>) dst(%arg6 : memref<96x96xf32, #tpu.memory_space<vmem>>)
    %parallel_loop3A_60 = arith.constant 0 : i32
    %parallel_loop3A_61 = arith.constant 96 : i32
    %parallel_loop3A_62 = arith.constant 1 : i32
    scf.for %parallel_loop3A_92 = %parallel_loop3A_60 to %parallel_loop3A_61 step %parallel_loop3A_62  : i32 {
      %parallel_loop3A_93 = arith.index_cast %parallel_loop3A_92 : i32 to index
      %parallel_loop3A_94 = arith.constant 80 : index
      %parallel_loop3A_95 = tpu.vector_load %arg6[%parallel_loop3A_93, %parallel_loop3A_94] {strides = array<i32>} : memref<96x96xf32, #tpu.memory_space<vmem>>, vector<1x16xf32>,
      %parallel_loop3A_96 = vector.shape_cast %parallel_loop3A_95 : vector<1x16xf32> to vector<16xf32>
      %parallel_loop3A_97 = arith.index_cast %parallel_loop3A_92 : i32 to index
      %parallel_loop3A_98 = arith.constant 0 : index
      %parallel_loop3A_99 = tpu.vector_load %arg6[%parallel_loop3A_97, %parallel_loop3A_98] {strides = array<i32>} : memref<96x96xf32, #tpu.memory_space<vmem>>, vector<1x16xf32>,
      %parallel_loop3A_100 = vector.shape_cast %parallel_loop3A_99 : vector<1x16xf32> to vector<16xf32>
      %parallel_loop3A_101 = arith.index_cast %parallel_loop3A_92 : i32 to index
      %parallel_loop3A_102 = arith.constant 0 : index
      %parallel_loop3A_103 = tpu.vector_load %arg9[%parallel_loop3A_101, %parallel_loop3A_102] {strides = array<i32>} : memref<96x192xf32, #tpu.memory_space<vmem>>, vector<1x16xf32>,
      %parallel_loop3A_104 = vector.shape_cast %parallel_loop3A_103 : vector<1x16xf32> to vector<16xf32>
      %parallel_loop3A_105 = vector.shape_cast %parallel_loop3A_100 : vector<16xf32> to vector<1x16xf32>
      tpu.vector_store %arg9[%parallel_loop3A_101, %parallel_loop3A_102], %parallel_loop3A_105 {strides = array<i32>} : memref<96x192xf32, #tpu.memory_space<vmem>>, vector<1x16xf32>,
      %parallel_loop3A_106 = arith.index_cast %parallel_loop3A_92 : i32 to index
      %parallel_loop3A_107 = arith.constant 16 : index
      %parallel_loop3A_108 = tpu.vector_load %arg6[%parallel_loop3A_106, %parallel_loop3A_107] {strides = array<i32>} : memref<96x96xf32, #tpu.memory_space<vmem>>, vector<1x16xf32>,
      %parallel_loop3A_109 = vector.shape_cast %parallel_loop3A_108 : vector<1x16xf32> to vector<16xf32>
      %parallel_loop3A_110 = arith.index_cast %parallel_loop3A_92 : i32 to index
      %parallel_loop3A_111 = arith.constant 16 : index
      %parallel_loop3A_112 = tpu.vector_load %arg9[%parallel_loop3A_110, %parallel_loop3A_111] {strides = array<i32>} : memref<96x192xf32, #tpu.memory_space<vmem>>, vector<1x16xf32>,
      %parallel_loop3A_113 = vector.shape_cast %parallel_loop3A_112 : vector<1x16xf32> to vector<16xf32>
      %parallel_loop3A_114 = vector.shape_cast %parallel_loop3A_109 : vector<16xf32> to vector<1x16xf32>
      tpu.vector_store %arg9[%parallel_loop3A_110, %parallel_loop3A_111], %parallel_loop3A_114 {strides = array<i32>} : memref<96x192xf32, #tpu.memory_space<vmem>>, vector<1x16xf32>,
      %parallel_loop3A_115 = arith.index_cast %parallel_loop3A_92 : i32 to index
      %parallel_loop3A_116 = arith.constant 32 : index
      %parallel_loop3A_117 = tpu.vector_load %arg6[%parallel_loop3A_115, %parallel_loop3A_116] {strides = array<i32>} : memref<96x96xf32, #tpu.memory_space<vmem>>, vector<1x16xf32>,
      %parallel_loop3A_118 = vector.shape_cast %parallel_loop3A_117 : vector<1x16xf32> to vector<16xf32>
      %parallel_loop3A_119 = arith.index_cast %parallel_loop3A_92 : i32 to index
      %parallel_loop3A_120 = arith.constant 32 : index
      %parallel_loop3A_121 = tpu.vector_load %arg9[%parallel_loop3A_119, %parallel_loop3A_120] {strides = array<i32>} : memref<96x192xf32, #tpu.memory_space<vmem>>, vector<1x16xf32>,
      %parallel_loop3A_122 = vector.shape_cast %parallel_loop3A_121 : vector<1x16xf32> to vector<16xf32>
      %parallel_loop3A_123 = vector.shape_cast %parallel_loop3A_118 : vector<16xf32> to vector<1x16xf32>
      tpu.vector_store %arg9[%parallel_loop3A_119, %parallel_loop3A_120], %parallel_loop3A_123 {strides = array<i32>} : memref<96x192xf32, #tpu.memory_space<vmem>>, vector<1x16xf32>,
      %parallel_loop3A_124 = arith.index_cast %parallel_loop3A_92 : i32 to index
      %parallel_loop3A_125 = arith.constant 48 : index
      %parallel_loop3A_126 = tpu.vector_load %arg6[%parallel_loop3A_124, %parallel_loop3A_125] {strides = array<i32>} : memref<96x96xf32, #tpu.memory_space<vmem>>, vector<1x16xf32>,
      %parallel_loop3A_127 = vector.shape_cast %parallel_loop3A_126 : vector<1x16xf32> to vector<16xf32>
      %parallel_loop3A_128 = arith.index_cast %parallel_loop3A_92 : i32 to index
      %parallel_loop3A_129 = arith.constant 48 : index
      %parallel_loop3A_130 = tpu.vector_load %arg9[%parallel_loop3A_128, %parallel_loop3A_129] {strides = array<i32>} : memref<96x192xf32, #tpu.memory_space<vmem>>, vector<1x16xf32>,
      %parallel_loop3A_131 = vector.shape_cast %parallel_loop3A_130 : vector<1x16xf32> to vector<16xf32>
      %parallel_loop3A_132 = vector.shape_cast %parallel_loop3A_127 : vector<16xf32> to vector<1x16xf32>
      tpu.vector_store %arg9[%parallel_loop3A_128, %parallel_loop3A_129], %parallel_loop3A_132 {strides = array<i32>} : memref<96x192xf32, #tpu.memory_space<vmem>>, vector<1x16xf32>,
      %parallel_loop3A_133 = arith.index_cast %parallel_loop3A_92 : i32 to index
      %parallel_loop3A_134 = arith.constant 64 : index
      %parallel_loop3A_135 = tpu.vector_load %arg6[%parallel_loop3A_133, %parallel_loop3A_134] {strides = array<i32>} : memref<96x96xf32, #tpu.memory_space<vmem>>, vector<1x16xf32>,
      %parallel_loop3A_136 = vector.shape_cast %parallel_loop3A_135 : vector<1x16xf32> to vector<16xf32>
      %parallel_loop3A_137 = arith.index_cast %parallel_loop3A_92 : i32 to index
      %parallel_loop3A_138 = arith.constant 64 : index
      %parallel_loop3A_139 = tpu.vector_load %arg9[%parallel_loop3A_137, %parallel_loop3A_138] {strides = array<i32>} : memref<96x192xf32, #tpu.memory_space<vmem>>, vector<1x16xf32>,
      %parallel_loop3A_140 = vector.shape_cast %parallel_loop3A_139 : vector<1x16xf32> to vector<16xf32>
      %parallel_loop3A_141 = vector.shape_cast %parallel_loop3A_136 : vector<16xf32> to vector<1x16xf32>
      tpu.vector_store %arg9[%parallel_loop3A_137, %parallel_loop3A_138], %parallel_loop3A_141 {strides = array<i32>} : memref<96x192xf32, #tpu.memory_space<vmem>>, vector<1x16xf32>,
      %parallel_loop3A_142 = arith.index_cast %parallel_loop3A_92 : i32 to index
      %parallel_loop3A_143 = arith.constant 80 : index
      %parallel_loop3A_144 = tpu.vector_load %arg9[%parallel_loop3A_142, %parallel_loop3A_143] {strides = array<i32>} : memref<96x192xf32, #tpu.memory_space<vmem>>, vector<1x16xf32>,
      %parallel_loop3A_145 = vector.shape_cast %parallel_loop3A_144 : vector<1x16xf32> to vector<16xf32>
      %parallel_loop3A_146 = vector.shape_cast %parallel_loop3A_96 : vector<16xf32> to vector<1x16xf32>
      tpu.vector_store %arg9[%parallel_loop3A_142, %parallel_loop3A_143], %parallel_loop3A_146 {strides = array<i32>} : memref<96x192xf32, #tpu.memory_space<vmem>>, vector<1x16xf32>,
      %parallel_loop3A_147 = vector.extract_strided_slice %parallel_loop3A_96 {offsets = [15], sizes = [1], strides = [1]} : vector<16xf32> to vector<1xf32>
      %parallel_loop3A_148 = vector.shape_cast %parallel_loop3A_147 : vector<1xf32> to vector<1xf32>
      %parallel_loop3A_149 = vector.broadcast %parallel_loop3A_148 : vector<1xf32> to vector<16xf32>
      %parallel_loop3A_150 = arith.index_cast %parallel_loop3A_92 : i32 to index
      %parallel_loop3A_151 = arith.constant 96 : index
      %parallel_loop3A_152 = tpu.vector_load %arg9[%parallel_loop3A_150, %parallel_loop3A_151] {strides = array<i32>} : memref<96x192xf32, #tpu.memory_space<vmem>>, vector<1x16xf32>,
      %parallel_loop3A_153 = vector.shape_cast %parallel_loop3A_152 : vector<1x16xf32> to vector<16xf32>
      %parallel_loop3A_154 = vector.shape_cast %parallel_loop3A_149 : vector<16xf32> to vector<1x16xf32>
      tpu.vector_store %arg9[%parallel_loop3A_150, %parallel_loop3A_151], %parallel_loop3A_154 {strides = array<i32>} : memref<96x192xf32, #tpu.memory_space<vmem>>, vector<1x16xf32>,
      %parallel_loop3A_155 = arith.index_cast %parallel_loop3A_92 : i32 to index
      %parallel_loop3A_156 = arith.constant 112 : index
      %parallel_loop3A_157 = tpu.vector_load %arg9[%parallel_loop3A_155, %parallel_loop3A_156] {strides = array<i32>} : memref<96x192xf32, #tpu.memory_space<vmem>>, vector<1x16xf32>,
      %parallel_loop3A_158 = vector.shape_cast %parallel_loop3A_157 : vector<1x16xf32> to vector<16xf32>
      %parallel_loop3A_159 = vector.shape_cast %parallel_loop3A_149 : vector<16xf32> to vector<1x16xf32>
      tpu.vector_store %arg9[%parallel_loop3A_155, %parallel_loop3A_156], %parallel_loop3A_159 {strides = array<i32>} : memref<96x192xf32, #tpu.memory_space<vmem>>, vector<1x16xf32>,
      %parallel_loop3A_160 = arith.index_cast %parallel_loop3A_92 : i32 to index
      %parallel_loop3A_161 = arith.constant 128 : index
      %parallel_loop3A_162 = tpu.vector_load %arg9[%parallel_loop3A_160, %parallel_loop3A_161] {strides = array<i32>} : memref<96x192xf32, #tpu.memory_space<vmem>>, vector<1x16xf32>,
      %parallel_loop3A_163 = vector.shape_cast %parallel_loop3A_162 : vector<1x16xf32> to vector<16xf32>
      %parallel_loop3A_164 = vector.shape_cast %parallel_loop3A_149 : vector<16xf32> to vector<1x16xf32>
      tpu.vector_store %arg9[%parallel_loop3A_160, %parallel_loop3A_161], %parallel_loop3A_164 {strides = array<i32>} : memref<96x192xf32, #tpu.memory_space<vmem>>, vector<1x16xf32>,
      %parallel_loop3A_165 = arith.index_cast %parallel_loop3A_92 : i32 to index
      %parallel_loop3A_166 = arith.constant 144 : index
      %parallel_loop3A_167 = tpu.vector_load %arg9[%parallel_loop3A_165, %parallel_loop3A_166] {strides = array<i32>} : memref<96x192xf32, #tpu.memory_space<vmem>>, vector<1x16xf32>,
      %parallel_loop3A_168 = vector.shape_cast %parallel_loop3A_167 : vector<1x16xf32> to vector<16xf32>
      %parallel_loop3A_169 = vector.shape_cast %parallel_loop3A_149 : vector<16xf32> to vector<1x16xf32>
      tpu.vector_store %arg9[%parallel_loop3A_165, %parallel_loop3A_166], %parallel_loop3A_169 {strides = array<i32>} : memref<96x192xf32, #tpu.memory_space<vmem>>, vector<1x16xf32>,
      %parallel_loop3A_170 = arith.index_cast %parallel_loop3A_92 : i32 to index
      %parallel_loop3A_171 = arith.constant 160 : index
      %parallel_loop3A_172 = tpu.vector_load %arg9[%parallel_loop3A_170, %parallel_loop3A_171] {strides = array<i32>} : memref<96x192xf32, #tpu.memory_space<vmem>>, vector<1x16xf32>,
      %parallel_loop3A_173 = vector.shape_cast %parallel_loop3A_172 : vector<1x16xf32> to vector<16xf32>
      %parallel_loop3A_174 = vector.shape_cast %parallel_loop3A_149 : vector<16xf32> to vector<1x16xf32>
      tpu.vector_store %arg9[%parallel_loop3A_170, %parallel_loop3A_171], %parallel_loop3A_174 {strides = array<i32>} : memref<96x192xf32, #tpu.memory_space<vmem>>, vector<1x16xf32>,
      %parallel_loop3A_175 = arith.index_cast %parallel_loop3A_92 : i32 to index
      %parallel_loop3A_176 = arith.constant 176 : index
      %parallel_loop3A_177 = tpu.vector_load %arg9[%parallel_loop3A_175, %parallel_loop3A_176] {strides = array<i32>} : memref<96x192xf32, #tpu.memory_space<vmem>>, vector<1x16xf32>,
      %parallel_loop3A_178 = vector.shape_cast %parallel_loop3A_177 : vector<1x16xf32> to vector<16xf32>
      %parallel_loop3A_179 = vector.shape_cast %parallel_loop3A_149 : vector<16xf32> to vector<1x16xf32>
      tpu.vector_store %arg9[%parallel_loop3A_175, %parallel_loop3A_176], %parallel_loop3A_179 {strides = array<i32>} : memref<96x192xf32, #tpu.memory_space<vmem>>, vector<1x16xf32>,
    } {sc.loop_unroll_factor = 4 : i64, sc.parallel_access}
    %add3A_63 = arith.constant 192 : i32
    %add3A_64 = arith.addi %mul3A_2, %add3A_63 : i32
    %dma_start3A_65 = arith.constant 0 : i32
    %dma_start3A_66 = tpu.memref_slice %arg3[%add3A_64, %dma_start3A_65] : memref<294912x192xf32, #tpu.memory_space<hbm>> -> memref<96x192xf32, #tpu.memory_space<hbm>>
    %dma_start3A_67 = arith.constant 0 : i32
    %dma_start3A_68 = tpu.memref_slice %arg3[%add3A_64, %dma_start3A_67] : memref<294912x192xf32, #tpu.memory_space<hbm>> -> memref<96x192xf32, #tpu.memory_space<hbm>>
    tpu.enqueue_dma source(%arg9 : memref<96x192xf32, #tpu.memory_space<vmem>>) target(%dma_start3A_68 : memref<96x192xf32, #tpu.memory_space<hbm>>) target_semaphore(%arg15 : memref<!tpu.dma_semaphore, #tpu.memory_space<semaphore_mem>>)
    %add3A_69 = arith.constant 480 : i32
    %add3A_70 = arith.addi %mul3A_2, %add3A_69 : i32
    %dma_start3A_71 = arith.constant 0 : i32
    %dma_start3A_72 = tpu.memref_slice %arg2[%add3A_70, %dma_start3A_71] : memref<294912x96xf32, #tpu.memory_space<hbm>> -> memref<96x96xf32, #tpu.memory_space<hbm>>
    %dma_start3A_73 = arith.constant 0 : i32
    %dma_start3A_74 = tpu.memref_slice %arg2[%add3A_70, %dma_start3A_73] : memref<294912x96xf32, #tpu.memory_space<hbm>> -> memref<96x96xf32, #tpu.memory_space<hbm>>
    tpu.enqueue_dma source(%dma_start3A_74 : memref<96x96xf32, #tpu.memory_space<hbm>>) target(%arg6 : memref<96x96xf32, #tpu.memory_space<vmem>>) target_semaphore(%arg12 : memref<!tpu.dma_semaphore, #tpu.memory_space<semaphore_mem>>)
    %scan3A = arith.constant 0 : i32
    %scan3A_75 = arith.constant 1 : i32
    %scan3A_76 = arith.constant 31 : i32
    %scan3A_77 = arith.addi %scan3A_75, %scan3A_76 : i32
    %scan3A_78 = arith.constant 1 : i32
    scf.for %scan3A_92 = %scan3A_75 to %scan3A_77 step %scan3A_78  : i32 {
      %mul3A_93 = arith.constant 3 : i32
      %mul3A_94 = arith.muli %scan3A_92, %mul3A_93 : i32
      %add3A_95 = arith.constant 0 : i32
      %add3A_96 = arith.addi %mul3A_94, %add3A_95 : i32
      %dma_wait3A_97 = arith.constant 0 : i32
      %dma_wait3A_98 = tpu.memref_slice %arg2[%mul3A_2, %dma_wait3A_97] : memref<294912x96xf32, #tpu.memory_space<hbm>> -> memref<96x96xf32, #tpu.memory_space<hbm>>
      %dma_wait3A_99 = arith.constant 0 : i32
      %dma_wait3A_100 = tpu.memref_slice %arg2[%mul3A_2, %dma_wait3A_99] : memref<294912x96xf32, #tpu.memory_space<hbm>> -> memref<96x96xf32, #tpu.memory_space<hbm>>
      tpu.wait_dma2 semaphore(%arg10 : memref<!tpu.dma_semaphore, #tpu.memory_space<semaphore_mem>>) src(%dma_wait3A_100 : memref<96x96xf32, #tpu.memory_space<hbm>>) dst(%arg4 : memref<96x96xf32, #tpu.memory_space<vmem>>)
      %dma_wait3A_101 = arith.constant 0 : i32
      %dma_wait3A_102 = tpu.memref_slice %arg3[%mul3A_2, %dma_wait3A_101] : memref<294912x192xf32, #tpu.memory_space<hbm>> -> memref<96x192xf32, #tpu.memory_space<hbm>>
      %dma_wait3A_103 = arith.constant 0 : i32
      %dma_wait3A_104 = tpu.memref_slice %arg3[%mul3A_2, %dma_wait3A_103] : memref<294912x192xf32, #tpu.memory_space<hbm>> -> memref<96x192xf32, #tpu.memory_space<hbm>>
      tpu.wait_dma2 semaphore(%arg13 : memref<!tpu.dma_semaphore, #tpu.memory_space<semaphore_mem>>) src(%arg7 : memref<96x192xf32, #tpu.memory_space<vmem>>) dst(%dma_wait3A_104 : memref<96x192xf32, #tpu.memory_space<hbm>>)
      %parallel_loop3A_105 = arith.constant 0 : i32
      %parallel_loop3A_106 = arith.constant 96 : i32
      %parallel_loop3A_107 = arith.constant 1 : i32
      scf.for %parallel_loop3A_177 = %parallel_loop3A_105 to %parallel_loop3A_106 step %parallel_loop3A_107  : i32 {
        %parallel_loop3A_178 = arith.index_cast %parallel_loop3A_177 : i32 to index
        %parallel_loop3A_179 = arith.constant 80 : index
        %parallel_loop3A_180 = tpu.vector_load %arg4[%parallel_loop3A_178, %parallel_loop3A_179] {strides = array<i32>} : memref<96x96xf32, #tpu.memory_space<vmem>>, vector<1x16xf32>,
        %parallel_loop3A_181 = vector.shape_cast %parallel_loop3A_180 : vector<1x16xf32> to vector<16xf32>
        %parallel_loop3A_182 = arith.index_cast %parallel_loop3A_177 : i32 to index
        %parallel_loop3A_183 = arith.constant 0 : index
        %parallel_loop3A_184 = tpu.vector_load %arg4[%parallel_loop3A_182, %parallel_loop3A_183] {strides = array<i32>} : memref<96x96xf32, #tpu.memory_space<vmem>>, vector<1x16xf32>,
        %parallel_loop3A_185 = vector.shape_cast %parallel_loop3A_184 : vector<1x16xf32> to vector<16xf32>
        %parallel_loop3A_186 = arith.index_cast %parallel_loop3A_177 : i32 to index
        %parallel_loop3A_187 = arith.constant 0 : index
        %parallel_loop3A_188 = tpu.vector_load %arg7[%parallel_loop3A_186, %parallel_loop3A_187] {strides = array<i32>} : memref<96x192xf32, #tpu.memory_space<vmem>>, vector<1x16xf32>,
        %parallel_loop3A_189 = vector.shape_cast %parallel_loop3A_188 : vector<1x16xf32> to vector<16xf32>
        %parallel_loop3A_190 = vector.shape_cast %parallel_loop3A_185 : vector<16xf32> to vector<1x16xf32>
        tpu.vector_store %arg7[%parallel_loop3A_186, %parallel_loop3A_187], %parallel_loop3A_190 {strides = array<i32>} : memref<96x192xf32, #tpu.memory_space<vmem>>, vector<1x16xf32>,
        %parallel_loop3A_191 = arith.index_cast %parallel_loop3A_177 : i32 to index
        %parallel_loop3A_192 = arith.constant 16 : index
        %parallel_loop3A_193 = tpu.vector_load %arg4[%parallel_loop3A_191, %parallel_loop3A_192] {strides = array<i32>} : memref<96x96xf32, #tpu.memory_space<vmem>>, vector<1x16xf32>,
        %parallel_loop3A_194 = vector.shape_cast %parallel_loop3A_193 : vector<1x16xf32> to vector<16xf32>
        %parallel_loop3A_195 = arith.index_cast %parallel_loop3A_177 : i32 to index
        %parallel_loop3A_196 = arith.constant 16 : index
        %parallel_loop3A_197 = tpu.vector_load %arg7[%parallel_loop3A_195, %parallel_loop3A_196] {strides = array<i32>} : memref<96x192xf32, #tpu.memory_space<vmem>>, vector<1x16xf32>,
        %parallel_loop3A_198 = vector.shape_cast %parallel_loop3A_197 : vector<1x16xf32> to vector<16xf32>
        %parallel_loop3A_199 = vector.shape_cast %parallel_loop3A_194 : vector<16xf32> to vector<1x16xf32>
        tpu.vector_store %arg7[%parallel_loop3A_195, %parallel_loop3A_196], %parallel_loop3A_199 {strides = array<i32>} : memref<96x192xf32, #tpu.memory_space<vmem>>, vector<1x16xf32>,
        %parallel_loop3A_200 = arith.index_cast %parallel_loop3A_177 : i32 to index
        %parallel_loop3A_201 = arith.constant 32 : index
        %parallel_loop3A_202 = tpu.vector_load %arg4[%parallel_loop3A_200, %parallel_loop3A_201] {strides = array<i32>} : memref<96x96xf32, #tpu.memory_space<vmem>>, vector<1x16xf32>,
        %parallel_loop3A_203 = vector.shape_cast %parallel_loop3A_202 : vector<1x16xf32> to vector<16xf32>
        %parallel_loop3A_204 = arith.index_cast %parallel_loop3A_177 : i32 to index
        %parallel_loop3A_205 = arith.constant 32 : index
        %parallel_loop3A_206 = tpu.vector_load %arg7[%parallel_loop3A_204, %parallel_loop3A_205] {strides = array<i32>} : memref<96x192xf32, #tpu.memory_space<vmem>>, vector<1x16xf32>,
        %parallel_loop3A_207 = vector.shape_cast %parallel_loop3A_206 : vector<1x16xf32> to vector<16xf32>
        %parallel_loop3A_208 = vector.shape_cast %parallel_loop3A_203 : vector<16xf32> to vector<1x16xf32>
        tpu.vector_store %arg7[%parallel_loop3A_204, %parallel_loop3A_205], %parallel_loop3A_208 {strides = array<i32>} : memref<96x192xf32, #tpu.memory_space<vmem>>, vector<1x16xf32>,
        %parallel_loop3A_209 = arith.index_cast %parallel_loop3A_177 : i32 to index
        %parallel_loop3A_210 = arith.constant 48 : index
        %parallel_loop3A_211 = tpu.vector_load %arg4[%parallel_loop3A_209, %parallel_loop3A_210] {strides = array<i32>} : memref<96x96xf32, #tpu.memory_space<vmem>>, vector<1x16xf32>,
        %parallel_loop3A_212 = vector.shape_cast %parallel_loop3A_211 : vector<1x16xf32> to vector<16xf32>
        %parallel_loop3A_213 = arith.index_cast %parallel_loop3A_177 : i32 to index
        %parallel_loop3A_214 = arith.constant 48 : index
        %parallel_loop3A_215 = tpu.vector_load %arg7[%parallel_loop3A_213, %parallel_loop3A_214] {strides = array<i32>} : memref<96x192xf32, #tpu.memory_space<vmem>>, vector<1x16xf32>,
        %parallel_loop3A_216 = vector.shape_cast %parallel_loop3A_215 : vector<1x16xf32> to vector<16xf32>
        %parallel_loop3A_217 = vector.shape_cast %parallel_loop3A_212 : vector<16xf32> to vector<1x16xf32>
        tpu.vector_store %arg7[%parallel_loop3A_213, %parallel_loop3A_214], %parallel_loop3A_217 {strides = array<i32>} : memref<96x192xf32, #tpu.memory_space<vmem>>, vector<1x16xf32>,
        %parallel_loop3A_218 = arith.index_cast %parallel_loop3A_177 : i32 to index
        %parallel_loop3A_219 = arith.constant 64 : index
        %parallel_loop3A_220 = tpu.vector_load %arg4[%parallel_loop3A_218, %parallel_loop3A_219] {strides = array<i32>} : memref<96x96xf32, #tpu.memory_space<vmem>>, vector<1x16xf32>,
        %parallel_loop3A_221 = vector.shape_cast %parallel_loop3A_220 : vector<1x16xf32> to vector<16xf32>
        %parallel_loop3A_222 = arith.index_cast %parallel_loop3A_177 : i32 to index
        %parallel_loop3A_223 = arith.constant 64 : index
        %parallel_loop3A_224 = tpu.vector_load %arg7[%parallel_loop3A_222, %parallel_loop3A_223] {strides = array<i32>} : memref<96x192xf32, #tpu.memory_space<vmem>>, vector<1x16xf32>,
        %parallel_loop3A_225 = vector.shape_cast %parallel_loop3A_224 : vector<1x16xf32> to vector<16xf32>
        %parallel_loop3A_226 = vector.shape_cast %parallel_loop3A_221 : vector<16xf32> to vector<1x16xf32>
        tpu.vector_store %arg7[%parallel_loop3A_222, %parallel_loop3A_223], %parallel_loop3A_226 {strides = array<i32>} : memref<96x192xf32, #tpu.memory_space<vmem>>, vector<1x16xf32>,
        %parallel_loop3A_227 = arith.index_cast %parallel_loop3A_177 : i32 to index
        %parallel_loop3A_228 = arith.constant 80 : index
        %parallel_loop3A_229 = tpu.vector_load %arg7[%parallel_loop3A_227, %parallel_loop3A_228] {strides = array<i32>} : memref<96x192xf32, #tpu.memory_space<vmem>>, vector<1x16xf32>,
        %parallel_loop3A_230 = vector.shape_cast %parallel_loop3A_229 : vector<1x16xf32> to vector<16xf32>
        %parallel_loop3A_231 = vector.shape_cast %parallel_loop3A_181 : vector<16xf32> to vector<1x16xf32>
        tpu.vector_store %arg7[%parallel_loop3A_227, %parallel_loop3A_228], %parallel_loop3A_231 {strides = array<i32>} : memref<96x192xf32, #tpu.memory_space<vmem>>, vector<1x16xf32>,
        %parallel_loop3A_232 = vector.extract_strided_slice %parallel_loop3A_181 {offsets = [15], sizes = [1], strides = [1]} : vector<16xf32> to vector<1xf32>
        %parallel_loop3A_233 = vector.shape_cast %parallel_loop3A_232 : vector<1xf32> to vector<1xf32>
        %parallel_loop3A_234 = vector.broadcast %parallel_loop3A_233 : vector<1xf32> to vector<16xf32>
        %parallel_loop3A_235 = arith.index_cast %parallel_loop3A_177 : i32 to index
        %parallel_loop3A_236 = arith.constant 96 : index
        %parallel_loop3A_237 = tpu.vector_load %arg7[%parallel_loop3A_235, %parallel_loop3A_236] {strides = array<i32>} : memref<96x192xf32, #tpu.memory_space<vmem>>, vector<1x16xf32>,
        %parallel_loop3A_238 = vector.shape_cast %parallel_loop3A_237 : vector<1x16xf32> to vector<16xf32>
        %parallel_loop3A_239 = vector.shape_cast %parallel_loop3A_234 : vector<16xf32> to vector<1x16xf32>
        tpu.vector_store %arg7[%parallel_loop3A_235, %parallel_loop3A_236], %parallel_loop3A_239 {strides = array<i32>} : memref<96x192xf32, #tpu.memory_space<vmem>>, vector<1x16xf32>,
        %parallel_loop3A_240 = arith.index_cast %parallel_loop3A_177 : i32 to index
        %parallel_loop3A_241 = arith.constant 112 : index
        %parallel_loop3A_242 = tpu.vector_load %arg7[%parallel_loop3A_240, %parallel_loop3A_241] {strides = array<i32>} : memref<96x192xf32, #tpu.memory_space<vmem>>, vector<1x16xf32>,
        %parallel_loop3A_243 = vector.shape_cast %parallel_loop3A_242 : vector<1x16xf32> to vector<16xf32>
        %parallel_loop3A_244 = vector.shape_cast %parallel_loop3A_234 : vector<16xf32> to vector<1x16xf32>
        tpu.vector_store %arg7[%parallel_loop3A_240, %parallel_loop3A_241], %parallel_loop3A_244 {strides = array<i32>} : memref<96x192xf32, #tpu.memory_space<vmem>>, vector<1x16xf32>,
        %parallel_loop3A_245 = arith.index_cast %parallel_loop3A_177 : i32 to index
        %parallel_loop3A_246 = arith.constant 128 : index
        %parallel_loop3A_247 = tpu.vector_load %arg7[%parallel_loop3A_245, %parallel_loop3A_246] {strides = array<i32>} : memref<96x192xf32, #tpu.memory_space<vmem>>, vector<1x16xf32>,
        %parallel_loop3A_248 = vector.shape_cast %parallel_loop3A_247 : vector<1x16xf32> to vector<16xf32>
        %parallel_loop3A_249 = vector.shape_cast %parallel_loop3A_234 : vector<16xf32> to vector<1x16xf32>
        tpu.vector_store %arg7[%parallel_loop3A_245, %parallel_loop3A_246], %parallel_loop3A_249 {strides = array<i32>} : memref<96x192xf32, #tpu.memory_space<vmem>>, vector<1x16xf32>,
        %parallel_loop3A_250 = arith.index_cast %parallel_loop3A_177 : i32 to index
        %parallel_loop3A_251 = arith.constant 144 : index
        %parallel_loop3A_252 = tpu.vector_load %arg7[%parallel_loop3A_250, %parallel_loop3A_251] {strides = array<i32>} : memref<96x192xf32, #tpu.memory_space<vmem>>, vector<1x16xf32>,
        %parallel_loop3A_253 = vector.shape_cast %parallel_loop3A_252 : vector<1x16xf32> to vector<16xf32>
        %parallel_loop3A_254 = vector.shape_cast %parallel_loop3A_234 : vector<16xf32> to vector<1x16xf32>
        tpu.vector_store %arg7[%parallel_loop3A_250, %parallel_loop3A_251], %parallel_loop3A_254 {strides = array<i32>} : memref<96x192xf32, #tpu.memory_space<vmem>>, vector<1x16xf32>,
        %parallel_loop3A_255 = arith.index_cast %parallel_loop3A_177 : i32 to index
        %parallel_loop3A_256 = arith.constant 160 : index
        %parallel_loop3A_257 = tpu.vector_load %arg7[%parallel_loop3A_255, %parallel_loop3A_256] {strides = array<i32>} : memref<96x192xf32, #tpu.memory_space<vmem>>, vector<1x16xf32>,
        %parallel_loop3A_258 = vector.shape_cast %parallel_loop3A_257 : vector<1x16xf32> to vector<16xf32>
        %parallel_loop3A_259 = vector.shape_cast %parallel_loop3A_234 : vector<16xf32> to vector<1x16xf32>
        tpu.vector_store %arg7[%parallel_loop3A_255, %parallel_loop3A_256], %parallel_loop3A_259 {strides = array<i32>} : memref<96x192xf32, #tpu.memory_space<vmem>>, vector<1x16xf32>,
        %parallel_loop3A_260 = arith.index_cast %parallel_loop3A_177 : i32 to index
        %parallel_loop3A_261 = arith.constant 176 : index
        %parallel_loop3A_262 = tpu.vector_load %arg7[%parallel_loop3A_260, %parallel_loop3A_261] {strides = array<i32>} : memref<96x192xf32, #tpu.memory_space<vmem>>, vector<1x16xf32>,
        %parallel_loop3A_263 = vector.shape_cast %parallel_loop3A_262 : vector<1x16xf32> to vector<16xf32>
        %parallel_loop3A_264 = vector.shape_cast %parallel_loop3A_234 : vector<16xf32> to vector<1x16xf32>
        tpu.vector_store %arg7[%parallel_loop3A_260, %parallel_loop3A_261], %parallel_loop3A_264 {strides = array<i32>} : memref<96x192xf32, #tpu.memory_space<vmem>>, vector<1x16xf32>,
      } {sc.loop_unroll_factor = 4 : i64, sc.parallel_access}
      %mul3A_108 = arith.constant 96 : i32
      %mul3A_109 = arith.muli %add3A_96, %mul3A_108 : i32
      %add3A_110 = arith.addi %mul3A_2, %mul3A_109 : i32
      %dma_start3A_111 = arith.constant 0 : i32
      %dma_start3A_112 = tpu.memref_slice %arg3[%add3A_110, %dma_start3A_111] : memref<294912x192xf32, #tpu.memory_space<hbm>> -> memref<96x192xf32, #tpu.memory_space<hbm>>
      %dma_start3A_113 = arith.constant 0 : i32
      %dma_start3A_114 = tpu.memref_slice %arg3[%add3A_110, %dma_start3A_113] : memref<294912x192xf32, #tpu.memory_space<hbm>> -> memref<96x192xf32, #tpu.memory_space<hbm>>
      tpu.enqueue_dma source(%arg7 : memref<96x192xf32, #tpu.memory_space<vmem>>) target(%dma_start3A_114 : memref<96x192xf32, #tpu.memory_space<hbm>>) target_semaphore(%arg13 : memref<!tpu.dma_semaphore, #tpu.memory_space<semaphore_mem>>)
      %add3A_115 = arith.constant 3 : i32
      %add3A_116 = arith.addi %add3A_96, %add3A_115 : i32
      %lt3A = arith.constant 96 : i32
      %lt3A_117 = arith.cmpi slt, %add3A_116, %lt3A : i32
      %convert_element_type3A = arith.extui %lt3A_117 : i1 to i32
      %cond3A = arith.constant 0 : i32
      %cond3A_118 = arith.cmpi ne, %convert_element_type3A, %cond3A : i32
      scf.if %cond3A_118 {
        %add3A_177 = arith.constant 3 : i32
        %add3A_178 = arith.addi %add3A_96, %add3A_177 : i32
        %mul3A_179 = arith.constant 96 : i32
        %mul3A_180 = arith.muli %add3A_178, %mul3A_179 : i32
        %add3A_181 = arith.addi %mul3A_2, %mul3A_180 : i32
        %dma_start3A_182 = arith.constant 0 : i32
        %dma_start3A_183 = tpu.memref_slice %arg2[%add3A_181, %dma_start3A_182] : memref<294912x96xf32, #tpu.memory_space<hbm>> -> memref<96x96xf32, #tpu.memory_space<hbm>>
        %dma_start3A_184 = arith.constant 0 : i32
        %dma_start3A_185 = tpu.memref_slice %arg2[%add3A_181, %dma_start3A_184] : memref<294912x96xf32, #tpu.memory_space<hbm>> -> memref<96x96xf32, #tpu.memory_space<hbm>>
        tpu.enqueue_dma source(%dma_start3A_185 : memref<96x96xf32, #tpu.memory_space<hbm>>) target(%arg4 : memref<96x96xf32, #tpu.memory_space<vmem>>) target_semaphore(%arg10 : memref<!tpu.dma_semaphore, #tpu.memory_space<semaphore_mem>>)
      } else {
      }
      %mul3A_119 = arith.constant 3 : i32
      %mul3A_120 = arith.muli %scan3A_92, %mul3A_119 : i32
      %add3A_121 = arith.constant 1 : i32
      %add3A_122 = arith.addi %mul3A_120, %add3A_121 : i32
      %dma_wait3A_123 = arith.constant 0 : i32
      %dma_wait3A_124 = tpu.memref_slice %arg2[%mul3A_2, %dma_wait3A_123] : memref<294912x96xf32, #tpu.memory_space<hbm>> -> memref<96x96xf32, #tpu.memory_space<hbm>>
      %dma_wait3A_125 = arith.constant 0 : i32
      %dma_wait3A_126 = tpu.memref_slice %arg2[%mul3A_2, %dma_wait3A_125] : memref<294912x96xf32, #tpu.memory_space<hbm>> -> memref<96x96xf32, #tpu.memory_space<hbm>>
      tpu.wait_dma2 semaphore(%arg11 : memref<!tpu.dma_semaphore, #tpu.memory_space<semaphore_mem>>) src(%dma_wait3A_126 : memref<96x96xf32, #tpu.memory_space<hbm>>) dst(%arg5 : memref<96x96xf32, #tpu.memory_space<vmem>>)
      %dma_wait3A_127 = arith.constant 0 : i32
      %dma_wait3A_128 = tpu.memref_slice %arg3[%mul3A_2, %dma_wait3A_127] : memref<294912x192xf32, #tpu.memory_space<hbm>> -> memref<96x192xf32, #tpu.memory_space<hbm>>
      %dma_wait3A_129 = arith.constant 0 : i32
      %dma_wait3A_130 = tpu.memref_slice %arg3[%mul3A_2, %dma_wait3A_129] : memref<294912x192xf32, #tpu.memory_space<hbm>> -> memref<96x192xf32, #tpu.memory_space<hbm>>
      tpu.wait_dma2 semaphore(%arg14 : memref<!tpu.dma_semaphore, #tpu.memory_space<semaphore_mem>>) src(%arg8 : memref<96x192xf32, #tpu.memory_space<vmem>>) dst(%dma_wait3A_130 : memref<96x192xf32, #tpu.memory_space<hbm>>)
      %parallel_loop3A_131 = arith.constant 0 : i32
      %parallel_loop3A_132 = arith.constant 96 : i32
      %parallel_loop3A_133 = arith.constant 1 : i32
      scf.for %parallel_loop3A_177 = %parallel_loop3A_131 to %parallel_loop3A_132 step %parallel_loop3A_133  : i32 {
        %parallel_loop3A_178 = arith.index_cast %parallel_loop3A_177 : i32 to index
        %parallel_loop3A_179 = arith.constant 80 : index
        %parallel_loop3A_180 = tpu.vector_load %arg5[%parallel_loop3A_178, %parallel_loop3A_179] {strides = array<i32>} : memref<96x96xf32, #tpu.memory_space<vmem>>, vector<1x16xf32>,
        %parallel_loop3A_181 = vector.shape_cast %parallel_loop3A_180 : vector<1x16xf32> to vector<16xf32>
        %parallel_loop3A_182 = arith.index_cast %parallel_loop3A_177 : i32 to index
        %parallel_loop3A_183 = arith.constant 0 : index
        %parallel_loop3A_184 = tpu.vector_load %arg5[%parallel_loop3A_182, %parallel_loop3A_183] {strides = array<i32>} : memref<96x96xf32, #tpu.memory_space<vmem>>, vector<1x16xf32>,
        %parallel_loop3A_185 = vector.shape_cast %parallel_loop3A_184 : vector<1x16xf32> to vector<16xf32>
        %parallel_loop3A_186 = arith.index_cast %parallel_loop3A_177 : i32 to index
        %parallel_loop3A_187 = arith.constant 0 : index
        %parallel_loop3A_188 = tpu.vector_load %arg8[%parallel_loop3A_186, %parallel_loop3A_187] {strides = array<i32>} : memref<96x192xf32, #tpu.memory_space<vmem>>, vector<1x16xf32>,
        %parallel_loop3A_189 = vector.shape_cast %parallel_loop3A_188 : vector<1x16xf32> to vector<16xf32>
        %parallel_loop3A_190 = vector.shape_cast %parallel_loop3A_185 : vector<16xf32> to vector<1x16xf32>
        tpu.vector_store %arg8[%parallel_loop3A_186, %parallel_loop3A_187], %parallel_loop3A_190 {strides = array<i32>} : memref<96x192xf32, #tpu.memory_space<vmem>>, vector<1x16xf32>,
        %parallel_loop3A_191 = arith.index_cast %parallel_loop3A_177 : i32 to index
        %parallel_loop3A_192 = arith.constant 16 : index
        %parallel_loop3A_193 = tpu.vector_load %arg5[%parallel_loop3A_191, %parallel_loop3A_192] {strides = array<i32>} : memref<96x96xf32, #tpu.memory_space<vmem>>, vector<1x16xf32>,
        %parallel_loop3A_194 = vector.shape_cast %parallel_loop3A_193 : vector<1x16xf32> to vector<16xf32>
        %parallel_loop3A_195 = arith.index_cast %parallel_loop3A_177 : i32 to index
        %parallel_loop3A_196 = arith.constant 16 : index
        %parallel_loop3A_197 = tpu.vector_load %arg8[%parallel_loop3A_195, %parallel_loop3A_196] {strides = array<i32>} : memref<96x192xf32, #tpu.memory_space<vmem>>, vector<1x16xf32>,
        %parallel_loop3A_198 = vector.shape_cast %parallel_loop3A_197 : vector<1x16xf32> to vector<16xf32>
        %parallel_loop3A_199 = vector.shape_cast %parallel_loop3A_194 : vector<16xf32> to vector<1x16xf32>
        tpu.vector_store %arg8[%parallel_loop3A_195, %parallel_loop3A_196], %parallel_loop3A_199 {strides = array<i32>} : memref<96x192xf32, #tpu.memory_space<vmem>>, vector<1x16xf32>,
        %parallel_loop3A_200 = arith.index_cast %parallel_loop3A_177 : i32 to index
        %parallel_loop3A_201 = arith.constant 32 : index
        %parallel_loop3A_202 = tpu.vector_load %arg5[%parallel_loop3A_200, %parallel_loop3A_201] {strides = array<i32>} : memref<96x96xf32, #tpu.memory_space<vmem>>, vector<1x16xf32>,
        %parallel_loop3A_203 = vector.shape_cast %parallel_loop3A_202 : vector<1x16xf32> to vector<16xf32>
        %parallel_loop3A_204 = arith.index_cast %parallel_loop3A_177 : i32 to index
        %parallel_loop3A_205 = arith.constant 32 : index
        %parallel_loop3A_206 = tpu.vector_load %arg8[%parallel_loop3A_204, %parallel_loop3A_205] {strides = array<i32>} : memref<96x192xf32, #tpu.memory_space<vmem>>, vector<1x16xf32>,
        %parallel_loop3A_207 = vector.shape_cast %parallel_loop3A_206 : vector<1x16xf32> to vector<16xf32>
        %parallel_loop3A_208 = vector.shape_cast %parallel_loop3A_203 : vector<16xf32> to vector<1x16xf32>
        tpu.vector_store %arg8[%parallel_loop3A_204, %parallel_loop3A_205], %parallel_loop3A_208 {strides = array<i32>} : memref<96x192xf32, #tpu.memory_space<vmem>>, vector<1x16xf32>,
        %parallel_loop3A_209 = arith.index_cast %parallel_loop3A_177 : i32 to index
        %parallel_loop3A_210 = arith.constant 48 : index
        %parallel_loop3A_211 = tpu.vector_load %arg5[%parallel_loop3A_209, %parallel_loop3A_210] {strides = array<i32>} : memref<96x96xf32, #tpu.memory_space<vmem>>, vector<1x16xf32>,
        %parallel_loop3A_212 = vector.shape_cast %parallel_loop3A_211 : vector<1x16xf32> to vector<16xf32>
        %parallel_loop3A_213 = arith.index_cast %parallel_loop3A_177 : i32 to index
        %parallel_loop3A_214 = arith.constant 48 : index
        %parallel_loop3A_215 = tpu.vector_load %arg8[%parallel_loop3A_213, %parallel_loop3A_214] {strides = array<i32>} : memref<96x192xf32, #tpu.memory_space<vmem>>, vector<1x16xf32>,
        %parallel_loop3A_216 = vector.shape_cast %parallel_loop3A_215 : vector<1x16xf32> to vector<16xf32>
        %parallel_loop3A_217 = vector.shape_cast %parallel_loop3A_212 : vector<16xf32> to vector<1x16xf32>
        tpu.vector_store %arg8[%parallel_loop3A_213, %parallel_loop3A_214], %parallel_loop3A_217 {strides = array<i32>} : memref<96x192xf32, #tpu.memory_space<vmem>>, vector<1x16xf32>,
        %parallel_loop3A_218 = arith.index_cast %parallel_loop3A_177 : i32 to index
        %parallel_loop3A_219 = arith.constant 64 : index
        %parallel_loop3A_220 = tpu.vector_load %arg5[%parallel_loop3A_218, %parallel_loop3A_219] {strides = array<i32>} : memref<96x96xf32, #tpu.memory_space<vmem>>, vector<1x16xf32>,
        %parallel_loop3A_221 = vector.shape_cast %parallel_loop3A_220 : vector<1x16xf32> to vector<16xf32>
        %parallel_loop3A_222 = arith.index_cast %parallel_loop3A_177 : i32 to index
        %parallel_loop3A_223 = arith.constant 64 : index
        %parallel_loop3A_224 = tpu.vector_load %arg8[%parallel_loop3A_222, %parallel_loop3A_223] {strides = array<i32>} : memref<96x192xf32, #tpu.memory_space<vmem>>, vector<1x16xf32>,
        %parallel_loop3A_225 = vector.shape_cast %parallel_loop3A_224 : vector<1x16xf32> to vector<16xf32>
        %parallel_loop3A_226 = vector.shape_cast %parallel_loop3A_221 : vector<16xf32> to vector<1x16xf32>
        tpu.vector_store %arg8[%parallel_loop3A_222, %parallel_loop3A_223], %parallel_loop3A_226 {strides = array<i32>} : memref<96x192xf32, #tpu.memory_space<vmem>>, vector<1x16xf32>,
        %parallel_loop3A_227 = arith.index_cast %parallel_loop3A_177 : i32 to index
        %parallel_loop3A_228 = arith.constant 80 : index
        %parallel_loop3A_229 = tpu.vector_load %arg8[%parallel_loop3A_227, %parallel_loop3A_228] {strides = array<i32>} : memref<96x192xf32, #tpu.memory_space<vmem>>, vector<1x16xf32>,
        %parallel_loop3A_230 = vector.shape_cast %parallel_loop3A_229 : vector<1x16xf32> to vector<16xf32>
        %parallel_loop3A_231 = vector.shape_cast %parallel_loop3A_181 : vector<16xf32> to vector<1x16xf32>
        tpu.vector_store %arg8[%parallel_loop3A_227, %parallel_loop3A_228], %parallel_loop3A_231 {strides = array<i32>} : memref<96x192xf32, #tpu.memory_space<vmem>>, vector<1x16xf32>,
        %parallel_loop3A_232 = vector.extract_strided_slice %parallel_loop3A_181 {offsets = [15], sizes = [1], strides = [1]} : vector<16xf32> to vector<1xf32>
        %parallel_loop3A_233 = vector.shape_cast %parallel_loop3A_232 : vector<1xf32> to vector<1xf32>
        %parallel_loop3A_234 = vector.broadcast %parallel_loop3A_233 : vector<1xf32> to vector<16xf32>
        %parallel_loop3A_235 = arith.index_cast %parallel_loop3A_177 : i32 to index
        %parallel_loop3A_236 = arith.constant 96 : index
        %parallel_loop3A_237 = tpu.vector_load %arg8[%parallel_loop3A_235, %parallel_loop3A_236] {strides = array<i32>} : memref<96x192xf32, #tpu.memory_space<vmem>>, vector<1x16xf32>,
        %parallel_loop3A_238 = vector.shape_cast %parallel_loop3A_237 : vector<1x16xf32> to vector<16xf32>
        %parallel_loop3A_239 = vector.shape_cast %parallel_loop3A_234 : vector<16xf32> to vector<1x16xf32>
        tpu.vector_store %arg8[%parallel_loop3A_235, %parallel_loop3A_236], %parallel_loop3A_239 {strides = array<i32>} : memref<96x192xf32, #tpu.memory_space<vmem>>, vector<1x16xf32>,
        %parallel_loop3A_240 = arith.index_cast %parallel_loop3A_177 : i32 to index
        %parallel_loop3A_241 = arith.constant 112 : index
        %parallel_loop3A_242 = tpu.vector_load %arg8[%parallel_loop3A_240, %parallel_loop3A_241] {strides = array<i32>} : memref<96x192xf32, #tpu.memory_space<vmem>>, vector<1x16xf32>,
        %parallel_loop3A_243 = vector.shape_cast %parallel_loop3A_242 : vector<1x16xf32> to vector<16xf32>
        %parallel_loop3A_244 = vector.shape_cast %parallel_loop3A_234 : vector<16xf32> to vector<1x16xf32>
        tpu.vector_store %arg8[%parallel_loop3A_240, %parallel_loop3A_241], %parallel_loop3A_244 {strides = array<i32>} : memref<96x192xf32, #tpu.memory_space<vmem>>, vector<1x16xf32>,
        %parallel_loop3A_245 = arith.index_cast %parallel_loop3A_177 : i32 to index
        %parallel_loop3A_246 = arith.constant 128 : index
        %parallel_loop3A_247 = tpu.vector_load %arg8[%parallel_loop3A_245, %parallel_loop3A_246] {strides = array<i32>} : memref<96x192xf32, #tpu.memory_space<vmem>>, vector<1x16xf32>,
        %parallel_loop3A_248 = vector.shape_cast %parallel_loop3A_247 : vector<1x16xf32> to vector<16xf32>
        %parallel_loop3A_249 = vector.shape_cast %parallel_loop3A_234 : vector<16xf32> to vector<1x16xf32>
        tpu.vector_store %arg8[%parallel_loop3A_245, %parallel_loop3A_246], %parallel_loop3A_249 {strides = array<i32>} : memref<96x192xf32, #tpu.memory_space<vmem>>, vector<1x16xf32>,
        %parallel_loop3A_250 = arith.index_cast %parallel_loop3A_177 : i32 to index
        %parallel_loop3A_251 = arith.constant 144 : index
        %parallel_loop3A_252 = tpu.vector_load %arg8[%parallel_loop3A_250, %parallel_loop3A_251] {strides = array<i32>} : memref<96x192xf32, #tpu.memory_space<vmem>>, vector<1x16xf32>,
        %parallel_loop3A_253 = vector.shape_cast %parallel_loop3A_252 : vector<1x16xf32> to vector<16xf32>
        %parallel_loop3A_254 = vector.shape_cast %parallel_loop3A_234 : vector<16xf32> to vector<1x16xf32>
        tpu.vector_store %arg8[%parallel_loop3A_250, %parallel_loop3A_251], %parallel_loop3A_254 {strides = array<i32>} : memref<96x192xf32, #tpu.memory_space<vmem>>, vector<1x16xf32>,
        %parallel_loop3A_255 = arith.index_cast %parallel_loop3A_177 : i32 to index
        %parallel_loop3A_256 = arith.constant 160 : index
        %parallel_loop3A_257 = tpu.vector_load %arg8[%parallel_loop3A_255, %parallel_loop3A_256] {strides = array<i32>} : memref<96x192xf32, #tpu.memory_space<vmem>>, vector<1x16xf32>,
        %parallel_loop3A_258 = vector.shape_cast %parallel_loop3A_257 : vector<1x16xf32> to vector<16xf32>
        %parallel_loop3A_259 = vector.shape_cast %parallel_loop3A_234 : vector<16xf32> to vector<1x16xf32>
        tpu.vector_store %arg8[%parallel_loop3A_255, %parallel_loop3A_256], %parallel_loop3A_259 {strides = array<i32>} : memref<96x192xf32, #tpu.memory_space<vmem>>, vector<1x16xf32>,
        %parallel_loop3A_260 = arith.index_cast %parallel_loop3A_177 : i32 to index
        %parallel_loop3A_261 = arith.constant 176 : index
        %parallel_loop3A_262 = tpu.vector_load %arg8[%parallel_loop3A_260, %parallel_loop3A_261] {strides = array<i32>} : memref<96x192xf32, #tpu.memory_space<vmem>>, vector<1x16xf32>,
        %parallel_loop3A_263 = vector.shape_cast %parallel_loop3A_262 : vector<1x16xf32> to vector<16xf32>
        %parallel_loop3A_264 = vector.shape_cast %parallel_loop3A_234 : vector<16xf32> to vector<1x16xf32>
        tpu.vector_store %arg8[%parallel_loop3A_260, %parallel_loop3A_261], %parallel_loop3A_264 {strides = array<i32>} : memref<96x192xf32, #tpu.memory_space<vmem>>, vector<1x16xf32>,
      } {sc.loop_unroll_factor = 4 : i64, sc.parallel_access}
      %mul3A_134 = arith.constant 96 : i32
      %mul3A_135 = arith.muli %add3A_122, %mul3A_134 : i32
      %add3A_136 = arith.addi %mul3A_2, %mul3A_135 : i32
      %dma_start3A_137 = arith.constant 0 : i32
      %dma_start3A_138 = tpu.memref_slice %arg3[%add3A_136, %dma_start3A_137] : memref<294912x192xf32, #tpu.memory_space<hbm>> -> memref<96x192xf32, #tpu.memory_space<hbm>>
      %dma_start3A_139 = arith.constant 0 : i32
      %dma_start3A_140 = tpu.memref_slice %arg3[%add3A_136, %dma_start3A_139] : memref<294912x192xf32, #tpu.memory_space<hbm>> -> memref<96x192xf32, #tpu.memory_space<hbm>>
      tpu.enqueue_dma source(%arg8 : memref<96x192xf32, #tpu.memory_space<vmem>>) target(%dma_start3A_140 : memref<96x192xf32, #tpu.memory_space<hbm>>) target_semaphore(%arg14 : memref<!tpu.dma_semaphore, #tpu.memory_space<semaphore_mem>>)
      %add3A_141 = arith.constant 3 : i32
      %add3A_142 = arith.addi %add3A_122, %add3A_141 : i32
      %lt3A_143 = arith.constant 96 : i32
      %lt3A_144 = arith.cmpi slt, %add3A_142, %lt3A_143 : i32
      %convert_element_type3A_145 = arith.extui %lt3A_144 : i1 to i32
      %cond3A_146 = arith.constant 0 : i32
      %cond3A_147 = arith.cmpi ne, %convert_element_type3A_145, %cond3A_146 : i32
      scf.if %cond3A_147 {
        %add3A_177 = arith.constant 3 : i32
        %add3A_178 = arith.addi %add3A_122, %add3A_177 : i32
        %mul3A_179 = arith.constant 96 : i32
        %mul3A_180 = arith.muli %add3A_178, %mul3A_179 : i32
        %add3A_181 = arith.addi %mul3A_2, %mul3A_180 : i32
        %dma_start3A_182 = arith.constant 0 : i32
        %dma_start3A_183 = tpu.memref_slice %arg2[%add3A_181, %dma_start3A_182] : memref<294912x96xf32, #tpu.memory_space<hbm>> -> memref<96x96xf32, #tpu.memory_space<hbm>>
        %dma_start3A_184 = arith.constant 0 : i32
        %dma_start3A_185 = tpu.memref_slice %arg2[%add3A_181, %dma_start3A_184] : memref<294912x96xf32, #tpu.memory_space<hbm>> -> memref<96x96xf32, #tpu.memory_space<hbm>>
        tpu.enqueue_dma source(%dma_start3A_185 : memref<96x96xf32, #tpu.memory_space<hbm>>) target(%arg5 : memref<96x96xf32, #tpu.memory_space<vmem>>) target_semaphore(%arg11 : memref<!tpu.dma_semaphore, #tpu.memory_space<semaphore_mem>>)
      } else {
      }
      %mul3A_148 = arith.constant 3 : i32
      %mul3A_149 = arith.muli %scan3A_92, %mul3A_148 : i32
      %add3A_150 = arith.constant 2 : i32
      %add3A_151 = arith.addi %mul3A_149, %add3A_150 : i32
      %dma_wait3A_152 = arith.constant 0 : i32
      %dma_wait3A_153 = tpu.memref_slice %arg2[%mul3A_2, %dma_wait3A_152] : memref<294912x96xf32, #tpu.memory_space<hbm>> -> memref<96x96xf32, #tpu.memory_space<hbm>>
      %dma_wait3A_154 = arith.constant 0 : i32
      %dma_wait3A_155 = tpu.memref_slice %arg2[%mul3A_2, %dma_wait3A_154] : memref<294912x96xf32, #tpu.memory_space<hbm>> -> memref<96x96xf32, #tpu.memory_space<hbm>>
      tpu.wait_dma2 semaphore(%arg12 : memref<!tpu.dma_semaphore, #tpu.memory_space<semaphore_mem>>) src(%dma_wait3A_155 : memref<96x96xf32, #tpu.memory_space<hbm>>) dst(%arg6 : memref<96x96xf32, #tpu.memory_space<vmem>>)
      %dma_wait3A_156 = arith.constant 0 : i32
      %dma_wait3A_157 = tpu.memref_slice %arg3[%mul3A_2, %dma_wait3A_156] : memref<294912x192xf32, #tpu.memory_space<hbm>> -> memref<96x192xf32, #tpu.memory_space<hbm>>
      %dma_wait3A_158 = arith.constant 0 : i32
      %dma_wait3A_159 = tpu.memref_slice %arg3[%mul3A_2, %dma_wait3A_158] : memref<294912x192xf32, #tpu.memory_space<hbm>> -> memref<96x192xf32, #tpu.memory_space<hbm>>
      tpu.wait_dma2 semaphore(%arg15 : memref<!tpu.dma_semaphore, #tpu.memory_space<semaphore_mem>>) src(%arg9 : memref<96x192xf32, #tpu.memory_space<vmem>>) dst(%dma_wait3A_159 : memref<96x192xf32, #tpu.memory_space<hbm>>)
      %parallel_loop3A_160 = arith.constant 0 : i32
      %parallel_loop3A_161 = arith.constant 96 : i32
      %parallel_loop3A_162 = arith.constant 1 : i32
      scf.for %parallel_loop3A_177 = %parallel_loop3A_160 to %parallel_loop3A_161 step %parallel_loop3A_162  : i32 {
        %parallel_loop3A_178 = arith.index_cast %parallel_loop3A_177 : i32 to index
        %parallel_loop3A_179 = arith.constant 80 : index
        %parallel_loop3A_180 = tpu.vector_load %arg6[%parallel_loop3A_178, %parallel_loop3A_179] {strides = array<i32>} : memref<96x96xf32, #tpu.memory_space<vmem>>, vector<1x16xf32>,
        %parallel_loop3A_181 = vector.shape_cast %parallel_loop3A_180 : vector<1x16xf32> to vector<16xf32>
        %parallel_loop3A_182 = arith.index_cast %parallel_loop3A_177 : i32 to index
        %parallel_loop3A_183 = arith.constant 0 : index
        %parallel_loop3A_184 = tpu.vector_load %arg6[%parallel_loop3A_182, %parallel_loop3A_183] {strides = array<i32>} : memref<96x96xf32, #tpu.memory_space<vmem>>, vector<1x16xf32>,
        %parallel_loop3A_185 = vector.shape_cast %parallel_loop3A_184 : vector<1x16xf32> to vector<16xf32>
        %parallel_loop3A_186 = arith.index_cast %parallel_loop3A_177 : i32 to index
        %parallel_loop3A_187 = arith.constant 0 : index
        %parallel_loop3A_188 = tpu.vector_load %arg9[%parallel_loop3A_186, %parallel_loop3A_187] {strides = array<i32>} : memref<96x192xf32, #tpu.memory_space<vmem>>, vector<1x16xf32>,
        %parallel_loop3A_189 = vector.shape_cast %parallel_loop3A_188 : vector<1x16xf32> to vector<16xf32>
        %parallel_loop3A_190 = vector.shape_cast %parallel_loop3A_185 : vector<16xf32> to vector<1x16xf32>
        tpu.vector_store %arg9[%parallel_loop3A_186, %parallel_loop3A_187], %parallel_loop3A_190 {strides = array<i32>} : memref<96x192xf32, #tpu.memory_space<vmem>>, vector<1x16xf32>,
        %parallel_loop3A_191 = arith.index_cast %parallel_loop3A_177 : i32 to index
        %parallel_loop3A_192 = arith.constant 16 : index
        %parallel_loop3A_193 = tpu.vector_load %arg6[%parallel_loop3A_191, %parallel_loop3A_192] {strides = array<i32>} : memref<96x96xf32, #tpu.memory_space<vmem>>, vector<1x16xf32>,
        %parallel_loop3A_194 = vector.shape_cast %parallel_loop3A_193 : vector<1x16xf32> to vector<16xf32>
        %parallel_loop3A_195 = arith.index_cast %parallel_loop3A_177 : i32 to index
        %parallel_loop3A_196 = arith.constant 16 : index
        %parallel_loop3A_197 = tpu.vector_load %arg9[%parallel_loop3A_195, %parallel_loop3A_196] {strides = array<i32>} : memref<96x192xf32, #tpu.memory_space<vmem>>, vector<1x16xf32>,
        %parallel_loop3A_198 = vector.shape_cast %parallel_loop3A_197 : vector<1x16xf32> to vector<16xf32>
        %parallel_loop3A_199 = vector.shape_cast %parallel_loop3A_194 : vector<16xf32> to vector<1x16xf32>
        tpu.vector_store %arg9[%parallel_loop3A_195, %parallel_loop3A_196], %parallel_loop3A_199 {strides = array<i32>} : memref<96x192xf32, #tpu.memory_space<vmem>>, vector<1x16xf32>,
        %parallel_loop3A_200 = arith.index_cast %parallel_loop3A_177 : i32 to index
        %parallel_loop3A_201 = arith.constant 32 : index
        %parallel_loop3A_202 = tpu.vector_load %arg6[%parallel_loop3A_200, %parallel_loop3A_201] {strides = array<i32>} : memref<96x96xf32, #tpu.memory_space<vmem>>, vector<1x16xf32>,
        %parallel_loop3A_203 = vector.shape_cast %parallel_loop3A_202 : vector<1x16xf32> to vector<16xf32>
        %parallel_loop3A_204 = arith.index_cast %parallel_loop3A_177 : i32 to index
        %parallel_loop3A_205 = arith.constant 32 : index
        %parallel_loop3A_206 = tpu.vector_load %arg9[%parallel_loop3A_204, %parallel_loop3A_205] {strides = array<i32>} : memref<96x192xf32, #tpu.memory_space<vmem>>, vector<1x16xf32>,
        %parallel_loop3A_207 = vector.shape_cast %parallel_loop3A_206 : vector<1x16xf32> to vector<16xf32>
        %parallel_loop3A_208 = vector.shape_cast %parallel_loop3A_203 : vector<16xf32> to vector<1x16xf32>
        tpu.vector_store %arg9[%parallel_loop3A_204, %parallel_loop3A_205], %parallel_loop3A_208 {strides = array<i32>} : memref<96x192xf32, #tpu.memory_space<vmem>>, vector<1x16xf32>,
        %parallel_loop3A_209 = arith.index_cast %parallel_loop3A_177 : i32 to index
        %parallel_loop3A_210 = arith.constant 48 : index
        %parallel_loop3A_211 = tpu.vector_load %arg6[%parallel_loop3A_209, %parallel_loop3A_210] {strides = array<i32>} : memref<96x96xf32, #tpu.memory_space<vmem>>, vector<1x16xf32>,
        %parallel_loop3A_212 = vector.shape_cast %parallel_loop3A_211 : vector<1x16xf32> to vector<16xf32>
        %parallel_loop3A_213 = arith.index_cast %parallel_loop3A_177 : i32 to index
        %parallel_loop3A_214 = arith.constant 48 : index
        %parallel_loop3A_215 = tpu.vector_load %arg9[%parallel_loop3A_213, %parallel_loop3A_214] {strides = array<i32>} : memref<96x192xf32, #tpu.memory_space<vmem>>, vector<1x16xf32>,
        %parallel_loop3A_216 = vector.shape_cast %parallel_loop3A_215 : vector<1x16xf32> to vector<16xf32>
        %parallel_loop3A_217 = vector.shape_cast %parallel_loop3A_212 : vector<16xf32> to vector<1x16xf32>
        tpu.vector_store %arg9[%parallel_loop3A_213, %parallel_loop3A_214], %parallel_loop3A_217 {strides = array<i32>} : memref<96x192xf32, #tpu.memory_space<vmem>>, vector<1x16xf32>,
        %parallel_loop3A_218 = arith.index_cast %parallel_loop3A_177 : i32 to index
        %parallel_loop3A_219 = arith.constant 64 : index
        %parallel_loop3A_220 = tpu.vector_load %arg6[%parallel_loop3A_218, %parallel_loop3A_219] {strides = array<i32>} : memref<96x96xf32, #tpu.memory_space<vmem>>, vector<1x16xf32>,
        %parallel_loop3A_221 = vector.shape_cast %parallel_loop3A_220 : vector<1x16xf32> to vector<16xf32>
        %parallel_loop3A_222 = arith.index_cast %parallel_loop3A_177 : i32 to index
        %parallel_loop3A_223 = arith.constant 64 : index
        %parallel_loop3A_224 = tpu.vector_load %arg9[%parallel_loop3A_222, %parallel_loop3A_223] {strides = array<i32>} : memref<96x192xf32, #tpu.memory_space<vmem>>, vector<1x16xf32>,
        %parallel_loop3A_225 = vector.shape_cast %parallel_loop3A_224 : vector<1x16xf32> to vector<16xf32>
        %parallel_loop3A_226 = vector.shape_cast %parallel_loop3A_221 : vector<16xf32> to vector<1x16xf32>
        tpu.vector_store %arg9[%parallel_loop3A_222, %parallel_loop3A_223], %parallel_loop3A_226 {strides = array<i32>} : memref<96x192xf32, #tpu.memory_space<vmem>>, vector<1x16xf32>,
        %parallel_loop3A_227 = arith.index_cast %parallel_loop3A_177 : i32 to index
        %parallel_loop3A_228 = arith.constant 80 : index
        %parallel_loop3A_229 = tpu.vector_load %arg9[%parallel_loop3A_227, %parallel_loop3A_228] {strides = array<i32>} : memref<96x192xf32, #tpu.memory_space<vmem>>, vector<1x16xf32>,
        %parallel_loop3A_230 = vector.shape_cast %parallel_loop3A_229 : vector<1x16xf32> to vector<16xf32>
        %parallel_loop3A_231 = vector.shape_cast %parallel_loop3A_181 : vector<16xf32> to vector<1x16xf32>
        tpu.vector_store %arg9[%parallel_loop3A_227, %parallel_loop3A_228], %parallel_loop3A_231 {strides = array<i32>} : memref<96x192xf32, #tpu.memory_space<vmem>>, vector<1x16xf32>,
        %parallel_loop3A_232 = vector.extract_strided_slice %parallel_loop3A_181 {offsets = [15], sizes = [1], strides = [1]} : vector<16xf32> to vector<1xf32>
        %parallel_loop3A_233 = vector.shape_cast %parallel_loop3A_232 : vector<1xf32> to vector<1xf32>
        %parallel_loop3A_234 = vector.broadcast %parallel_loop3A_233 : vector<1xf32> to vector<16xf32>
        %parallel_loop3A_235 = arith.index_cast %parallel_loop3A_177 : i32 to index
        %parallel_loop3A_236 = arith.constant 96 : index
        %parallel_loop3A_237 = tpu.vector_load %arg9[%parallel_loop3A_235, %parallel_loop3A_236] {strides = array<i32>} : memref<96x192xf32, #tpu.memory_space<vmem>>, vector<1x16xf32>,
        %parallel_loop3A_238 = vector.shape_cast %parallel_loop3A_237 : vector<1x16xf32> to vector<16xf32>
        %parallel_loop3A_239 = vector.shape_cast %parallel_loop3A_234 : vector<16xf32> to vector<1x16xf32>
        tpu.vector_store %arg9[%parallel_loop3A_235, %parallel_loop3A_236], %parallel_loop3A_239 {strides = array<i32>} : memref<96x192xf32, #tpu.memory_space<vmem>>, vector<1x16xf32>,
        %parallel_loop3A_240 = arith.index_cast %parallel_loop3A_177 : i32 to index
        %parallel_loop3A_241 = arith.constant 112 : index
        %parallel_loop3A_242 = tpu.vector_load %arg9[%parallel_loop3A_240, %parallel_loop3A_241] {strides = array<i32>} : memref<96x192xf32, #tpu.memory_space<vmem>>, vector<1x16xf32>,
        %parallel_loop3A_243 = vector.shape_cast %parallel_loop3A_242 : vector<1x16xf32> to vector<16xf32>
        %parallel_loop3A_244 = vector.shape_cast %parallel_loop3A_234 : vector<16xf32> to vector<1x16xf32>
        tpu.vector_store %arg9[%parallel_loop3A_240, %parallel_loop3A_241], %parallel_loop3A_244 {strides = array<i32>} : memref<96x192xf32, #tpu.memory_space<vmem>>, vector<1x16xf32>,
        %parallel_loop3A_245 = arith.index_cast %parallel_loop3A_177 : i32 to index
        %parallel_loop3A_246 = arith.constant 128 : index
        %parallel_loop3A_247 = tpu.vector_load %arg9[%parallel_loop3A_245, %parallel_loop3A_246] {strides = array<i32>} : memref<96x192xf32, #tpu.memory_space<vmem>>, vector<1x16xf32>,
        %parallel_loop3A_248 = vector.shape_cast %parallel_loop3A_247 : vector<1x16xf32> to vector<16xf32>
        %parallel_loop3A_249 = vector.shape_cast %parallel_loop3A_234 : vector<16xf32> to vector<1x16xf32>
        tpu.vector_store %arg9[%parallel_loop3A_245, %parallel_loop3A_246], %parallel_loop3A_249 {strides = array<i32>} : memref<96x192xf32, #tpu.memory_space<vmem>>, vector<1x16xf32>,
        %parallel_loop3A_250 = arith.index_cast %parallel_loop3A_177 : i32 to index
        %parallel_loop3A_251 = arith.constant 144 : index
        %parallel_loop3A_252 = tpu.vector_load %arg9[%parallel_loop3A_250, %parallel_loop3A_251] {strides = array<i32>} : memref<96x192xf32, #tpu.memory_space<vmem>>, vector<1x16xf32>,
        %parallel_loop3A_253 = vector.shape_cast %parallel_loop3A_252 : vector<1x16xf32> to vector<16xf32>
        %parallel_loop3A_254 = vector.shape_cast %parallel_loop3A_234 : vector<16xf32> to vector<1x16xf32>
        tpu.vector_store %arg9[%parallel_loop3A_250, %parallel_loop3A_251], %parallel_loop3A_254 {strides = array<i32>} : memref<96x192xf32, #tpu.memory_space<vmem>>, vector<1x16xf32>,
        %parallel_loop3A_255 = arith.index_cast %parallel_loop3A_177 : i32 to index
        %parallel_loop3A_256 = arith.constant 160 : index
        %parallel_loop3A_257 = tpu.vector_load %arg9[%parallel_loop3A_255, %parallel_loop3A_256] {strides = array<i32>} : memref<96x192xf32, #tpu.memory_space<vmem>>, vector<1x16xf32>,
        %parallel_loop3A_258 = vector.shape_cast %parallel_loop3A_257 : vector<1x16xf32> to vector<16xf32>
        %parallel_loop3A_259 = vector.shape_cast %parallel_loop3A_234 : vector<16xf32> to vector<1x16xf32>
        tpu.vector_store %arg9[%parallel_loop3A_255, %parallel_loop3A_256], %parallel_loop3A_259 {strides = array<i32>} : memref<96x192xf32, #tpu.memory_space<vmem>>, vector<1x16xf32>,
        %parallel_loop3A_260 = arith.index_cast %parallel_loop3A_177 : i32 to index
        %parallel_loop3A_261 = arith.constant 176 : index
        %parallel_loop3A_262 = tpu.vector_load %arg9[%parallel_loop3A_260, %parallel_loop3A_261] {strides = array<i32>} : memref<96x192xf32, #tpu.memory_space<vmem>>, vector<1x16xf32>,
        %parallel_loop3A_263 = vector.shape_cast %parallel_loop3A_262 : vector<1x16xf32> to vector<16xf32>
        %parallel_loop3A_264 = vector.shape_cast %parallel_loop3A_234 : vector<16xf32> to vector<1x16xf32>
        tpu.vector_store %arg9[%parallel_loop3A_260, %parallel_loop3A_261], %parallel_loop3A_264 {strides = array<i32>} : memref<96x192xf32, #tpu.memory_space<vmem>>, vector<1x16xf32>,
      } {sc.loop_unroll_factor = 4 : i64, sc.parallel_access}
      %mul3A_163 = arith.constant 96 : i32
      %mul3A_164 = arith.muli %add3A_151, %mul3A_163 : i32
      %add3A_165 = arith.addi %mul3A_2, %mul3A_164 : i32
      %dma_start3A_166 = arith.constant 0 : i32
      %dma_start3A_167 = tpu.memref_slice %arg3[%add3A_165, %dma_start3A_166] : memref<294912x192xf32, #tpu.memory_space<hbm>> -> memref<96x192xf32, #tpu.memory_space<hbm>>
      %dma_start3A_168 = arith.constant 0 : i32
      %dma_start3A_169 = tpu.memref_slice %arg3[%add3A_165, %dma_start3A_168] : memref<294912x192xf32, #tpu.memory_space<hbm>> -> memref<96x192xf32, #tpu.memory_space<hbm>>
      tpu.enqueue_dma source(%arg9 : memref<96x192xf32, #tpu.memory_space<vmem>>) target(%dma_start3A_169 : memref<96x192xf32, #tpu.memory_space<hbm>>) target_semaphore(%arg15 : memref<!tpu.dma_semaphore, #tpu.memory_space<semaphore_mem>>)
      %add3A_170 = arith.constant 3 : i32
      %add3A_171 = arith.addi %add3A_151, %add3A_170 : i32
      %lt3A_172 = arith.constant 96 : i32
      %lt3A_173 = arith.cmpi slt, %add3A_171, %lt3A_172 : i32
      %convert_element_type3A_174 = arith.extui %lt3A_173 : i1 to i32
      %cond3A_175 = arith.constant 0 : i32
      %cond3A_176 = arith.cmpi ne, %convert_element_type3A_174, %cond3A_175 : i32
      scf.if %cond3A_176 {
        %add3A_177 = arith.constant 3 : i32
        %add3A_178 = arith.addi %add3A_151, %add3A_177 : i32
        %mul3A_179 = arith.constant 96 : i32
        %mul3A_180 = arith.muli %add3A_178, %mul3A_179 : i32
        %add3A_181 = arith.addi %mul3A_2, %mul3A_180 : i32
        %dma_start3A_182 = arith.constant 0 : i32
        %dma_start3A_183 = tpu.memref_slice %arg2[%add3A_181, %dma_start3A_182] : memref<294912x96xf32, #tpu.memory_space<hbm>> -> memref<96x96xf32, #tpu.memory_space<hbm>>
        %dma_start3A_184 = arith.constant 0 : i32
        %dma_start3A_185 = tpu.memref_slice %arg2[%add3A_181, %dma_start3A_184] : memref<294912x96xf32, #tpu.memory_space<hbm>> -> memref<96x96xf32, #tpu.memory_space<hbm>>
        tpu.enqueue_dma source(%dma_start3A_185 : memref<96x96xf32, #tpu.memory_space<hbm>>) target(%arg6 : memref<96x96xf32, #tpu.memory_space<vmem>>) target_semaphore(%arg12 : memref<!tpu.dma_semaphore, #tpu.memory_space<semaphore_mem>>)
      } else {
      }
    }
    %scan3A_79 = arith.constant 31 : i32
    %dma_wait3A_80 = arith.constant 0 : i32
    %dma_wait3A_81 = tpu.memref_slice %arg3[%mul3A_2, %dma_wait3A_80] : memref<294912x192xf32, #tpu.memory_space<hbm>> -> memref<96x192xf32, #tpu.memory_space<hbm>>
    %dma_wait3A_82 = arith.constant 0 : i32
    %dma_wait3A_83 = tpu.memref_slice %arg3[%mul3A_2, %dma_wait3A_82] : memref<294912x192xf32, #tpu.memory_space<hbm>> -> memref<96x192xf32, #tpu.memory_space<hbm>>
    tpu.wait_dma2 semaphore(%arg13 : memref<!tpu.dma_semaphore, #tpu.memory_space<semaphore_mem>>) src(%arg7 : memref<96x192xf32, #tpu.memory_space<vmem>>) dst(%dma_wait3A_83 : memref<96x192xf32, #tpu.memory_space<hbm>>)
    %dma_wait3A_84 = arith.constant 0 : i32
    %dma_wait3A_85 = tpu.memref_slice %arg3[%mul3A_2, %dma_wait3A_84] : memref<294912x192xf32, #tpu.memory_space<hbm>> -> memref<96x192xf32, #tpu.memory_space<hbm>>
    %dma_wait3A_86 = arith.constant 0 : i32
    %dma_wait3A_87 = tpu.memref_slice %arg3[%mul3A_2, %dma_wait3A_86] : memref<294912x192xf32, #tpu.memory_space<hbm>> -> memref<96x192xf32, #tpu.memory_space<hbm>>
    tpu.wait_dma2 semaphore(%arg14 : memref<!tpu.dma_semaphore, #tpu.memory_space<semaphore_mem>>) src(%arg8 : memref<96x192xf32, #tpu.memory_space<vmem>>) dst(%dma_wait3A_87 : memref<96x192xf32, #tpu.memory_space<hbm>>)
    %dma_wait3A_88 = arith.constant 0 : i32
    %dma_wait3A_89 = tpu.memref_slice %arg3[%mul3A_2, %dma_wait3A_88] : memref<294912x192xf32, #tpu.memory_space<hbm>> -> memref<96x192xf32, #tpu.memory_space<hbm>>
    %dma_wait3A_90 = arith.constant 0 : i32
    %dma_wait3A_91 = tpu.memref_slice %arg3[%mul3A_2, %dma_wait3A_90] : memref<294912x192xf32, #tpu.memory_space<hbm>> -> memref<96x192xf32, #tpu.memory_space<hbm>>
    tpu.wait_dma2 semaphore(%arg15 : memref<!tpu.dma_semaphore, #tpu.memory_space<semaphore_mem>>) src(%arg9 : memref<96x192xf32, #tpu.memory_space<vmem>>) dst(%dma_wait3A_91 : memref<96x192xf32, #tpu.memory_space<hbm>>)
    return
  }
}

</mosaic_0001>

<sc_bundles>
// kernel: kernel.3.cloned.1.call-start
scs
__scs_entry_jumppad:
0x0: {  	(pc) =	sbr.rel $0x88, $3  }
0x1: {  	(tag) =	ssettag $0x0;
	lr =	simm.s32 $0x1  }
0x2: {  	[smem:$0x3FA0] =	sst lr;
	_ =	strace $0xD0000000  }
0x3: {  	_ = 	snop  }
0x4: {  	_ = 	snop  }
0x5: {  	_ = 	snop  }
0x6: {  	_ = 	snop  }
0x7: {  	_ = 	snop  }
__scs_overlays_trampoline_lowered:
0x8: {  	[smem:$0x3FAF] =	sst s0  }
0x9: {  	[smem:$0x3FB0] =	sst s1  }
0xa: {  	[smem:$0x3FB1] =	sst s2  }
0xb: {  	[smem:$0x3FB2] =	sst s3  }
0xc: {  	[smem:$0x3FB3] =	sst s4  }
0xd: {  	[smem:$0x3FB4] =	sst s5  }
0xe: {  	[smem:$0x3FB5] =	sst s6  }
0xf: {  	[smem:$0x3FB6] =	sst s7  }
0x10: {  	[smem:$0x3FB7] =	sst s8  }
0x11: {  	[smem:$0x3FB8] =	sst s9;
	s0 =	simm.s32 @!p0 $0x0  }
0x12: {  	s1 =	sld [smem:$0x3F9E];
	s0 =	simm.s32 @p0 $0x1  }
0x13: {  	[smem:$0x3FB9] =	sst s0;
	s0 =	simm.s32 @!p1 $0x0  }
0x14: {  	s2 =	sld [smem:$0x3F9D];
	s0 =	simm.s32 @p1 $0x1  }
0x15: {  	[smem:$0x3FBA] =	sst s0;
	s0 =	simm.s32 @!p2 $0x0  }
0x16: {  	s3 =	sld [smem:$0x3FDB];
	s0 =	simm.s32 @p2 $0x1  }
0x17: {  	s4 =	simm.s32 $0x1BF5;
	[smem:$0x3FBC] =	sst s0  }
0x18: {  	s0 =	sld [smem:$0x3F9F];
	_ =	swait.ge [sflag:s4], $0x0  }
0x19: {  	s7 =	sld [smem:$0x3FA0]  }
0x1a: {  	s8 =	sadd.s32 $0xFFFFE003, lr  }
0x1b: {  	s9 =	sadd.s32 $0xFFFFFEF7, lr;
	s5 =	simm.s32 $0xFFFFFFFF;
	p2 =	slt.u32 s8, $0xFFFFF086  }
0x1c: {  	p1 =	slt.u32 s9, $0xF7A;
	s5 =	simm.s32 @!p2 $0x0  }
0x1d: {  	s5 =	simm.s32 @p1 $0x1;
	p0 =	seq.s32 s7, s2  }
0x1e: {  	s7 =	smul.u32 @!p0 $0xF7A, s2;
	p2 =	seq.s32 @!p0 s5, $0x0  }
0x1f: {  	s9 =	smul.u32 $0xF7A, s1;
	s8 =	simm.s32 @!p0 $0x1BF5;
	p2 =	por !p2, p0  }
0x20: {  	[sflag:s8] =	ssyncset.s32 @!p0 $0xFFFFF086;
	s6 =	sadd.s32 @!p0 s3, s7;
	s7 =	simm.s32 @!p0 $0x108  }
0x21: {  	s3 =	sadd.s32 s3, s9;
	s6 =	sadd.s32 @!p0 $0x88, s6;
	s7 =	simm.s32 @p2 $0x1082  }
0x22: {  	[simem:s7], [sflag:s8] =	dma.local @!p0 [hbm:s6], $0xF7A  }
0x23: {  	s9 =	sor.u32 $0xD0000000, s2;
	s6 =	simm.s32 $0x108;
	_ =	swait.ge @!p0 [sflag:s8], $0x0  }
0x24: {  	s3 =	sadd.s32 $0x88, s3;
	s6 =	simm.s32 @!p1 $0x1082;
	[sflag:s4] =	ssyncset.s32 $0xFFFFF086  }
0x25: {  	[simem:s6], [sflag:s4] =	dma.local [hbm:s3], $0xF7A  }
0x26: {  	[smem:$0x3FA0] =	sst s1;
	(tag) =	ssettag s2;
	_ =	strace s9  }
0x27: {  	s1 =	sld [smem:$0x3FB0]  }
0x28: {  	s2 =	sld [smem:$0x3FB1]  }
0x29: {  	s4 =	sld [smem:$0x3FB3]  }
0x2a: {  	p0 =	seq.s32 s5, $0x0;
	s5 =	sld [smem:$0x3FB4]  }
0x2b: {  	s6 =	sld [smem:$0x3FB5]  }
0x2c: {  	s7 =	sld [smem:$0x3FB6]  }
0x2d: {  	s3 =	simm.s32 $0x108;
	s8 =	sld [smem:$0x3FB7]  }
0x2e: {  	s3 =	simm.s32 @!p0 $0x1082;
	s9 =	sld [smem:$0x3FB8]  }
0x2f: {  	lr =	sadd.s32 s0, s3;
	s0 =	sld [smem:$0x3FAF]  }
0x30: {  	s3 =	sld [smem:$0x3FB2]  }
0x31: {  	[smem:$0x3FBB] =	sst s10  }
0x32: {  	s10 =	sld [smem:$0x3FB9];
	_ =	sdelay $0x3  }
0x33: {  	p0 =	seq.s32 s10, $0x1;
	s10 =	sld [smem:$0x3FBB];
	_ =	sdelay $0x3  }
0x34: {  	[smem:$0x3FBB] =	sst s10  }
0x35: {  	s10 =	sld [smem:$0x3FBA];
	_ =	sdelay $0x3  }
0x36: {  	p1 =	seq.s32 s10, $0x1;
	s10 =	sld [smem:$0x3FBB];
	_ =	sdelay $0x3  }
0x37: {  	[smem:$0x3FBB] =	sst s10  }
0x38: {  	s10 =	sld [smem:$0x3FBC]  }
0x39: {  	_ = 	snop;
	(pc) =	sbr.ind lr, $3  }
0x3a: {  	_ = 	snop  }
0x3b: {  	_ = 	snop  }
0x3c: {  	p2 =	seq.s32 s10, $0x1;
	s10 =	sld [smem:$0x3FBB]  }
0x3d: {  	_ =	shalt  }
0x3e: {  	_ =	shalt  }
0x3f: {  	_ =	shalt  }
0x40: {  	_ =	shalt  }
0x41: {  	_ =	shalt  }
0x42: {  	_ =	shalt  }
0x43: {  	_ =	shalt  }
0x44: {  	_ =	shalt  }
0x45: {  	_ =	shalt  }
0x46: {  	_ =	shalt  }
0x47: {  	_ =	shalt  }
0x48: {  	_ =	shalt  }
0x49: {  	_ =	shalt  }
0x4a: {  	_ =	shalt  }
0x4b: {  	_ =	shalt  }
0x4c: {  	_ =	shalt  }
0x4d: {  	_ =	shalt  }
0x4e: {  	_ =	shalt  }
0x4f: {  	_ =	shalt  }
0x50: {  	_ =	shalt  }
0x51: {  	_ =	shalt  }
0x52: {  	_ =	shalt  }
0x53: {  	_ =	shalt  }
0x54: {  	_ =	shalt  }
0x55: {  	_ =	shalt  }
0x56: {  	_ =	shalt  }
0x57: {  	_ =	shalt  }
0x58: {  	_ =	shalt  }
0x59: {  	_ =	shalt  }
0x5a: {  	_ =	shalt  }
0x5b: {  	_ =	shalt  }
0x5c: {  	_ =	shalt  }
0x5d: {  	_ =	shalt  }
0x5e: {  	_ =	shalt  }
0x5f: {  	_ =	shalt  }
0x60: {  	_ =	shalt  }
0x61: {  	_ =	shalt  }
0x62: {  	_ =	shalt  }
0x63: {  	_ =	shalt  }
0x64: {  	_ =	shalt  }
0x65: {  	_ =	shalt  }
0x66: {  	_ =	shalt  }
0x67: {  	_ =	shalt  }
0x68: {  	_ =	shalt  }
0x69: {  	_ =	shalt  }
0x6a: {  	_ =	shalt  }
0x6b: {  	_ =	shalt  }
0x6c: {  	_ =	shalt  }
0x6d: {  	_ =	shalt  }
0x6e: {  	_ =	shalt  }
0x6f: {  	_ =	shalt  }
0x70: {  	_ =	shalt  }
0x71: {  	_ =	shalt  }
0x72: {  	_ =	shalt  }
0x73: {  	_ =	shalt  }
0x74: {  	_ =	shalt  }
0x75: {  	_ =	shalt  }
0x76: {  	_ =	shalt  }
0x77: {  	_ =	shalt  }
0x78: {  	_ =	shalt  }
0x79: {  	_ =	shalt  }
0x7a: {  	_ =	shalt  }
0x7b: {  	_ =	shalt  }
0x7c: {  	_ =	shalt  }
0x7d: {  	_ =	shalt  }
0x7e: {  	_ =	shalt  }
0x7f: {  	_ =	shalt  }
0x80: {  	_ =	shalt  }
0x81: {  	_ =	shalt  }
0x82: {  	_ =	shalt  }
0x83: {  	_ =	shalt  }
0x84: {  	_ =	shalt  }
0x85: {  	_ =	shalt  }
0x86: {  	_ =	shalt  }
0x87: {  	_ =	shalt  }
.Lfunc_end0:
.L_simem_size_0:
called_computation.1_lowered:
.L_overlay_start_0:
0x88: {  	s2 =	sld [smem:$0x3FD9]  }
0x89: {  	s3 =	sld [smem:$0x3FFE];
	_ =	sdelay $0x1  }
0x8a: {  	s1 =	srdreg.scid  }
0x8b: {  	s0 =	sand.u32 $0x1, s1  }
0x8c: {  	s17 =	sshll.u32 s0, $0xA;
	s2 =	sadd.s32 s3, s2  }
0x8d: {  	s2 =	sadd.s32 s2, s17  }
0x8e: {  	[smem:$0x3FC7] =	sst s2  }
0x8f: {  	_ = 	snop  }
0x90: {  	s2 =	sld [smem:$0x3FD0];
	(tm) =	ssettm $0x1  }
0x91: {  	s18 =	sld [smem:$0x3FFB];
	_ =	sdelay $0x3  }
0x92: {  	_ =	strace s18  }
0x93: {  	s3 =	sld [smem:$0x3FFC];
	_ =	sdelay $0x3  }
0x94: {  	_ =	strace s3  }
0x95: {  	s3 =	sld [smem:$0x3FFD];
	_ =	sdelay $0x3  }
0x96: {  	_ =	strace s3  }
0x97: {  	_ =	strace $0x8FFFFFFF  }
0x98: {  	s19 =	sld [smem:$0x3FDB];
	_ =	sdelay $0x1  }
0x99: {  	s4 =	simm.s32 $_scs_section_size  }
0x9a: {  	s5 =	simm.s32 $_size__tile_overlayer_lowered;
	s6 =	simm.s32 $_tile_overlayer_lowered  }
0x9b: {  	s22 =	simm.s32 $0x1BFF;
	s21 =	sshll.u32 s6, $0x1;
	s3 =	sadd.s32 s4, s19  }
0x9c: {  	s7 =	simm.s32 $0x0;
	s20 =	sshll.u32 s5, $0x1;
	s5 =	sadd.s32 s21, s3  }
0x9d: {  	[timem:s7], [sflag:s22] =	dma.local [hbm:s5], s20  }
0x9e: {  	_ =	swait.ge [sflag:s22], s20  }
0x9f: {  	s4 =	ssub.s32 $0x0, s20;
	[sflag:s22] =	ssyncset.done $0x0  }
0xa0: {  	[sflag:s22] =	ssyncadd.s32 s4;
	_ =	sdelay $0x1  }
0xa1: {  	s23 =	simm.s32 $0x1B8B  }
0xa2: {  	_ =	swait.ge [sflag:s23], $0x1  }
0xa3: {  	[sflag:s23] =	ssyncset.done $0x0  }
0xa4: {  	s25 =	simm.s32 $0x1B8E;
	s24 =	sld [smem:$0x3FFE];
	[sflag:s23] =	ssyncadd.s32 $0xFFFFFFFF  }
0xa5: {  	s26 =	simm.s32 $execute0_lowered;
	[smem:$0x3FD2] =	sst s25  }
0xa6: {  	s5 =	sshll.u32 s26, $0x1;
	_ =	strace $0x80000046;
	[dreg:$0x1] =	wrdreg $0xFFFFFFFF  }
0xa7: {  	s28 =	simm.s32 $_size_execute0_lowered;
	s3 =	sadd.s32 s3, s5;
	[dreg:$0x0] =	wrdreg $0x0  }
0xa8: {  	s5 =	sshll.u32 s28, $0x1;
	[dreg:$0x2] =	wrdreg s3  }
0xa9: {  	[dreg:$0x3] =	wrdreg s5  }
0xaa: {  	[dreg:$0x4] =	wrdreg $0xC0  }
0xab: {  	_ =	task [dreg:s7], $0x5FFFF  }
0xac: {  	[dreg:$0x1] =	wrdreg $0xFFFFFFFF  }
0xad: {  	[dreg:$0x0] =	wrdreg $0x60  }
0xae: {  	[dreg:$0x2] =	wrdreg s2  }
0xaf: {  	[dreg:$0x3] =	wrdreg s24  }
0xb0: {  	[dreg:$0x4] =	wrdreg $0x9  }
0xb1: {  	_ =	task.clear_ibuf [dreg:s7], $0x5FFFF;
	_ =	strace $0x90000046  }
0xb2: {  	s29 =	simm.s32 $0x9;
	_ =	strace $0x80000048  }
0xb3: {  	_ =	swait.ge [sflag:s29], $0x1  }
0xb4: {  	[sflag:s29] =	ssyncadd.s32 $0xFFFFFFFF  }
0xb5: {  	_ =	strace $0x90000048  }
0xb6: {  	_ =	sfence  }
0xb7: {  	s30 =	sld [smem:$0x0];
	_ =	sdelay $0x2  }
0xb8: {  	s31 =	sshll.u32 s1, $0xD;
	s1 =	sshrl.u32 s1, $0x2  }
0xb9: {  	s3 =	sand.u32 $0x4000, s31;
	s1 =	sadd.s32 s1, s30  }
0xba: {  	s0 =	sor.u32 s3, s0;
	s1 =	sshll.u32 s1, $0x11  }
0xbb: {  	s0 =	sor.u32 s1, s0  }
0xbc: {  	s0 =	sadd.s32 $0x8F2B, s0  }
0xbd: {  	[sflag:s0] =	ssyncadd.remote.s32 $0x1  }
0xbe: {  	_ =	sfence.sel $0xFFFF  }
0xbf: {  	[dreg:$0x0] =	wrdreg $0xFFFFFFFF;
	(pc) =	sbr.abs _section_cstart, $3  }
0xc0: {  	[dreg:$0x1] =	wrdreg $0xFFFFFFFF  }
0xc1: {  	_ =	task.clear_ibuf [dreg:s7], $0x2FFFF;
	_ =	strace $0x9FFFFFFF  }
0xc2: {  	(tm) =	ssettm $0x7FFFFFFF  }
0xc3: {  	_ =	shalt  }
tec
execute0_lowered:
.L_overlay_start_1:
0x0: {  	(tag) =	ssettag $0x1  }
0x1: {  	s0 =	srdreg.scid;
	s1 =	stileid.u32  }
0x2: {  	s0 =	sand.u32 $0x1, s0;
	s1 =	sshll.u32 s1, $0x1  }
0x3: {  	s1 =	sor.u32 s0, s1  }
0x4: {  	s9 =	rddreg [dreg:$0x0];
	s10 =	smul.u32 $0x2400, s1  }
0x5: {  	s2 =	rddreg [dreg:$0x1];
	s3 =	simm.s32 $0x0;
	s7 =	smul.u32 $0x24000, s1  }
0x6: {  	[smem:$0x7FF] =	sst s3;
	s1 =	smul.u32 $0x48000, s1  }
0x7: {  	s5 =	sadd.s32 $0x800, s2;
	_ =	strace $0x80000047;
	s0 =	ssub.s32 $0x2, s0  }
0x8: {  	s11 =	sshrl.u32 s0, $0x1;
	s1 =	sadd.s32 s5, s1;
	[dreg:$0x3] =	wrdreg s10  }
0x9: {  	s0 =	ssub.s32 s0, s11;
	s11 =	sadd.s32 s9, s7;
	[dreg:$0x7] =	wrdreg s1  }
0xa: {  	s28 =	simm.s32 $0x3;
	s23 =	sor.u32 $0x120, s10;
	[dreg:$0x4] =	wrdreg s11  }
0xb: {  	s30 =	simm.s32 $0x4;
	s24 =	sor.u32 $0x60, s10;
	[dreg:$0xd] =	wrdreg s23  }
0xc: {  	s31 =	simm.s32 $0x5;
	s25 =	sor.u32 $0x180, s10;
	[dreg:$0xe] =	wrdreg s24  }
0xd: {  	s4 =	sshrl.u32 s10, $0x3;
	s26 =	sor.u32 $0xC0, s10;
	[dreg:$0xf] =	wrdreg s25  }
0xe: {  	s29 =	sor.u32 $0x1E0, s10;
	s0 =	smax.u32 s0, $0x1;
	[dreg:$0x10] =	wrdreg s26  }
0xf: {  	s6 =	sor.u32 $0xC, s4;
	s4 =	sor.u32 $0x18, s4;
	[dreg:$0x11] =	wrdreg s29  }
0x10: {  	s19 =	sadd.s32 $0x1200, s11;
	s21 =	sadd.s32 $0x1800, s11;
	[dreg:$0x12] =	wrdreg s0  }
0x11: {  	s22 =	sadd.s32 $0x1E00, s11;
	s8 =	sshll.u32 s6, $0x7;
	[dreg:$0x8] =	wrdreg s19  }
0x12: {  	s13 =	sshll.u32 s4, $0x7;
	s16 =	sshll.u32 s6, $0x8;
	[dreg:$0xa] =	wrdreg s21  }
0x13: {  	s18 =	sshll.u32 s4, $0x8;
	[dreg:$0xc] =	wrdreg s22;
	s12 =	sand.u32 $0x1FFFC600, s8  }
.Ltmp0:
0x14: {  	s14 =	sand.u32 $0x1FFFCC00, s13;
	s2 =	sadd.s32 s9, s12;
	(pc) =	sbr.rel .LBB2_1-.Ltmp0, $4  }
0x15: {  	s17 =	sand.u32 $0x1FFF8C00, s16;
	s15 =	sadd.s32 s9, s14;
	[dreg:$0x5] =	wrdreg s2  }
0x16: {  	s20 =	sand.u32 $0x1FFF9800, s18;
	s1 =	sadd.s32 s5, s17;
	[dreg:$0x6] =	wrdreg s15  }
0x17: {  	s25 =	simm.s32 $0x2;
	[dreg:$0x9] =	wrdreg s1;
	s1 =	sadd.s32 s5, s20  }
0x18: {  	v0 =	vimm.s32 $0xF;
	s2 =	simm.s32 $0x0;
	[dreg:$0xb] =	wrdreg s1;
	s1 =	simm.s32 $0x6  }
.LBB2_16:
0x19: {  	_ =	swait.ge [sflag:s30], $0x6000  }
0x1a: {  	[sflag:s30] =	ssyncset.done $0x0  }
0x1b: {  	[sflag:s30] =	ssyncadd.s32 $0xFFFFA000  }
0x1c: {  	_ =	swait.ge [sflag:s31], $0x6000  }
0x1d: {  	[sflag:s31] =	ssyncset.done $0x0  }
0x1e: {  	[sflag:s31] =	ssyncadd.s32 $0xFFFFA000  }
0x1f: {  	_ =	swait.ge [sflag:s1], $0x6000  }
0x20: {  	s2 =	rddreg [dreg:$0x13]  }
0x21: {  	s0 =	rddreg [dreg:$0x12];
	s2 =	sadd.s32 $0x1, s2  }
0x22: {  	p0 =	sne.s32 s2, s0  }
.Ltmp1:
0x23: {  	_ = 	snop;
	(pc) =	sbr.rel @!p0 .LBB2_17-.Ltmp1, $3  }
0x24: {  	_ =	sdelay $0x1  }
0x25: {  	[sflag:s1] =	ssyncset.done $0x0  }
0x26: {  	[sflag:s1] =	ssyncadd.s32 $0xFFFFA000  }
.LBB2_1:
0x27: {  	[dreg:$0x13] =	wrdreg s2  }
0x28: {  	s0 =	rddreg [dreg:$0x4]  }
0x29: {  	[tilespmem:s3], [sflag:$0x1] =	stream.linear.gather [hbm4b:s0+s3], $0x3000, $0x38;
	[tilespmem:$0x1B000] =	vst v63  }
0x2a: {  	s10 =	rddreg [dreg:$0x5];
	s11 =	simm.s32 $0x3000  }
0x2b: {  	[tilespmem:s11], [sflag:$0x2] =	stream.linear.gather [hbm4b:s10+s3], $0x3000, $0x38;
	[tilespmem:$0x1B000] =	vst v63  }
0x2c: {  	s12 =	rddreg [dreg:$0x6];
	s13 =	simm.s32 $0x6000;
	s14 =	simm.s32 $0x1  }
0x2d: {  	[tilespmem:s13], [sflag:$0x3] =	stream.linear.gather [hbm4b:s12+s3], $0x3000, $0x38;
	[tilespmem:$0x1B000] =	vst v63  }
0x2e: {  	_ =	swait.ge [sflag:s14], $0x3000  }
0x2f: {  	[sflag:s14] =	ssyncset.done $0x0  }
0x30: {  	s0 =	simm.s32 $0x100;
	[sflag:s14] =	ssyncadd.s32 $0xFFFFD000  }
0x31: {  	v1 =	vld [tilespmem:s0+$0x80]  }
0x32: {  	v3 =	vld [tilespmem:s0+$0x0]  }
0x33: {  	s15 =	sand.u32 $0x7800, s3;
	s4 =	simm.s32 $0x180;
	v4 =	vld [tilespmem:s0+$0xFFFFFF80]  }
0x34: {  	s16 =	simm.s32 $0x100;
	s2 =	sadd.s32 $0x9000, s15;
	s4 =	sand.u32 $0x380, s4;
	v2 =	vld [tilespmem:s0+$0xD0]  }
0x35: {  	s7 =	simm.s32 $0x80;
	s8 =	sor.u32 s4, s2;
	s4 =	sand.u32 $0x300, s16;
	v6 =	vld [tilespmem:s0+$0x50]  }
0x36: {  	s17 =	sand.u32 $0x280, s7;
	s6 =	sor.u32 s4, s2;
	v7 =	vld [tilespmem:s0+$0xFFFFFFD0];
	[tilespmem:s8+$0x0] =	vst v1  }
0x37: {  	s13 =	sor.u32 s17, s2;
	[tilespmem:s6+$0x0] =	vst v3;
	v1 =	vld [tilespmem:s0+$0x90]  }
0x38: {  	[tilespmem:s13+$0x0] =	vst v4;
	v3 =	vld [tilespmem:s0+$0x10]  }
0x39: {  	v4 =	vld [tilespmem:s0+$0xFFFFFF90];
	_ =	sdelay $0x2  }
0x3a: {  	[tilespmem:s8+$0x10] =	vst v1  }
0x3b: {  	[tilespmem:s6+$0x10] =	vst v3;
	v1 =	vld [tilespmem:s0+$0xA0]  }
0x3c: {  	[tilespmem:s13+$0x10] =	vst v4;
	v3 =	vld [tilespmem:s0+$0x20]  }
0x3d: {  	v4 =	vld [tilespmem:s0+$0xFFFFFFA0];
	_ =	sdelay $0x2  }
0x3e: {  	v5 =	vld [tilespmem:s0+$0xFFFFFF00];
	[tilespmem:s8+$0x20] =	vst v1  }
0x3f: {  	[tilespmem:s6+$0x20] =	vst v3;
	v1 =	vld [tilespmem:s0+$0xB0]  }
0x40: {  	[tilespmem:s13+$0x20] =	vst v4;
	v3 =	vld [tilespmem:s0+$0x30]  }
0x41: {  	s18 =	sand.u32 $0x200, s3;
	v4 =	vld [tilespmem:s0+$0xFFFFFFB0]  }
0x42: {  	s4 =	sor.u32 s18, s2  }
0x43: {  	v8 =	vld [tilespmem:s0+$0xFFFFFF50];
	[tilespmem:s4+$0x0] =	vst v5  }
0x44: {  	[tilespmem:s8+$0x30] =	vst v1  }
0x45: {  	[tilespmem:s6+$0x30] =	vst v3  }
0x46: {  	v5 =	vperm.xlane v2, v0;
	[tilespmem:s13+$0x30] =	vst v4  }
0x47: {  	v1 =	vld [tilespmem:s0+$0xC0];
	[tilespmem:s8+$0x50] =	vst v2  }
0x48: {  	s19 =	sand.u32 $0x7, s3;
	s7 =	simm.s32 $0x300;
	v10 =	vperm.xlane v7, v0;
	[tilespmem:s8+$0x60] =	vst v5  }
0x49: {  	s2 =	sshll.u32 s19, $0x7;
	v3 =	vld [tilespmem:s7+$0x80];
	[tilespmem:s8+$0x70] =	vst v5  }
0x4a: {  	s11 =	simm.s32 $0x400;
	s2 =	sadd.s32 $0x0, s2;
	v11 =	vld [tilespmem:s0+$0xFFFFFFC0];
	[tilespmem:s13+$0x60] =	vst v10  }
0x4b: {  	s23 =	sand.u32 $0x7800, s11;
	s10 =	sadd.s32 $0x180, s2;
	[tilespmem:s13+$0x70] =	vst v10  }
0x4c: {  	s12 =	simm.s32 $0x380;
	s2 =	sadd.s32 $0x80, s2;
	s20 =	sor.u32 $0x400, s10;
	v2 =	vld [tilespmem:s0+$0xFFFFFF10];
	[tilespmem:s13+$0x50] =	vst v7  }
0x4d: {  	s12 =	sand.u32 $0x380, s12;
	s14 =	sadd.s32 $0x9000, s23;
	s15 =	sor.u32 $0x400, s2;
	v7 =	vld [tilespmem:s0+$0x40];
	[tilespmem:s20+$0x9000] =	vst v5  }
0x4e: {  	s12 =	sor.u32 s12, s14;
	[tilespmem:s15+$0x9000] =	vst v10  }
0x4f: {  	v4 =	vld [tilespmem:s7+$0xD0];
	[tilespmem:s12+$0x0] =	vst v3  }
0x50: {  	[tilespmem:s8+$0x40] =	vst v1  }
0x51: {  	[tilespmem:s4+$0x10] =	vst v2  }
0x52: {  	[tilespmem:s6+$0x40] =	vst v7  }
0x53: {  	s21 =	sor.u32 $0x410, s10;
	[tilespmem:s13+$0x40] =	vst v11  }
0x54: {  	s18 =	sor.u32 $0x410, s2;
	[tilespmem:s21+$0x9000] =	vst v5  }
0x55: {  	s22 =	sor.u32 $0x420, s10;
	v1 =	vld [tilespmem:s7+$0xFFFFFF80];
	[tilespmem:s18+$0x9000] =	vst v10  }
0x56: {  	s19 =	sor.u32 $0x420, s2;
	v9 =	vld [tilespmem:s7+$0xFFFFFF00];
	[tilespmem:s22+$0x9000] =	vst v5  }
0x57: {  	s9 =	simm.s32 $0x280;
	s10 =	sor.u32 $0x430, s10;
	[tilespmem:s19+$0x9000] =	vst v10  }
0x58: {  	s26 =	simm.s32 $0x200;
	s24 =	sand.u32 $0x280, s9;
	s2 =	sor.u32 $0x430, s2;
	v3 =	vld [tilespmem:s0+$0xFFFFFF20];
	[tilespmem:s10+$0x9000] =	vst v5  }
0x59: {  	s29 =	sand.u32 $0x3, s3;
	s9 =	sor.u32 s24, s14;
	s8 =	sand.u32 $0x200, s26;
	v7 =	vld [tilespmem:s7+$0x0];
	[tilespmem:s2+$0x9000] =	vst v10  }
0x5a: {  	v2 =	vld [tilespmem:s7+$0xFFFFFFD0];
	s8 =	sor.u32 s8, s14;
	v5 =	vperm.xlane v6, v0;
	s10 =	sshll.u32 s29, $0x8;
	[tilespmem:s9+$0x0] =	vst v1  }
0x5b: {  	s15 =	simm.s32 $0x300;
	s10 =	sadd.s32 $0x0, s10;
	v1 =	vld [tilespmem:s7+$0xFFFFFF50];
	[tilespmem:s8+$0x0] =	vst v9  }
0x5c: {  	[tilespmem:s6+$0x60] =	vst v5;
	s16 =	sadd.s32 $0x100, s10;
	s10 =	sand.u32 $0x300, s15;
	v9 =	vld [tilespmem:s7+$0xFFFFFF90]  }
0x5d: {  	[tilespmem:s4+$0x20] =	vst v3;
	v3 =	vld [tilespmem:s7+$0x50];
	s10 =	sor.u32 s10, s14  }
0x5e: {  	[tilespmem:s10+$0x0] =	vst v7;
	v7 =	vld [tilespmem:s7+$0x90]  }
0x5f: {  	[tilespmem:s6+$0x70] =	vst v5;
	s17 =	sor.u32 $0x400, s16;
	v12 =	vld [tilespmem:s0+$0xFFFFFF30]  }
0x60: {  	p0 =	por $0x0, $0x0;
	[tilespmem:s17+$0x9000] =	vst v5  }
0x61: {  	p1 =	por p0, p0;
	s13 =	simm.s32 $0x1;
	[tilespmem:s6+$0x50] =	vst v6  }
0x62: {  	s13 =	simm.s32 @!p1 $0x0;
	[tilespmem:s9+$0x10] =	vst v9  }
0x63: {  	s20 =	sshll.u32 s13, $0x9;
	v9 =	vperm.xlane v8, v0;
	[tilespmem:s12+$0x10] =	vst v7  }
0x64: {  	s2 =	sadd.s32 $0x0, s20;
	[tilespmem:s4+$0x30] =	vst v12;
	v10 =	vld [tilespmem:s7+$0xA0]  }
0x65: {  	s21 =	sor.u32 $0x400, s2;
	v7 =	vld [tilespmem:s0+$0xFFFFFF40];
	[tilespmem:s4+$0x70] =	vst v9  }
0x66: {  	[tilespmem:s21+$0x9000] =	vst v9  }
0x67: {  	[tilespmem:s4+$0x60] =	vst v9  }
0x68: {  	[tilespmem:s4+$0x50] =	vst v8  }
0x69: {  	p6 =	por !p0, !p0;
	[tilespmem:s12+$0x20] =	vst v10  }
0x6a: {  	p0 =	por p6, p6;
	s23 =	sor.u32 $0x410, s2;
	[tilespmem:s4+$0x40] =	vst v7  }
0x6b: {  	p1 =	por !p6, !p6;
	s20 =	simm.s32 $0x400;
	s24 =	sor.u32 $0x420, s2;
	[tilespmem:s23+$0x9000] =	vst v9  }
0x6c: {  	s2 =	sor.u32 $0x430, s2;
	s14 =	simm.s32 $0x2;
	s0 =	simm.s32 $0x4;
	v8 =	vld [tilespmem:s7+$0x10];
	[tilespmem:s24+$0x9000] =	vst v9  }
0x6d: {  	s15 =	sor.u32 $0x430, s16;
	s26 =	sor.u32 $0x410, s16;
	s22 =	sand.u32 $0x7, s0;
	[tilespmem:s2+$0x9000] =	vst v9;
	v9 =	vld [tilespmem:s7+$0xB0]  }
0x6e: {  	s29 =	sor.u32 $0x420, s16;
	[tilespmem:s26+$0x9000] =	vst v5;
	s26 =	simm.s32 $0x500;
	s6 =	sshll.u32 s22, $0x7  }
0x6f: {  	v6 =	vld [tilespmem:s7+$0xFFFFFF10];
	s21 =	simm.s32 $0x4;
	s22 =	simm.s32 $0x400;
	s6 =	sadd.s32 $0x400, s6  }
0x70: {  	[tilespmem:s29+$0x9000] =	vst v5;
	s13 =	sadd.s32 $0x80, s6;
	s6 =	sadd.s32 $0x180, s6;
	v7 =	vld [tilespmem:s7+$0xFFFFFFA0];
	s24 =	simm.s32 $0x4  }
.LBB2_2:
0x71: {  	s21 =	sadd.s32 $0x4, s21;
	[tilespmem:s10+$0x10] =	vst v8;
	s0 =	sadd.s32 $0x4, s0;
	s11 =	sadd.s32 $0x400, s11  }
0x72: {  	s2 =	sand.u32 $0x7, s0;
	p2 =	slt.u32 s21, $0x5C;
	v8 =	vld [tilespmem:s7+$0x20];
	[tilespmem:s12+$0x30] =	vst v9  }
0x73: {  	v10 =	vperm.xlane v4, v0;
	s17 =	sor.u32 $0x400, s6;
	s4 =	sand.u32 $0x7800, s11;
	s2 =	sshll.u32 s2, $0x7;
	v9 =	vld [tilespmem:s7+$0xC0];
	[tilespmem:s15+$0x9000] =	vst v5  }
0x74: {  	s15 =	sand.u32 $0x200, s22;
	s18 =	sadd.s32 $0x9000, s4;
	s4 =	sadd.s32 $0x80, s22;
	[tilespmem:s12+$0x50] =	vst v4  }
0x75: {  	s19 =	sor.u32 s15, s18;
	s4 =	sand.u32 $0x280, s4;
	s15 =	sadd.s32 $0x100, s22;
	[tilespmem:s12+$0x60] =	vst v10  }
0x76: {  	s16 =	sor.u32 s4, s18;
	s4 =	sand.u32 $0x300, s15;
	s15 =	sadd.s32 $0x180, s22;
	[tilespmem:s12+$0x70] =	vst v10  }
0x77: {  	s2 =	sadd.s32 s11, s2;
	s4 =	sor.u32 s4, s18;
	s15 =	sand.u32 $0x380, s15;
	[tilespmem:s17+$0x9000] =	vst v10  }
0x78: {  	s29 =	sadd.s32 $0x80, s2;
	s2 =	sadd.s32 $0x180, s2;
	s15 =	sor.u32 s15, s18;
	v4 =	vld [tilespmem:s26+$0xD0];
	[tilespmem:s10+$0x20] =	vst v8  }
0x79: {  	[tilespmem:s9+$0x20] =	vst v7;
	v5 =	vld [tilespmem:s7+$0x30]  }
0x7a: {  	s17 =	sor.u32 $0x410, s6;
	v7 =	vld [tilespmem:s7+$0xFFFFFFB0];
	[tilespmem:s12+$0x40] =	vst v9;
	s12 =	smov.u32 s15  }
0x7b: {  	s15 =	sor.u32 $0x420, s6;
	v8 =	vld [tilespmem:s26+$0xFFFFFF80];
	[tilespmem:s17+$0x9000] =	vst v10  }
0x7c: {  	v9 =	vld [tilespmem:s26+$0x80];
	[tilespmem:s15+$0x9000] =	vst v10  }
0x7d: {  	v11 =	vld [tilespmem:s26+$0xFFFFFF50];
	[tilespmem:s8+$0x10] =	vst v6  }
0x7e: {  	v6 =	vld [tilespmem:s26+$0xFFFFFF00];
	[tilespmem:s10+$0x30] =	vst v5  }
0x7f: {  	v5 =	vld [tilespmem:s26+$0xFFFFFFD0];
	[tilespmem:s9+$0x30] =	vst v7;
	v7 =	vperm.xlane v2, v0  }
0x80: {  	[tilespmem:s16+$0x0] =	vst v8;
	v8 =	vld [tilespmem:s7+$0xFFFFFFC0]  }
0x81: {  	[tilespmem:s9+$0x60] =	vst v7  }
0x82: {  	[tilespmem:s9+$0x70] =	vst v7  }
0x83: {  	s15 =	sor.u32 $0x400, s13;
	[tilespmem:s9+$0x50] =	vst v2;
	v12 =	vld [tilespmem:s7+$0x40]  }
0x84: {  	v13 =	vld [tilespmem:s26+$0x50];
	[tilespmem:s15+$0x9000] =	vst v7;
	v2 =	vmov v5  }
0x85: {  	[tilespmem:s19+$0x0] =	vst v6  }
0x86: {  	s15 =	sor.u32 $0x430, s6;
	s6 =	smov.u32 s2;
	[tilespmem:s12+$0x0] =	vst v9  }
0x87: {  	v9 =	vld [tilespmem:s7+$0xFFFFFF20];
	[tilespmem:s15+$0x9000] =	vst v10  }
0x88: {  	s2 =	sand.u32 $0x3, s14;
	v5 =	vperm.xlane v3, v0;
	s14 =	smov.u32 s24  }
0x89: {  	s2 =	sshll.u32 s2, $0x8;
	v10 =	vld [tilespmem:s26+$0xFFFFFF90];
	[tilespmem:s10+$0x40] =	vst v12  }
0x8a: {  	s2 =	sadd.s32 s20, s2;
	v12 =	vld [tilespmem:s26+$0x0];
	[tilespmem:s10+$0x60] =	vst v5  }
0x8b: {  	s17 =	sadd.s32 $0x100, s2;
	[tilespmem:s10+$0x70] =	vst v5  }
0x8c: {  	s2 =	sor.u32 $0x400, s17;
	s15 =	sor.u32 $0x430, s17;
	v6 =	vld [tilespmem:s26+$0xFFFFFF10];
	[tilespmem:s8+$0x20] =	vst v9  }
0x8d: {  	v9 =	vld [tilespmem:s7+$0xFFFFFF30];
	[tilespmem:s2+$0x9000] =	vst v5  }
0x8e: {  	[tilespmem:s16+$0x10] =	vst v10  }
0x8f: {  	[tilespmem:s4+$0x0] =	vst v12  }
0x90: {  	s2 =	sor.u32 $0x410, s13;
	v10 =	vld [tilespmem:s26+$0x90];
	[tilespmem:s9+$0x40] =	vst v8;
	s9 =	smov.u32 s16  }
0x91: {  	v8 =	vld [tilespmem:s26+$0x10];
	[tilespmem:s2+$0x9000] =	vst v7;
	s2 =	sor.u32 $0x420, s13  }
0x92: {  	[tilespmem:s2+$0x9000] =	vst v7  }
0x93: {  	s16 =	simm.s32 $0x1;
	s2 =	sor.u32 $0x430, s13;
	s13 =	smov.u32 s29;
	[tilespmem:s8+$0x30] =	vst v9  }
0x94: {  	s16 =	simm.s32 @!p0 $0x0;
	p0 =	por p1, p1;
	[tilespmem:s2+$0x9000] =	vst v7  }
0x95: {  	s2 =	sshll.u32 s16, $0x9;
	[tilespmem:s12+$0x10] =	vst v10;
	v9 =	vld [tilespmem:s7+$0xFFFFFF40];
	v10 =	vperm.xlane v1, v0;
	s7 =	smov.u32 s26  }
0x96: {  	s2 =	sadd.s32 s2, s20;
	s20 =	smov.u32 s11;
	v12 =	vld [tilespmem:s26+$0xA0];
	[tilespmem:s10+$0x50] =	vst v3;
	v3 =	vmov v13;
	s10 =	smov.u32 s4  }
0x97: {  	s4 =	sor.u32 $0x400, s2;
	[tilespmem:s8+$0x70] =	vst v10  }
0x98: {  	v7 =	vld [tilespmem:s26+$0xFFFFFFA0];
	[tilespmem:s4+$0x9000] =	vst v10  }
0x99: {  	[tilespmem:s8+$0x60] =	vst v10  }
0x9a: {  	[tilespmem:s8+$0x50] =	vst v1;
	v1 =	vmov v11  }
0x9b: {  	[tilespmem:s12+$0x20] =	vst v12  }
0x9c: {  	s4 =	sor.u32 $0x410, s2;
	[tilespmem:s8+$0x40] =	vst v9;
	s8 =	smov.u32 s19  }
.Ltmp2:
0x9d: {  	[tilespmem:s4+$0x9000] =	vst v10;
	s4 =	sor.u32 $0x420, s2;
	(pc) =	sbr.rel @p2 .LBB2_2-.Ltmp2, $4  }
0x9e: {  	s2 =	sor.u32 $0x430, s2;
	v9 =	vld [tilespmem:s26+$0xB0];
	[tilespmem:s4+$0x9000] =	vst v10  }
0x9f: {  	[tilespmem:s2+$0x9000] =	vst v10;
	s2 =	sor.u32 $0x410, s17  }
0xa0: {  	s22 =	sadd.s32 $0x200, s22;
	[tilespmem:s2+$0x9000] =	vst v5;
	s2 =	sor.u32 $0x420, s17  }
0xa1: {  	s24 =	sadd.s32 $0x2, s24;
	p1 =	por !p1, !p1;
	s26 =	sadd.s32 $0x200, s26;
	[tilespmem:s2+$0x9000] =	vst v5  }
0xa2: {  	[tilespmem:s10+$0x10] =	vst v8  }
0xa3: {  	[tilespmem:s15+$0x9000] =	vst v5  }
0xa4: {  	[tilespmem:s9+$0x20] =	vst v7  }
0xa5: {  	[tilespmem:s8+$0x10] =	vst v6  }
0xa6: {  	[tilespmem:s12+$0x30] =	vst v9;
	v9 =	vperm.xlane v4, v0;
	v5 =	vld [tilespmem:s7+$0x20]  }
0xa7: {  	v8 =	vld [tilespmem:s7+$0xC0];
	[tilespmem:s12+$0x50] =	vst v4  }
0xa8: {  	v4 =	vld [tilespmem:s7+$0xFFFFFFB0];
	[tilespmem:s12+$0x60] =	vst v9  }
0xa9: {  	s0 =	sor.u32 $0x400, s6;
	[tilespmem:s12+$0x70] =	vst v9  }
0xaa: {  	[tilespmem:s0+$0x9000] =	vst v9  }
0xab: {  	[tilespmem:s10+$0x20] =	vst v5  }
0xac: {  	v5 =	vld [tilespmem:s7+$0x30];
	[tilespmem:s12+$0x40] =	vst v8  }
0xad: {  	s2 =	sor.u32 $0x410, s6;
	[tilespmem:s9+$0x30] =	vst v4  }
0xae: {  	s4 =	sor.u32 $0x420, s6;
	[tilespmem:s2+$0x9000] =	vst v9  }
0xaf: {  	s12 =	sor.u32 $0x430, s6;
	[tilespmem:s4+$0x9000] =	vst v9  }
0xb0: {  	v4 =	vperm.xlane v2, v0;
	[tilespmem:s12+$0x9000] =	vst v9  }
0xb1: {  	[tilespmem:s10+$0x30] =	vst v5  }
0xb2: {  	v5 =	vld [tilespmem:s7+$0xFFFFFFC0];
	[tilespmem:s9+$0x60] =	vst v4  }
0xb3: {  	[tilespmem:s9+$0x50] =	vst v2;
	v2 =	vld [tilespmem:s7+$0xFFFFFF20]  }
0xb4: {  	s11 =	sor.u32 $0x400, s13;
	v7 =	vperm.xlane v3, v0;
	[tilespmem:s9+$0x70] =	vst v4  }
0xb5: {  	v6 =	vld [tilespmem:s7+$0x40];
	[tilespmem:s11+$0x9000] =	vst v4  }
0xb6: {  	[tilespmem:s10+$0x60] =	vst v7  }
0xb7: {  	s14 =	sand.u32 $0x3, s14;
	[tilespmem:s10+$0x70] =	vst v7  }
0xb8: {  	s0 =	sshll.u32 s14, $0x8;
	[tilespmem:s8+$0x20] =	vst v2  }
0xb9: {  	s0 =	sadd.s32 s20, s0;
	[tilespmem:s9+$0x40] =	vst v5  }
0xba: {  	s15 =	sor.u32 $0x410, s13;
	s0 =	sadd.s32 $0x100, s0;
	[tilespmem:s10+$0x40] =	vst v6  }
0xbb: {  	s2 =	sor.u32 $0x400, s0;
	v2 =	vld [tilespmem:s7+$0xFFFFFF30];
	[tilespmem:s15+$0x9000] =	vst v4  }
0xbc: {  	s16 =	sor.u32 $0x420, s13;
	[tilespmem:s2+$0x9000] =	vst v7  }
0xbd: {  	s4 =	sor.u32 $0x430, s13;
	[tilespmem:s16+$0x9000] =	vst v4;
	s2 =	simm.s32 $0x1  }
0xbe: {  	s2 =	simm.s32 @!p0 $0x0;
	[tilespmem:s4+$0x9000] =	vst v4  }
0xbf: {  	[tilespmem:s10+$0x50] =	vst v3;
	s2 =	sshll.u32 s2, $0x9  }
0xc0: {  	s2 =	sadd.s32 s2, s20;
	s20 =	sor.u32 $0x410, s0;
	[tilespmem:s8+$0x30] =	vst v2  }
0xc1: {  	s21 =	sor.u32 $0x420, s0;
	v2 =	vperm.xlane v1, v0;
	[tilespmem:s20+$0x9000] =	vst v7  }
0xc2: {  	[tilespmem:s21+$0x9000] =	vst v7  }
0xc3: {  	s0 =	sor.u32 $0x430, s0;
	v4 =	vld [tilespmem:s7+$0xFFFFFF40];
	[tilespmem:s8+$0x70] =	vst v2  }
0xc4: {  	s17 =	sor.u32 $0x400, s2;
	[tilespmem:s0+$0x9000] =	vst v7  }
0xc5: {  	[tilespmem:s17+$0x9000] =	vst v2  }
0xc6: {  	[tilespmem:s8+$0x60] =	vst v2  }
0xc7: {  	[tilespmem:s8+$0x50] =	vst v1  }
0xc8: {  	s18 =	sor.u32 $0x410, s2;
	[tilespmem:s8+$0x40] =	vst v4  }
0xc9: {  	s19 =	sor.u32 $0x420, s2;
	[tilespmem:s18+$0x9000] =	vst v2  }
0xca: {  	s2 =	sor.u32 $0x430, s2;
	[tilespmem:s19+$0x9000] =	vst v2  }
0xcb: {  	[tilespmem:s2+$0x9000] =	vst v2  }
0xcc: {  	s22 =	simm.s32 $0x9000;
	s10 =	simm.s32 $0x0;
	s0 =	rddreg [dreg:$0x7]  }
0xcd: {  	[hbm4b:s0+s10] =	stream.linear.scatter [tilespmem:s22], [sflag:$0x4], $0x6000, $0x38;
	[tilespmem:$0x1B000] =	vst v63  }
0xce: {  	s23 =	rddreg [dreg:$0x8]  }
0xcf: {  	[tilespmem:s10], [sflag:$0x1] =	stream.linear.gather [hbm4b:s23+s10], $0x3000, $0x38;
	[tilespmem:$0x1B000] =	vst v63  }
0xd0: {  	_ =	swait.ge [sflag:s25], $0x3000  }
0xd1: {  	[sflag:s25] =	ssyncset.done $0x0  }
0xd2: {  	s0 =	simm.s32 $0x3100;
	[sflag:s25] =	ssyncadd.s32 $0xFFFFD000  }
0xd3: {  	v1 =	vld [tilespmem:s0+$0x80]  }
0xd4: {  	v3 =	vld [tilespmem:s0+$0x0]  }
0xd5: {  	s26 =	simm.s32 $0x180;
	s24 =	sand.u32 $0x7800, s10;
	v4 =	vld [tilespmem:s0+$0xFFFFFF80]  }
0xd6: {  	s4 =	sand.u32 $0x380, s26;
	s7 =	simm.s32 $0x100;
	s2 =	sadd.s32 $0xF000, s24;
	v2 =	vld [tilespmem:s0+$0xD0]  }
0xd7: {  	s9 =	simm.s32 $0x80;
	s29 =	sor.u32 s4, s2;
	s4 =	sand.u32 $0x300, s7;
	v6 =	vld [tilespmem:s0+$0x50]  }
0xd8: {  	s11 =	sand.u32 $0x280, s9;
	s6 =	sor.u32 s4, s2;
	v7 =	vld [tilespmem:s0+$0xFFFFFFD0];
	[tilespmem:s29+$0x0] =	vst v1  }
0xd9: {  	s13 =	sor.u32 s11, s2;
	[tilespmem:s6+$0x0] =	vst v3;
	v1 =	vld [tilespmem:s0+$0x90]  }
0xda: {  	[tilespmem:s13+$0x0] =	vst v4;
	v3 =	vld [tilespmem:s0+$0x10]  }
0xdb: {  	v4 =	vld [tilespmem:s0+$0xFFFFFF90];
	_ =	sdelay $0x2  }
0xdc: {  	[tilespmem:s29+$0x10] =	vst v1  }
0xdd: {  	[tilespmem:s6+$0x10] =	vst v3;
	v1 =	vld [tilespmem:s0+$0xA0]  }
0xde: {  	[tilespmem:s13+$0x10] =	vst v4;
	v3 =	vld [tilespmem:s0+$0x20]  }
0xdf: {  	v4 =	vld [tilespmem:s0+$0xFFFFFFA0];
	_ =	sdelay $0x2  }
0xe0: {  	v5 =	vld [tilespmem:s0+$0xFFFFFF00];
	[tilespmem:s29+$0x20] =	vst v1  }
0xe1: {  	[tilespmem:s6+$0x20] =	vst v3;
	v1 =	vld [tilespmem:s0+$0xB0]  }
0xe2: {  	[tilespmem:s13+$0x20] =	vst v4;
	v3 =	vld [tilespmem:s0+$0x30]  }
0xe3: {  	s12 =	sand.u32 $0x200, s10;
	v4 =	vld [tilespmem:s0+$0xFFFFFFB0]  }
0xe4: {  	s4 =	sor.u32 s12, s2  }
0xe5: {  	v8 =	vld [tilespmem:s0+$0xFFFFFF50];
	[tilespmem:s4+$0x0] =	vst v5  }
0xe6: {  	[tilespmem:s29+$0x30] =	vst v1  }
0xe7: {  	[tilespmem:s6+$0x30] =	vst v3  }
0xe8: {  	v5 =	vperm.xlane v2, v0;
	[tilespmem:s13+$0x30] =	vst v4  }
0xe9: {  	v1 =	vld [tilespmem:s0+$0xC0];
	[tilespmem:s29+$0x50] =	vst v2  }
0xea: {  	s14 =	sand.u32 $0x7, s10;
	s7 =	simm.s32 $0x3300;
	v10 =	vperm.xlane v7, v0;
	[tilespmem:s29+$0x60] =	vst v5  }
0xeb: {  	s2 =	sshll.u32 s14, $0x7;
	v3 =	vld [tilespmem:s7+$0x80];
	[tilespmem:s29+$0x70] =	vst v5  }
0xec: {  	s2 =	sadd.s32 $0x0, s2;
	v11 =	vld [tilespmem:s0+$0xFFFFFFC0];
	[tilespmem:s13+$0x60] =	vst v10  }
0xed: {  	s26 =	simm.s32 $0x380;
	s11 =	simm.s32 $0x400;
	s15 =	sadd.s32 $0x180, s2;
	[tilespmem:s13+$0x70] =	vst v10  }
0xee: {  	s20 =	sand.u32 $0x7800, s11;
	s2 =	sadd.s32 $0x80, s2;
	s17 =	sor.u32 $0x400, s15;
	v2 =	vld [tilespmem:s0+$0xFFFFFF10];
	[tilespmem:s13+$0x50] =	vst v7  }
0xef: {  	s12 =	sand.u32 $0x380, s26;
	s22 =	sadd.s32 $0xF000, s20;
	s16 =	sor.u32 $0x400, s2;
	v7 =	vld [tilespmem:s0+$0x40];
	[tilespmem:s17+$0xF000] =	vst v5  }
0xf0: {  	s12 =	sor.u32 s12, s22;
	[tilespmem:s16+$0xF000] =	vst v10  }
0xf1: {  	v4 =	vld [tilespmem:s7+$0xD0];
	[tilespmem:s12+$0x0] =	vst v3  }
0xf2: {  	[tilespmem:s29+$0x40] =	vst v1  }
0xf3: {  	[tilespmem:s4+$0x10] =	vst v2  }
0xf4: {  	[tilespmem:s6+$0x40] =	vst v7  }
0xf5: {  	s18 =	sor.u32 $0x410, s15;
	[tilespmem:s13+$0x40] =	vst v11  }
0xf6: {  	s19 =	sor.u32 $0x420, s15;
	[tilespmem:s18+$0xF000] =	vst v5  }
0xf7: {  	v1 =	vld [tilespmem:s7+$0xFFFFFF80];
	s18 =	sor.u32 $0x410, s2;
	[tilespmem:s19+$0xF000] =	vst v5  }
0xf8: {  	s14 =	sor.u32 $0x430, s15;
	v9 =	vld [tilespmem:s7+$0xFFFFFF00];
	[tilespmem:s18+$0xF000] =	vst v10  }
0xf9: {  	s21 =	simm.s32 $0x280;
	s19 =	sor.u32 $0x420, s2;
	[tilespmem:s14+$0xF000] =	vst v5  }
0xfa: {  	s24 =	simm.s32 $0x200;
	s23 =	sand.u32 $0x280, s21;
	v3 =	vld [tilespmem:s0+$0xFFFFFF20];
	s2 =	sor.u32 $0x430, s2;
	[tilespmem:s19+$0xF000] =	vst v10  }
0xfb: {  	s8 =	sand.u32 $0x200, s24;
	s10 =	sand.u32 $0x3, s10;
	s9 =	sor.u32 s23, s22;
	v7 =	vld [tilespmem:s7+$0x0];
	[tilespmem:s2+$0xF000] =	vst v10  }
0xfc: {  	s8 =	sor.u32 s8, s22;
	s10 =	sshll.u32 s10, $0x8;
	v2 =	vld [tilespmem:s7+$0xFFFFFFD0];
	v5 =	vperm.xlane v6, v0;
	[tilespmem:s9+$0x0] =	vst v1  }
0xfd: {  	s10 =	sadd.s32 $0x0, s10;
	s14 =	simm.s32 $0x300;
	v1 =	vld [tilespmem:s7+$0xFFFFFF50];
	[tilespmem:s8+$0x0] =	vst v9  }
0xfe: {  	s29 =	sadd.s32 $0x100, s10;
	s10 =	sand.u32 $0x300, s14;
	[tilespmem:s6+$0x60] =	vst v5;
	v9 =	vld [tilespmem:s7+$0xFFFFFF90]  }
0xff: {  	s10 =	sor.u32 s10, s22;
	[tilespmem:s4+$0x20] =	vst v3;
	v3 =	vld [tilespmem:s7+$0x50]  }
0x100: {  	[tilespmem:s10+$0x0] =	vst v7;
	v7 =	vld [tilespmem:s7+$0x90]  }
0x101: {  	s17 =	sor.u32 $0x400, s29;
	[tilespmem:s6+$0x70] =	vst v5;
	v12 =	vld [tilespmem:s0+$0xFFFFFF30]  }
0x102: {  	p5 =	por $0x0, $0x0;
	[tilespmem:s17+$0xF000] =	vst v5  }
0x103: {  	p1 =	por p5, p5;
	s13 =	simm.s32 $0x1;
	[tilespmem:s6+$0x50] =	vst v6  }
0x104: {  	s13 =	simm.s32 @!p1 $0x0;
	[tilespmem:s9+$0x10] =	vst v9  }
0x105: {  	s20 =	sshll.u32 s13, $0x9;
	[tilespmem:s12+$0x10] =	vst v7;
	v9 =	vperm.xlane v8, v0  }
0x106: {  	s2 =	sadd.s32 $0x0, s20;
	[tilespmem:s4+$0x30] =	vst v12;
	v10 =	vld [tilespmem:s7+$0xA0]  }
0x107: {  	s21 =	sor.u32 $0x400, s2;
	v7 =	vld [tilespmem:s0+$0xFFFFFF40];
	[tilespmem:s4+$0x70] =	vst v9  }
0x108: {  	[tilespmem:s21+$0xF000] =	vst v9  }
0x109: {  	[tilespmem:s4+$0x60] =	vst v9  }
0x10a: {  	[tilespmem:s4+$0x50] =	vst v8  }
0x10b: {  	p6 =	por !p5, !p5;
	[tilespmem:s12+$0x20] =	vst v10  }
0x10c: {  	p0 =	por p6, p6;
	s23 =	sor.u32 $0x410, s2;
	[tilespmem:s4+$0x40] =	vst v7  }
0x10d: {  	s15 =	sor.u32 $0x430, s29;
	s26 =	sor.u32 $0x410, s29;
	s24 =	sor.u32 $0x420, s2;
	[tilespmem:s23+$0xF000] =	vst v9  }
0x10e: {  	s29 =	sor.u32 $0x420, s29;
	s2 =	sor.u32 $0x430, s2;
	s0 =	simm.s32 $0x4;
	v8 =	vld [tilespmem:s7+$0x10];
	[tilespmem:s24+$0xF000] =	vst v9  }
0x10f: {  	p1 =	por !p6, !p6;
	s14 =	simm.s32 $0x2;
	s22 =	sand.u32 $0x7, s0;
	[tilespmem:s2+$0xF000] =	vst v9;
	v9 =	vld [tilespmem:s7+$0xB0]  }
0x110: {  	s20 =	simm.s32 $0x400;
	[tilespmem:s26+$0xF000] =	vst v5;
	s26 =	simm.s32 $0x3500;
	s6 =	sshll.u32 s22, $0x7  }
0x111: {  	v6 =	vld [tilespmem:s7+$0xFFFFFF10];
	s21 =	simm.s32 $0x4;
	s22 =	simm.s32 $0x400;
	s6 =	sadd.s32 $0x400, s6  }
0x112: {  	[tilespmem:s29+$0xF000] =	vst v5;
	s13 =	sadd.s32 $0x80, s6;
	s6 =	sadd.s32 $0x180, s6;
	v7 =	vld [tilespmem:s7+$0xFFFFFFA0];
	s24 =	simm.s32 $0x4  }
.LBB2_4:
0x113: {  	s21 =	sadd.s32 $0x4, s21;
	[tilespmem:s10+$0x10] =	vst v8;
	s0 =	sadd.s32 $0x4, s0;
	s11 =	sadd.s32 $0x400, s11  }
0x114: {  	s2 =	sand.u32 $0x7, s0;
	p2 =	slt.u32 s21, $0x5C;
	v8 =	vld [tilespmem:s7+$0x20];
	[tilespmem:s12+$0x30] =	vst v9  }
0x115: {  	v10 =	vperm.xlane v4, v0;
	s17 =	sor.u32 $0x400, s6;
	s4 =	sand.u32 $0x7800, s11;
	s2 =	sshll.u32 s2, $0x7;
	v9 =	vld [tilespmem:s7+$0xC0];
	[tilespmem:s15+$0xF000] =	vst v5  }
0x116: {  	s15 =	sand.u32 $0x200, s22;
	s18 =	sadd.s32 $0xF000, s4;
	s4 =	sadd.s32 $0x80, s22;
	[tilespmem:s12+$0x50] =	vst v4  }
0x117: {  	s19 =	sor.u32 s15, s18;
	s4 =	sand.u32 $0x280, s4;
	s15 =	sadd.s32 $0x100, s22;
	[tilespmem:s12+$0x60] =	vst v10  }
0x118: {  	s16 =	sor.u32 s4, s18;
	s4 =	sand.u32 $0x300, s15;
	s15 =	sadd.s32 $0x180, s22;
	[tilespmem:s12+$0x70] =	vst v10  }
0x119: {  	s2 =	sadd.s32 s11, s2;
	s4 =	sor.u32 s4, s18;
	s15 =	sand.u32 $0x380, s15;
	[tilespmem:s17+$0xF000] =	vst v10  }
0x11a: {  	s29 =	sadd.s32 $0x80, s2;
	s2 =	sadd.s32 $0x180, s2;
	s15 =	sor.u32 s15, s18;
	v4 =	vld [tilespmem:s26+$0xD0];
	[tilespmem:s10+$0x20] =	vst v8  }
0x11b: {  	[tilespmem:s9+$0x20] =	vst v7;
	v5 =	vld [tilespmem:s7+$0x30]  }
0x11c: {  	s17 =	sor.u32 $0x410, s6;
	v7 =	vld [tilespmem:s7+$0xFFFFFFB0];
	[tilespmem:s12+$0x40] =	vst v9;
	s12 =	smov.u32 s15  }
0x11d: {  	s15 =	sor.u32 $0x420, s6;
	v8 =	vld [tilespmem:s26+$0xFFFFFF80];
	[tilespmem:s17+$0xF000] =	vst v10  }
0x11e: {  	v9 =	vld [tilespmem:s26+$0x80];
	[tilespmem:s15+$0xF000] =	vst v10  }
0x11f: {  	v11 =	vld [tilespmem:s26+$0xFFFFFF50];
	[tilespmem:s8+$0x10] =	vst v6  }
0x120: {  	v6 =	vld [tilespmem:s26+$0xFFFFFF00];
	[tilespmem:s10+$0x30] =	vst v5  }
0x121: {  	v5 =	vld [tilespmem:s26+$0xFFFFFFD0];
	[tilespmem:s9+$0x30] =	vst v7;
	v7 =	vperm.xlane v2, v0  }
0x122: {  	[tilespmem:s16+$0x0] =	vst v8;
	v8 =	vld [tilespmem:s7+$0xFFFFFFC0]  }
0x123: {  	[tilespmem:s9+$0x60] =	vst v7  }
0x124: {  	[tilespmem:s9+$0x70] =	vst v7  }
0x125: {  	s15 =	sor.u32 $0x400, s13;
	[tilespmem:s9+$0x50] =	vst v2;
	v12 =	vld [tilespmem:s7+$0x40]  }
0x126: {  	v13 =	vld [tilespmem:s26+$0x50];
	[tilespmem:s15+$0xF000] =	vst v7;
	v2 =	vmov v5  }
0x127: {  	[tilespmem:s19+$0x0] =	vst v6  }
0x128: {  	s15 =	sor.u32 $0x430, s6;
	s6 =	smov.u32 s2;
	[tilespmem:s12+$0x0] =	vst v9  }
0x129: {  	v9 =	vld [tilespmem:s7+$0xFFFFFF20];
	[tilespmem:s15+$0xF000] =	vst v10  }
0x12a: {  	s2 =	sand.u32 $0x3, s14;
	v5 =	vperm.xlane v3, v0;
	s14 =	smov.u32 s24  }
0x12b: {  	s2 =	sshll.u32 s2, $0x8;
	v10 =	vld [tilespmem:s26+$0xFFFFFF90];
	[tilespmem:s10+$0x40] =	vst v12  }
0x12c: {  	s2 =	sadd.s32 s20, s2;
	v12 =	vld [tilespmem:s26+$0x0];
	[tilespmem:s10+$0x60] =	vst v5  }
0x12d: {  	s17 =	sadd.s32 $0x100, s2;
	[tilespmem:s10+$0x70] =	vst v5  }
0x12e: {  	s2 =	sor.u32 $0x400, s17;
	s15 =	sor.u32 $0x430, s17;
	v6 =	vld [tilespmem:s26+$0xFFFFFF10];
	[tilespmem:s8+$0x20] =	vst v9  }
0x12f: {  	v9 =	vld [tilespmem:s7+$0xFFFFFF30];
	[tilespmem:s2+$0xF000] =	vst v5  }
0x130: {  	[tilespmem:s16+$0x10] =	vst v10  }
0x131: {  	[tilespmem:s4+$0x0] =	vst v12  }
0x132: {  	s2 =	sor.u32 $0x410, s13;
	v10 =	vld [tilespmem:s26+$0x90];
	[tilespmem:s9+$0x40] =	vst v8;
	s9 =	smov.u32 s16  }
0x133: {  	v8 =	vld [tilespmem:s26+$0x10];
	[tilespmem:s2+$0xF000] =	vst v7;
	s2 =	sor.u32 $0x420, s13  }
0x134: {  	[tilespmem:s2+$0xF000] =	vst v7  }
0x135: {  	s16 =	simm.s32 $0x1;
	s2 =	sor.u32 $0x430, s13;
	s13 =	smov.u32 s29;
	[tilespmem:s8+$0x30] =	vst v9  }
0x136: {  	s16 =	simm.s32 @!p0 $0x0;
	p0 =	por p1, p1;
	[tilespmem:s2+$0xF000] =	vst v7  }
0x137: {  	s2 =	sshll.u32 s16, $0x9;
	[tilespmem:s12+$0x10] =	vst v10;
	v9 =	vld [tilespmem:s7+$0xFFFFFF40];
	v10 =	vperm.xlane v1, v0;
	s7 =	smov.u32 s26  }
0x138: {  	s2 =	sadd.s32 s2, s20;
	s20 =	smov.u32 s11;
	v12 =	vld [tilespmem:s26+$0xA0];
	[tilespmem:s10+$0x50] =	vst v3;
	v3 =	vmov v13;
	s10 =	smov.u32 s4  }
0x139: {  	s4 =	sor.u32 $0x400, s2;
	[tilespmem:s8+$0x70] =	vst v10  }
0x13a: {  	v7 =	vld [tilespmem:s26+$0xFFFFFFA0];
	[tilespmem:s4+$0xF000] =	vst v10  }
0x13b: {  	[tilespmem:s8+$0x60] =	vst v10  }
0x13c: {  	[tilespmem:s8+$0x50] =	vst v1;
	v1 =	vmov v11  }
0x13d: {  	[tilespmem:s12+$0x20] =	vst v12  }
0x13e: {  	s4 =	sor.u32 $0x410, s2;
	[tilespmem:s8+$0x40] =	vst v9;
	s8 =	smov.u32 s19  }
.Ltmp3:
0x13f: {  	[tilespmem:s4+$0xF000] =	vst v10;
	s4 =	sor.u32 $0x420, s2;
	(pc) =	sbr.rel @p2 .LBB2_4-.Ltmp3, $4  }
0x140: {  	s2 =	sor.u32 $0x430, s2;
	v9 =	vld [tilespmem:s26+$0xB0];
	[tilespmem:s4+$0xF000] =	vst v10  }
0x141: {  	[tilespmem:s2+$0xF000] =	vst v10;
	s2 =	sor.u32 $0x410, s17  }
0x142: {  	s22 =	sadd.s32 $0x200, s22;
	[tilespmem:s2+$0xF000] =	vst v5;
	s2 =	sor.u32 $0x420, s17  }
0x143: {  	s24 =	sadd.s32 $0x2, s24;
	p1 =	por !p1, !p1;
	s26 =	sadd.s32 $0x200, s26;
	[tilespmem:s2+$0xF000] =	vst v5  }
0x144: {  	[tilespmem:s10+$0x10] =	vst v8  }
0x145: {  	[tilespmem:s15+$0xF000] =	vst v5  }
0x146: {  	[tilespmem:s9+$0x20] =	vst v7  }
0x147: {  	[tilespmem:s8+$0x10] =	vst v6  }
0x148: {  	[tilespmem:s12+$0x30] =	vst v9;
	v9 =	vperm.xlane v4, v0;
	v5 =	vld [tilespmem:s7+$0x20]  }
0x149: {  	v8 =	vld [tilespmem:s7+$0xC0];
	[tilespmem:s12+$0x50] =	vst v4  }
0x14a: {  	v4 =	vld [tilespmem:s7+$0xFFFFFFB0];
	[tilespmem:s12+$0x60] =	vst v9  }
0x14b: {  	s0 =	sor.u32 $0x400, s6;
	[tilespmem:s12+$0x70] =	vst v9  }
0x14c: {  	[tilespmem:s0+$0xF000] =	vst v9  }
0x14d: {  	[tilespmem:s10+$0x20] =	vst v5  }
0x14e: {  	v5 =	vld [tilespmem:s7+$0x30];
	[tilespmem:s12+$0x40] =	vst v8  }
0x14f: {  	s29 =	sor.u32 $0x410, s6;
	[tilespmem:s9+$0x30] =	vst v4  }
0x150: {  	s2 =	sor.u32 $0x420, s6;
	[tilespmem:s29+$0xF000] =	vst v9  }
0x151: {  	s11 =	sor.u32 $0x430, s6;
	[tilespmem:s2+$0xF000] =	vst v9  }
0x152: {  	v4 =	vperm.xlane v2, v0;
	[tilespmem:s11+$0xF000] =	vst v9  }
0x153: {  	[tilespmem:s10+$0x30] =	vst v5  }
0x154: {  	v5 =	vld [tilespmem:s7+$0xFFFFFFC0];
	[tilespmem:s9+$0x60] =	vst v4  }
0x155: {  	[tilespmem:s9+$0x50] =	vst v2;
	v2 =	vld [tilespmem:s7+$0xFFFFFF20]  }
0x156: {  	s4 =	sor.u32 $0x400, s13;
	v7 =	vperm.xlane v3, v0;
	[tilespmem:s9+$0x70] =	vst v4  }
0x157: {  	v6 =	vld [tilespmem:s7+$0x40];
	[tilespmem:s4+$0xF000] =	vst v4  }
0x158: {  	[tilespmem:s10+$0x60] =	vst v7  }
0x159: {  	s12 =	sand.u32 $0x3, s14;
	[tilespmem:s10+$0x70] =	vst v7  }
0x15a: {  	s0 =	sshll.u32 s12, $0x8;
	[tilespmem:s8+$0x20] =	vst v2  }
0x15b: {  	s0 =	sadd.s32 s20, s0;
	[tilespmem:s9+$0x40] =	vst v5  }
0x15c: {  	s14 =	sor.u32 $0x410, s13;
	s0 =	sadd.s32 $0x100, s0;
	[tilespmem:s10+$0x40] =	vst v6  }
0x15d: {  	s2 =	sor.u32 $0x400, s0;
	[tilespmem:s14+$0xF000] =	vst v4  }
0x15e: {  	s15 =	sor.u32 $0x420, s13;
	v2 =	vld [tilespmem:s7+$0xFFFFFF30];
	[tilespmem:s2+$0xF000] =	vst v7  }
0x15f: {  	s4 =	sor.u32 $0x430, s13;
	[tilespmem:s15+$0xF000] =	vst v4  }
0x160: {  	s2 =	simm.s32 $0x1;
	[tilespmem:s4+$0xF000] =	vst v4  }
0x161: {  	s19 =	sor.u32 $0x410, s0;
	s2 =	simm.s32 @!p0 $0x0;
	[tilespmem:s10+$0x50] =	vst v3  }
0x162: {  	s2 =	sshll.u32 s2, $0x9;
	[tilespmem:s19+$0xF000] =	vst v7  }
0x163: {  	s2 =	sadd.s32 s2, s20;
	s20 =	sor.u32 $0x420, s0;
	[tilespmem:s8+$0x30] =	vst v2  }
0x164: {  	s0 =	sor.u32 $0x430, s0;
	v2 =	vperm.xlane v1, v0;
	[tilespmem:s20+$0xF000] =	vst v7  }
0x165: {  	v4 =	vld [tilespmem:s7+$0xFFFFFF40];
	[tilespmem:s0+$0xF000] =	vst v7  }
0x166: {  	s16 =	sor.u32 $0x400, s2;
	[tilespmem:s8+$0x70] =	vst v2  }
0x167: {  	[tilespmem:s16+$0xF000] =	vst v2  }
0x168: {  	[tilespmem:s8+$0x60] =	vst v2  }
0x169: {  	[tilespmem:s8+$0x50] =	vst v1  }
0x16a: {  	s17 =	sor.u32 $0x410, s2;
	[tilespmem:s8+$0x40] =	vst v4  }
0x16b: {  	s18 =	sor.u32 $0x420, s2;
	[tilespmem:s17+$0xF000] =	vst v2  }
0x16c: {  	s2 =	sor.u32 $0x430, s2;
	[tilespmem:s18+$0xF000] =	vst v2  }
0x16d: {  	[tilespmem:s2+$0xF000] =	vst v2  }
0x16e: {  	s21 =	simm.s32 $0xF000;
	s10 =	simm.s32 $0x0;
	s0 =	rddreg [dreg:$0x9]  }
0x16f: {  	[hbm4b:s0+s10] =	stream.linear.scatter [tilespmem:s21], [sflag:$0x5], $0x6000, $0x38;
	[tilespmem:$0x1B000] =	vst v63  }
0x170: {  	s23 =	simm.s32 $0x3000;
	s22 =	rddreg [dreg:$0xa]  }
0x171: {  	[tilespmem:s23], [sflag:$0x2] =	stream.linear.gather [hbm4b:s22+s10], $0x3000, $0x38;
	[tilespmem:$0x1B000] =	vst v63  }
0x172: {  	_ =	swait.ge [sflag:s28], $0x3000  }
0x173: {  	[sflag:s28] =	ssyncset.done $0x0  }
0x174: {  	s0 =	simm.s32 $0x6100;
	[sflag:s28] =	ssyncadd.s32 $0xFFFFD000  }
0x175: {  	v1 =	vld [tilespmem:s0+$0x80]  }
0x176: {  	v3 =	vld [tilespmem:s0+$0x0]  }
0x177: {  	s26 =	simm.s32 $0x180;
	s24 =	sand.u32 $0x7800, s10;
	v4 =	vld [tilespmem:s0+$0xFFFFFF80]  }
0x178: {  	s4 =	sand.u32 $0x380, s26;
	s7 =	simm.s32 $0x100;
	s2 =	sadd.s32 $0x15000, s24;
	v2 =	vld [tilespmem:s0+$0xD0]  }
0x179: {  	s9 =	simm.s32 $0x80;
	s29 =	sor.u32 s4, s2;
	s4 =	sand.u32 $0x300, s7;
	v6 =	vld [tilespmem:s0+$0x50]  }
0x17a: {  	s11 =	sand.u32 $0x280, s9;
	s6 =	sor.u32 s4, s2;
	v7 =	vld [tilespmem:s0+$0xFFFFFFD0];
	[tilespmem:s29+$0x0] =	vst v1  }
0x17b: {  	s13 =	sor.u32 s11, s2;
	[tilespmem:s6+$0x0] =	vst v3;
	v1 =	vld [tilespmem:s0+$0x90]  }
0x17c: {  	[tilespmem:s13+$0x0] =	vst v4;
	v3 =	vld [tilespmem:s0+$0x10]  }
0x17d: {  	v4 =	vld [tilespmem:s0+$0xFFFFFF90];
	_ =	sdelay $0x2  }
0x17e: {  	[tilespmem:s29+$0x10] =	vst v1  }
0x17f: {  	[tilespmem:s6+$0x10] =	vst v3;
	v1 =	vld [tilespmem:s0+$0xA0]  }
0x180: {  	[tilespmem:s13+$0x10] =	vst v4;
	v3 =	vld [tilespmem:s0+$0x20]  }
0x181: {  	v4 =	vld [tilespmem:s0+$0xFFFFFFA0];
	_ =	sdelay $0x2  }
0x182: {  	v5 =	vld [tilespmem:s0+$0xFFFFFF00];
	[tilespmem:s29+$0x20] =	vst v1  }
0x183: {  	[tilespmem:s6+$0x20] =	vst v3;
	v1 =	vld [tilespmem:s0+$0xB0]  }
0x184: {  	[tilespmem:s13+$0x20] =	vst v4;
	v3 =	vld [tilespmem:s0+$0x30]  }
0x185: {  	s12 =	sand.u32 $0x200, s10;
	v4 =	vld [tilespmem:s0+$0xFFFFFFB0]  }
0x186: {  	s4 =	sor.u32 s12, s2  }
0x187: {  	v8 =	vld [tilespmem:s0+$0xFFFFFF50];
	[tilespmem:s4+$0x0] =	vst v5  }
0x188: {  	[tilespmem:s29+$0x30] =	vst v1  }
0x189: {  	[tilespmem:s6+$0x30] =	vst v3  }
0x18a: {  	v5 =	vperm.xlane v2, v0;
	[tilespmem:s13+$0x30] =	vst v4  }
0x18b: {  	v1 =	vld [tilespmem:s0+$0xC0];
	[tilespmem:s29+$0x50] =	vst v2  }
0x18c: {  	s14 =	sand.u32 $0x7, s10;
	s7 =	simm.s32 $0x6300;
	v10 =	vperm.xlane v7, v0;
	[tilespmem:s29+$0x60] =	vst v5  }
0x18d: {  	s2 =	sshll.u32 s14, $0x7;
	v3 =	vld [tilespmem:s7+$0x80];
	[tilespmem:s29+$0x70] =	vst v5  }
0x18e: {  	s2 =	sadd.s32 $0x0, s2;
	v11 =	vld [tilespmem:s0+$0xFFFFFFC0];
	[tilespmem:s13+$0x60] =	vst v10  }
0x18f: {  	s26 =	simm.s32 $0x380;
	s11 =	simm.s32 $0x400;
	s15 =	sadd.s32 $0x180, s2;
	[tilespmem:s13+$0x70] =	vst v10  }
0x190: {  	s20 =	sand.u32 $0x7800, s11;
	s2 =	sadd.s32 $0x80, s2;
	s17 =	sor.u32 $0x400, s15;
	v2 =	vld [tilespmem:s0+$0xFFFFFF10];
	[tilespmem:s13+$0x50] =	vst v7  }
0x191: {  	s12 =	sand.u32 $0x380, s26;
	s22 =	sadd.s32 $0x15000, s20;
	s16 =	sor.u32 $0x400, s2;
	v7 =	vld [tilespmem:s0+$0x40];
	[tilespmem:s17+$0x15000] =	vst v5  }
0x192: {  	s12 =	sor.u32 s12, s22;
	[tilespmem:s16+$0x15000] =	vst v10  }
0x193: {  	v4 =	vld [tilespmem:s7+$0xD0];
	[tilespmem:s12+$0x0] =	vst v3  }
0x194: {  	[tilespmem:s29+$0x40] =	vst v1  }
0x195: {  	[tilespmem:s4+$0x10] =	vst v2  }
0x196: {  	[tilespmem:s6+$0x40] =	vst v7  }
0x197: {  	s18 =	sor.u32 $0x410, s15;
	[tilespmem:s13+$0x40] =	vst v11  }
0x198: {  	s19 =	sor.u32 $0x420, s15;
	[tilespmem:s18+$0x15000] =	vst v5  }
0x199: {  	v1 =	vld [tilespmem:s7+$0xFFFFFF80];
	s18 =	sor.u32 $0x410, s2;
	[tilespmem:s19+$0x15000] =	vst v5  }
0x19a: {  	s14 =	sor.u32 $0x430, s15;
	v9 =	vld [tilespmem:s7+$0xFFFFFF00];
	[tilespmem:s18+$0x15000] =	vst v10  }
0x19b: {  	s21 =	simm.s32 $0x280;
	s19 =	sor.u32 $0x420, s2;
	[tilespmem:s14+$0x15000] =	vst v5  }
0x19c: {  	s24 =	simm.s32 $0x200;
	s23 =	sand.u32 $0x280, s21;
	v3 =	vld [tilespmem:s0+$0xFFFFFF20];
	s2 =	sor.u32 $0x430, s2;
	[tilespmem:s19+$0x15000] =	vst v10  }
0x19d: {  	s8 =	sand.u32 $0x200, s24;
	s10 =	sand.u32 $0x3, s10;
	s9 =	sor.u32 s23, s22;
	v7 =	vld [tilespmem:s7+$0x0];
	[tilespmem:s2+$0x15000] =	vst v10  }
0x19e: {  	s8 =	sor.u32 s8, s22;
	s10 =	sshll.u32 s10, $0x8;
	v2 =	vld [tilespmem:s7+$0xFFFFFFD0];
	v5 =	vperm.xlane v6, v0;
	[tilespmem:s9+$0x0] =	vst v1  }
0x19f: {  	s10 =	sadd.s32 $0x0, s10;
	s14 =	simm.s32 $0x300;
	v1 =	vld [tilespmem:s7+$0xFFFFFF50];
	[tilespmem:s8+$0x0] =	vst v9  }
0x1a0: {  	s29 =	sadd.s32 $0x100, s10;
	s10 =	sand.u32 $0x300, s14;
	[tilespmem:s6+$0x60] =	vst v5;
	v9 =	vld [tilespmem:s7+$0xFFFFFF90]  }
0x1a1: {  	s10 =	sor.u32 s10, s22;
	[tilespmem:s4+$0x20] =	vst v3;
	v3 =	vld [tilespmem:s7+$0x50]  }
0x1a2: {  	[tilespmem:s10+$0x0] =	vst v7;
	v7 =	vld [tilespmem:s7+$0x90]  }
0x1a3: {  	s17 =	sor.u32 $0x400, s29;
	[tilespmem:s6+$0x70] =	vst v5;
	v12 =	vld [tilespmem:s0+$0xFFFFFF30]  }
0x1a4: {  	p5 =	por $0x0, $0x0;
	[tilespmem:s17+$0x15000] =	vst v5  }
0x1a5: {  	p1 =	por p5, p5;
	s13 =	simm.s32 $0x1;
	[tilespmem:s6+$0x50] =	vst v6  }
0x1a6: {  	s13 =	simm.s32 @!p1 $0x0;
	[tilespmem:s9+$0x10] =	vst v9  }
0x1a7: {  	s20 =	sshll.u32 s13, $0x9;
	[tilespmem:s12+$0x10] =	vst v7;
	v9 =	vperm.xlane v8, v0  }
0x1a8: {  	s2 =	sadd.s32 $0x0, s20;
	[tilespmem:s4+$0x30] =	vst v12;
	v10 =	vld [tilespmem:s7+$0xA0]  }
0x1a9: {  	s21 =	sor.u32 $0x400, s2;
	v7 =	vld [tilespmem:s0+$0xFFFFFF40];
	[tilespmem:s4+$0x70] =	vst v9  }
0x1aa: {  	[tilespmem:s21+$0x15000] =	vst v9  }
0x1ab: {  	[tilespmem:s4+$0x60] =	vst v9  }
0x1ac: {  	[tilespmem:s4+$0x50] =	vst v8  }
0x1ad: {  	p6 =	por !p5, !p5;
	[tilespmem:s12+$0x20] =	vst v10  }
0x1ae: {  	p0 =	por p6, p6;
	s23 =	sor.u32 $0x410, s2;
	[tilespmem:s4+$0x40] =	vst v7  }
0x1af: {  	s15 =	sor.u32 $0x430, s29;
	s26 =	sor.u32 $0x410, s29;
	s24 =	sor.u32 $0x420, s2;
	[tilespmem:s23+$0x15000] =	vst v9  }
0x1b0: {  	s29 =	sor.u32 $0x420, s29;
	s2 =	sor.u32 $0x430, s2;
	s0 =	simm.s32 $0x4;
	v8 =	vld [tilespmem:s7+$0x10];
	[tilespmem:s24+$0x15000] =	vst v9  }
0x1b1: {  	p1 =	por !p6, !p6;
	s14 =	simm.s32 $0x2;
	s22 =	sand.u32 $0x7, s0;
	[tilespmem:s2+$0x15000] =	vst v9;
	v9 =	vld [tilespmem:s7+$0xB0]  }
0x1b2: {  	s20 =	simm.s32 $0x400;
	[tilespmem:s26+$0x15000] =	vst v5;
	s26 =	simm.s32 $0x6500;
	s6 =	sshll.u32 s22, $0x7  }
0x1b3: {  	v6 =	vld [tilespmem:s7+$0xFFFFFF10];
	s21 =	simm.s32 $0x4;
	s22 =	simm.s32 $0x400;
	s6 =	sadd.s32 $0x400, s6  }
0x1b4: {  	[tilespmem:s29+$0x15000] =	vst v5;
	s13 =	sadd.s32 $0x80, s6;
	s6 =	sadd.s32 $0x180, s6;
	v7 =	vld [tilespmem:s7+$0xFFFFFFA0];
	s24 =	simm.s32 $0x4  }
.LBB2_6:
0x1b5: {  	s21 =	sadd.s32 $0x4, s21;
	[tilespmem:s10+$0x10] =	vst v8;
	s0 =	sadd.s32 $0x4, s0;
	s11 =	sadd.s32 $0x400, s11  }
0x1b6: {  	s2 =	sand.u32 $0x7, s0;
	p2 =	slt.u32 s21, $0x5C;
	v8 =	vld [tilespmem:s7+$0x20];
	[tilespmem:s12+$0x30] =	vst v9  }
0x1b7: {  	v10 =	vperm.xlane v4, v0;
	s17 =	sor.u32 $0x400, s6;
	s4 =	sand.u32 $0x7800, s11;
	s2 =	sshll.u32 s2, $0x7;
	v9 =	vld [tilespmem:s7+$0xC0];
	[tilespmem:s15+$0x15000] =	vst v5  }
0x1b8: {  	s15 =	sand.u32 $0x200, s22;
	s18 =	sadd.s32 $0x15000, s4;
	s4 =	sadd.s32 $0x80, s22;
	[tilespmem:s12+$0x50] =	vst v4  }
0x1b9: {  	s19 =	sor.u32 s15, s18;
	s4 =	sand.u32 $0x280, s4;
	s15 =	sadd.s32 $0x100, s22;
	[tilespmem:s12+$0x60] =	vst v10  }
0x1ba: {  	s16 =	sor.u32 s4, s18;
	s4 =	sand.u32 $0x300, s15;
	s15 =	sadd.s32 $0x180, s22;
	[tilespmem:s12+$0x70] =	vst v10  }
0x1bb: {  	s2 =	sadd.s32 s11, s2;
	s4 =	sor.u32 s4, s18;
	s15 =	sand.u32 $0x380, s15;
	[tilespmem:s17+$0x15000] =	vst v10  }
0x1bc: {  	s29 =	sadd.s32 $0x80, s2;
	s2 =	sadd.s32 $0x180, s2;
	s15 =	sor.u32 s15, s18;
	v4 =	vld [tilespmem:s26+$0xD0];
	[tilespmem:s10+$0x20] =	vst v8  }
0x1bd: {  	[tilespmem:s9+$0x20] =	vst v7;
	v5 =	vld [tilespmem:s7+$0x30]  }
0x1be: {  	s17 =	sor.u32 $0x410, s6;
	v7 =	vld [tilespmem:s7+$0xFFFFFFB0];
	[tilespmem:s12+$0x40] =	vst v9;
	s12 =	smov.u32 s15  }
0x1bf: {  	s15 =	sor.u32 $0x420, s6;
	v8 =	vld [tilespmem:s26+$0xFFFFFF80];
	[tilespmem:s17+$0x15000] =	vst v10  }
0x1c0: {  	v9 =	vld [tilespmem:s26+$0x80];
	[tilespmem:s15+$0x15000] =	vst v10  }
0x1c1: {  	v11 =	vld [tilespmem:s26+$0xFFFFFF50];
	[tilespmem:s8+$0x10] =	vst v6  }
0x1c2: {  	v6 =	vld [tilespmem:s26+$0xFFFFFF00];
	[tilespmem:s10+$0x30] =	vst v5  }
0x1c3: {  	v5 =	vld [tilespmem:s26+$0xFFFFFFD0];
	[tilespmem:s9+$0x30] =	vst v7;
	v7 =	vperm.xlane v2, v0  }
0x1c4: {  	[tilespmem:s16+$0x0] =	vst v8;
	v8 =	vld [tilespmem:s7+$0xFFFFFFC0]  }
0x1c5: {  	[tilespmem:s9+$0x60] =	vst v7  }
0x1c6: {  	[tilespmem:s9+$0x70] =	vst v7  }
0x1c7: {  	s15 =	sor.u32 $0x400, s13;
	[tilespmem:s9+$0x50] =	vst v2;
	v12 =	vld [tilespmem:s7+$0x40]  }
0x1c8: {  	v13 =	vld [tilespmem:s26+$0x50];
	[tilespmem:s15+$0x15000] =	vst v7;
	v2 =	vmov v5  }
0x1c9: {  	[tilespmem:s19+$0x0] =	vst v6  }
0x1ca: {  	s15 =	sor.u32 $0x430, s6;
	s6 =	smov.u32 s2;
	[tilespmem:s12+$0x0] =	vst v9  }
0x1cb: {  	v9 =	vld [tilespmem:s7+$0xFFFFFF20];
	[tilespmem:s15+$0x15000] =	vst v10  }
0x1cc: {  	s2 =	sand.u32 $0x3, s14;
	v5 =	vperm.xlane v3, v0;
	s14 =	smov.u32 s24  }
0x1cd: {  	s2 =	sshll.u32 s2, $0x8;
	v10 =	vld [tilespmem:s26+$0xFFFFFF90];
	[tilespmem:s10+$0x40] =	vst v12  }
0x1ce: {  	s2 =	sadd.s32 s20, s2;
	v12 =	vld [tilespmem:s26+$0x0];
	[tilespmem:s10+$0x60] =	vst v5  }
0x1cf: {  	s17 =	sadd.s32 $0x100, s2;
	[tilespmem:s10+$0x70] =	vst v5  }
0x1d0: {  	s2 =	sor.u32 $0x400, s17;
	s15 =	sor.u32 $0x430, s17;
	v6 =	vld [tilespmem:s26+$0xFFFFFF10];
	[tilespmem:s8+$0x20] =	vst v9  }
0x1d1: {  	v9 =	vld [tilespmem:s7+$0xFFFFFF30];
	[tilespmem:s2+$0x15000] =	vst v5  }
0x1d2: {  	[tilespmem:s16+$0x10] =	vst v10  }
0x1d3: {  	[tilespmem:s4+$0x0] =	vst v12  }
0x1d4: {  	s2 =	sor.u32 $0x410, s13;
	v10 =	vld [tilespmem:s26+$0x90];
	[tilespmem:s9+$0x40] =	vst v8;
	s9 =	smov.u32 s16  }
0x1d5: {  	v8 =	vld [tilespmem:s26+$0x10];
	[tilespmem:s2+$0x15000] =	vst v7;
	s2 =	sor.u32 $0x420, s13  }
0x1d6: {  	[tilespmem:s2+$0x15000] =	vst v7  }
0x1d7: {  	s16 =	simm.s32 $0x1;
	s2 =	sor.u32 $0x430, s13;
	s13 =	smov.u32 s29;
	[tilespmem:s8+$0x30] =	vst v9  }
0x1d8: {  	s16 =	simm.s32 @!p0 $0x0;
	p0 =	por p1, p1;
	[tilespmem:s2+$0x15000] =	vst v7  }
0x1d9: {  	s2 =	sshll.u32 s16, $0x9;
	[tilespmem:s12+$0x10] =	vst v10;
	v9 =	vld [tilespmem:s7+$0xFFFFFF40];
	v10 =	vperm.xlane v1, v0;
	s7 =	smov.u32 s26  }
0x1da: {  	s2 =	sadd.s32 s2, s20;
	s20 =	smov.u32 s11;
	v12 =	vld [tilespmem:s26+$0xA0];
	[tilespmem:s10+$0x50] =	vst v3;
	v3 =	vmov v13;
	s10 =	smov.u32 s4  }
0x1db: {  	s4 =	sor.u32 $0x400, s2;
	[tilespmem:s8+$0x70] =	vst v10  }
0x1dc: {  	v7 =	vld [tilespmem:s26+$0xFFFFFFA0];
	[tilespmem:s4+$0x15000] =	vst v10  }
0x1dd: {  	[tilespmem:s8+$0x60] =	vst v10  }
0x1de: {  	[tilespmem:s8+$0x50] =	vst v1;
	v1 =	vmov v11  }
0x1df: {  	[tilespmem:s12+$0x20] =	vst v12  }
0x1e0: {  	s4 =	sor.u32 $0x410, s2;
	[tilespmem:s8+$0x40] =	vst v9;
	s8 =	smov.u32 s19  }
.Ltmp4:
0x1e1: {  	[tilespmem:s4+$0x15000] =	vst v10;
	s4 =	sor.u32 $0x420, s2;
	(pc) =	sbr.rel @p2 .LBB2_6-.Ltmp4, $4  }
0x1e2: {  	s2 =	sor.u32 $0x430, s2;
	v9 =	vld [tilespmem:s26+$0xB0];
	[tilespmem:s4+$0x15000] =	vst v10  }
0x1e3: {  	[tilespmem:s2+$0x15000] =	vst v10;
	s2 =	sor.u32 $0x410, s17  }
0x1e4: {  	s22 =	sadd.s32 $0x200, s22;
	[tilespmem:s2+$0x15000] =	vst v5;
	s2 =	sor.u32 $0x420, s17  }
0x1e5: {  	s24 =	sadd.s32 $0x2, s24;
	p1 =	por !p1, !p1;
	s26 =	sadd.s32 $0x200, s26;
	[tilespmem:s2+$0x15000] =	vst v5  }
0x1e6: {  	[tilespmem:s10+$0x10] =	vst v8  }
0x1e7: {  	[tilespmem:s15+$0x15000] =	vst v5  }
0x1e8: {  	[tilespmem:s9+$0x20] =	vst v7  }
0x1e9: {  	[tilespmem:s8+$0x10] =	vst v6;
	v57 =	vld [tilespmem:s7+$0x20]  }
0x1ea: {  	v56 =	vperm.xlane v4, v0;
	[tilespmem:s12+$0x30] =	vst v9;
	v58 =	vld [tilespmem:s7+$0xFFFFFFB0]  }
0x1eb: {  	v55 =	vld [tilespmem:s7+$0xC0];
	[tilespmem:s12+$0x50] =	vst v4  }
0x1ec: {  	[tilespmem:s12+$0x60] =	vst v56  }
0x1ed: {  	s0 =	sor.u32 $0x400, s6;
	[tilespmem:s12+$0x70] =	vst v56  }
0x1ee: {  	[tilespmem:s0+$0x15000] =	vst v56  }
0x1ef: {  	[tilespmem:s10+$0x20] =	vst v57  }
0x1f0: {  	v59 =	vperm.xlane v2, v0;
	[tilespmem:s9+$0x30] =	vst v58  }
0x1f1: {  	[tilespmem:s12+$0x40] =	vst v55  }
0x1f2: {  	v60 =	vld [tilespmem:s7+$0xFFFFFFC0];
	[tilespmem:s9+$0x60] =	vst v59  }
0x1f3: {  	[tilespmem:s9+$0x70] =	vst v59  }
0x1f4: {  	s4 =	sor.u32 $0x410, s6;
	v5 =	vld [tilespmem:s7+$0x30];
	[tilespmem:s9+$0x50] =	vst v2  }
0x1f5: {  	s12 =	sor.u32 $0x400, s13;
	v2 =	vld [tilespmem:s7+$0xFFFFFF20];
	[tilespmem:s4+$0x15000] =	vst v56  }
0x1f6: {  	s11 =	sor.u32 $0x420, s6;
	[tilespmem:s12+$0x15000] =	vst v59  }
0x1f7: {  	s15 =	sor.u32 $0x430, s6;
	[tilespmem:s11+$0x15000] =	vst v56  }
0x1f8: {  	[tilespmem:s15+$0x15000] =	vst v56  }
0x1f9: {  	[tilespmem:s10+$0x30] =	vst v5  }
0x1fa: {  	v62 =	vperm.xlane v3, v0;
	[tilespmem:s8+$0x20] =	vst v2  }
0x1fb: {  	[tilespmem:s9+$0x40] =	vst v60  }
0x1fc: {  	v61 =	vld [tilespmem:s7+$0x40];
	[tilespmem:s10+$0x60] =	vst v62  }
0x1fd: {  	s17 =	sor.u32 $0x410, s13;
	[tilespmem:s10+$0x70] =	vst v62;
	v2 =	vld [tilespmem:s7+$0xFFFFFF30]  }
0x1fe: {  	s16 =	sand.u32 $0x3, s14;
	s18 =	sor.u32 $0x420, s13;
	[tilespmem:s17+$0x15000] =	vst v59  }
0x1ff: {  	s0 =	sshll.u32 s16, $0x8;
	s4 =	sor.u32 $0x430, s13;
	[tilespmem:s18+$0x15000] =	vst v59  }
0x200: {  	s0 =	sadd.s32 s20, s0;
	[tilespmem:s4+$0x15000] =	vst v59  }
0x201: {  	s0 =	sadd.s32 $0x100, s0;
	[tilespmem:s10+$0x40] =	vst v61  }
0x202: {  	s2 =	sor.u32 $0x400, s0;
	[tilespmem:s8+$0x30] =	vst v2  }
0x203: {  	v2 =	vperm.xlane v1, v0;
	[tilespmem:s2+$0x15000] =	vst v62  }
0x204: {  	s2 =	simm.s32 $0x1;
	[tilespmem:s10+$0x50] =	vst v3  }
0x205: {  	s22 =	sor.u32 $0x410, s0;
	v63 =	vld [tilespmem:s7+$0xFFFFFF40];
	s2 =	simm.s32 @!p0 $0x0;
	[tilespmem:s8+$0x70] =	vst v2  }
0x206: {  	s23 =	sor.u32 $0x420, s0;
	s2 =	sshll.u32 s2, $0x9;
	[tilespmem:s22+$0x15000] =	vst v62  }
0x207: {  	s0 =	sor.u32 $0x430, s0;
	s2 =	sadd.s32 s2, s20;
	[tilespmem:s23+$0x15000] =	vst v62  }
0x208: {  	s19 =	sor.u32 $0x400, s2;
	[tilespmem:s0+$0x15000] =	vst v62  }
0x209: {  	[tilespmem:s19+$0x15000] =	vst v2  }
0x20a: {  	[tilespmem:s8+$0x60] =	vst v2  }
0x20b: {  	[tilespmem:s8+$0x50] =	vst v1  }
0x20c: {  	s20 =	sor.u32 $0x410, s2;
	[tilespmem:s8+$0x40] =	vst v63  }
0x20d: {  	s21 =	sor.u32 $0x420, s2;
	[tilespmem:s20+$0x15000] =	vst v2  }
0x20e: {  	s2 =	sor.u32 $0x430, s2;
	[tilespmem:s21+$0x15000] =	vst v2  }
0x20f: {  	[tilespmem:s2+$0x15000] =	vst v2  }
0x210: {  	s24 =	simm.s32 $0x15000;
	s0 =	rddreg [dreg:$0xb]  }
0x211: {  	[hbm4b:s0+s3] =	stream.linear.scatter [tilespmem:s24], [sflag:$0x6], $0x6000, $0x38;
	[tilespmem:$0x1B000] =	vst v63  }
0x212: {  	s29 =	simm.s32 $0x6000;
	s21 =	simm.s32 $0x1;
	s26 =	rddreg [dreg:$0xc]  }
0x213: {  	[tilespmem:s29], [sflag:$0x3] =	stream.linear.gather [hbm4b:s26+s3], $0x3000, $0x38;
	[tilespmem:$0x1B000] =	vst v63  }
.LBB2_8:
0x214: {  	s0 =	simm.s32 $0x1  }
0x215: {  	_ =	swait.ge [sflag:s0], $0x3000  }
0x216: {  	[sflag:s0] =	ssyncset.done $0x0  }
0x217: {  	[sflag:s0] =	ssyncadd.s32 $0xFFFFD000  }
0x218: {  	_ =	swait.ge [sflag:s30], $0x6000  }
0x219: {  	[sflag:s30] =	ssyncset.done $0x0  }
0x21a: {  	s0 =	simm.s32 $0x100;
	[sflag:s30] =	ssyncadd.s32 $0xFFFFA000  }
0x21b: {  	v1 =	vld [tilespmem:s0+$0x80]  }
0x21c: {  	s10 =	simm.s32 $0x0;
	v3 =	vld [tilespmem:s0+$0x0]  }
0x21d: {  	s4 =	simm.s32 $0x180;
	s2 =	sand.u32 $0x7800, s10;
	v4 =	vld [tilespmem:s0+$0xFFFFFF80]  }
0x21e: {  	s9 =	simm.s32 $0x100;
	s4 =	sand.u32 $0x380, s4;
	s2 =	sadd.s32 $0x9000, s2;
	v2 =	vld [tilespmem:s0+$0xD0]  }
0x21f: {  	s7 =	simm.s32 $0x80;
	s8 =	sor.u32 s4, s2;
	s4 =	sand.u32 $0x300, s9;
	v6 =	vld [tilespmem:s0+$0x50]  }
0x220: {  	s11 =	sand.u32 $0x280, s7;
	s6 =	sor.u32 s4, s2;
	v7 =	vld [tilespmem:s0+$0xFFFFFFD0];
	[tilespmem:s8+$0x0] =	vst v1  }
0x221: {  	s13 =	sor.u32 s11, s2;
	[tilespmem:s6+$0x0] =	vst v3;
	v1 =	vld [tilespmem:s0+$0x90]  }
0x222: {  	[tilespmem:s13+$0x0] =	vst v4;
	v3 =	vld [tilespmem:s0+$0x10]  }
0x223: {  	v4 =	vld [tilespmem:s0+$0xFFFFFF90];
	_ =	sdelay $0x2  }
0x224: {  	[tilespmem:s8+$0x10] =	vst v1  }
0x225: {  	[tilespmem:s6+$0x10] =	vst v3;
	v1 =	vld [tilespmem:s0+$0xA0]  }
0x226: {  	[tilespmem:s13+$0x10] =	vst v4;
	v3 =	vld [tilespmem:s0+$0x20]  }
0x227: {  	v4 =	vld [tilespmem:s0+$0xFFFFFFA0];
	_ =	sdelay $0x2  }
0x228: {  	v5 =	vld [tilespmem:s0+$0xFFFFFF00];
	[tilespmem:s8+$0x20] =	vst v1  }
0x229: {  	[tilespmem:s6+$0x20] =	vst v3;
	v1 =	vld [tilespmem:s0+$0xB0]  }
0x22a: {  	[tilespmem:s13+$0x20] =	vst v4;
	v3 =	vld [tilespmem:s0+$0x30]  }
0x22b: {  	s12 =	sand.u32 $0x200, s10;
	v4 =	vld [tilespmem:s0+$0xFFFFFFB0]  }
0x22c: {  	s4 =	sor.u32 s12, s2  }
0x22d: {  	v8 =	vld [tilespmem:s0+$0xFFFFFF50];
	[tilespmem:s4+$0x0] =	vst v5  }
0x22e: {  	[tilespmem:s8+$0x30] =	vst v1  }
0x22f: {  	[tilespmem:s6+$0x30] =	vst v3  }
0x230: {  	v5 =	vperm.xlane v2, v0;
	[tilespmem:s13+$0x30] =	vst v4  }
0x231: {  	s14 =	sand.u32 $0x7, s10;
	v1 =	vld [tilespmem:s0+$0xC0];
	[tilespmem:s8+$0x50] =	vst v2  }
0x232: {  	s7 =	simm.s32 $0x300;
	s2 =	sshll.u32 s14, $0x7;
	v10 =	vperm.xlane v7, v0;
	[tilespmem:s8+$0x60] =	vst v5  }
0x233: {  	s2 =	sadd.s32 $0x0, s2;
	v3 =	vld [tilespmem:s7+$0x80];
	[tilespmem:s8+$0x70] =	vst v5  }
0x234: {  	s11 =	simm.s32 $0x400;
	s14 =	sadd.s32 $0x180, s2;
	v11 =	vld [tilespmem:s0+$0xFFFFFFC0];
	[tilespmem:s13+$0x60] =	vst v10  }
0x235: {  	s18 =	sand.u32 $0x7800, s11;
	s12 =	simm.s32 $0x380;
	s15 =	sor.u32 $0x400, s14;
	v2 =	vld [tilespmem:s0+$0xFFFFFF10];
	[tilespmem:s13+$0x50] =	vst v7  }
0x236: {  	s12 =	sand.u32 $0x380, s12;
	v7 =	vld [tilespmem:s0+$0x40];
	[tilespmem:s15+$0x9000] =	vst v5;
	s15 =	sadd.s32 $0x9000, s18  }
0x237: {  	[tilespmem:s13+$0x70] =	vst v10;
	s12 =	sor.u32 s12, s15  }
0x238: {  	v4 =	vld [tilespmem:s7+$0xD0];
	[tilespmem:s12+$0x0] =	vst v3  }
0x239: {  	[tilespmem:s8+$0x40] =	vst v1  }
0x23a: {  	[tilespmem:s4+$0x10] =	vst v2  }
0x23b: {  	s16 =	sor.u32 $0x410, s14;
	[tilespmem:s6+$0x40] =	vst v7  }
0x23c: {  	s2 =	sadd.s32 $0x80, s2;
	s17 =	sor.u32 $0x420, s14;
	[tilespmem:s16+$0x9000] =	vst v5  }
0x23d: {  	v1 =	vld [tilespmem:s7+$0xFFFFFF80];
	s16 =	sor.u32 $0x400, s2;
	[tilespmem:s17+$0x9000] =	vst v5  }
0x23e: {  	v9 =	vld [tilespmem:s7+$0xFFFFFF00];
	s14 =	sor.u32 $0x430, s14;
	[tilespmem:s16+$0x9000] =	vst v10  }
0x23f: {  	s9 =	simm.s32 $0x280;
	[tilespmem:s14+$0x9000] =	vst v5  }
0x240: {  	s20 =	simm.s32 $0x200;
	s19 =	sand.u32 $0x280, s9;
	s24 =	sor.u32 $0x410, s2;
	v2 =	vld [tilespmem:s7+$0xFFFFFFD0];
	[tilespmem:s13+$0x40] =	vst v11  }
0x241: {  	s9 =	sor.u32 s19, s15;
	s8 =	sand.u32 $0x200, s20;
	v3 =	vld [tilespmem:s0+$0xFFFFFF20];
	[tilespmem:s24+$0x9000] =	vst v10  }
0x242: {  	s10 =	sand.u32 $0x3, s10;
	v7 =	vld [tilespmem:s7+$0x0];
	s8 =	sor.u32 s8, s15;
	v5 =	vperm.xlane v6, v0;
	[tilespmem:s9+$0x0] =	vst v1  }
0x243: {  	s10 =	sshll.u32 s10, $0x8;
	v1 =	vld [tilespmem:s7+$0xFFFFFF50];
	[tilespmem:s8+$0x0] =	vst v9  }
0x244: {  	s22 =	simm.s32 $0x300;
	s10 =	sadd.s32 $0x0, s10;
	[tilespmem:s6+$0x60] =	vst v5  }
0x245: {  	s16 =	sadd.s32 $0x100, s10;
	s10 =	sand.u32 $0x300, s22;
	[tilespmem:s6+$0x70] =	vst v5;
	v9 =	vld [tilespmem:s7+$0xFFFFFF90]  }
0x246: {  	s10 =	sor.u32 s10, s15;
	[tilespmem:s4+$0x20] =	vst v3;
	v3 =	vld [tilespmem:s7+$0x50]  }
0x247: {  	s26 =	sor.u32 $0x420, s2;
	[tilespmem:s10+$0x0] =	vst v7;
	v7 =	vld [tilespmem:s7+$0x90]  }
0x248: {  	s23 =	sor.u32 $0x400, s16;
	[tilespmem:s26+$0x9000] =	vst v10;
	v12 =	vld [tilespmem:s0+$0xFFFFFF30]  }
0x249: {  	p0 =	por $0x0, $0x0;
	s2 =	sor.u32 $0x430, s2;
	[tilespmem:s23+$0x9000] =	vst v5  }
0x24a: {  	p1 =	por p0, p0;
	s13 =	simm.s32 $0x1;
	[tilespmem:s2+$0x9000] =	vst v10  }
0x24b: {  	s13 =	simm.s32 @!p1 $0x0;
	[tilespmem:s9+$0x10] =	vst v9  }
0x24c: {  	s14 =	sshll.u32 s13, $0x9;
	[tilespmem:s12+$0x10] =	vst v7;
	v9 =	vperm.xlane v8, v0  }
0x24d: {  	s2 =	sadd.s32 $0x0, s14;
	[tilespmem:s4+$0x30] =	vst v12;
	v10 =	vld [tilespmem:s7+$0xA0]  }
0x24e: {  	s15 =	sor.u32 $0x400, s2;
	v7 =	vld [tilespmem:s0+$0xFFFFFF40];
	[tilespmem:s4+$0x70] =	vst v9  }
0x24f: {  	[tilespmem:s15+$0x9000] =	vst v9  }
0x250: {  	[tilespmem:s4+$0x60] =	vst v9  }
0x251: {  	[tilespmem:s4+$0x50] =	vst v8  }
0x252: {  	[tilespmem:s12+$0x20] =	vst v10  }
0x253: {  	s29 =	simm.s32 $0x500;
	p6 =	por !p0, !p0;
	s18 =	sor.u32 $0x410, s2;
	[tilespmem:s4+$0x40] =	vst v7  }
0x254: {  	p0 =	por p6, p6;
	s22 =	simm.s32 $0x4;
	s19 =	sor.u32 $0x420, s2;
	[tilespmem:s18+$0x9000] =	vst v9  }
0x255: {  	s20 =	sor.u32 $0x410, s16;
	s2 =	sor.u32 $0x430, s2;
	s0 =	simm.s32 $0x4;
	v8 =	vld [tilespmem:s7+$0x10];
	[tilespmem:s19+$0x9000] =	vst v9  }
0x256: {  	s24 =	simm.s32 $0x400;
	p1 =	por !p6, !p6;
	s17 =	sand.u32 $0x7, s0;
	[tilespmem:s2+$0x9000] =	vst v9;
	v9 =	vld [tilespmem:s7+$0xB0]  }
0x257: {  	s26 =	simm.s32 $0x4;
	s14 =	simm.s32 $0x2;
	[tilespmem:s6+$0x50] =	vst v6;
	s6 =	sshll.u32 s17, $0x7  }
0x258: {  	s23 =	sor.u32 $0x420, s16;
	v6 =	vld [tilespmem:s7+$0xFFFFFF10];
	[tilespmem:s20+$0x9000] =	vst v5;
	s20 =	simm.s32 $0x400;
	s6 =	sadd.s32 $0x400, s6  }
0x259: {  	[tilespmem:s23+$0x9000] =	vst v5;
	s15 =	sor.u32 $0x430, s16;
	s13 =	sadd.s32 $0x80, s6;
	s6 =	sadd.s32 $0x180, s6;
	v7 =	vld [tilespmem:s7+$0xFFFFFFA0]  }
.LBB2_9:
0x25a: {  	s22 =	sadd.s32 $0x4, s22;
	[tilespmem:s10+$0x10] =	vst v8;
	s0 =	sadd.s32 $0x4, s0;
	s11 =	sadd.s32 $0x400, s11  }
0x25b: {  	s2 =	sand.u32 $0x7, s0;
	p2 =	slt.u32 s22, $0x5C;
	v8 =	vld [tilespmem:s7+$0x20];
	[tilespmem:s12+$0x30] =	vst v9  }
0x25c: {  	v10 =	vperm.xlane v4, v0;
	s17 =	sor.u32 $0x400, s6;
	s4 =	sand.u32 $0x7800, s11;
	s2 =	sshll.u32 s2, $0x7;
	v9 =	vld [tilespmem:s7+$0xC0];
	[tilespmem:s15+$0x9000] =	vst v5  }
0x25d: {  	s15 =	sand.u32 $0x200, s24;
	s18 =	sadd.s32 $0x9000, s4;
	s4 =	sadd.s32 $0x80, s24;
	[tilespmem:s12+$0x50] =	vst v4  }
0x25e: {  	s19 =	sor.u32 s15, s18;
	s4 =	sand.u32 $0x280, s4;
	s15 =	sadd.s32 $0x100, s24;
	[tilespmem:s12+$0x60] =	vst v10  }
0x25f: {  	s16 =	sor.u32 s4, s18;
	s4 =	sand.u32 $0x300, s15;
	s15 =	sadd.s32 $0x180, s24;
	[tilespmem:s12+$0x70] =	vst v10  }
0x260: {  	s2 =	sadd.s32 s11, s2;
	s4 =	sor.u32 s4, s18;
	s15 =	sand.u32 $0x380, s15;
	[tilespmem:s17+$0x9000] =	vst v10  }
0x261: {  	s17 =	sadd.s32 $0x80, s2;
	s15 =	sor.u32 s15, s18;
	s2 =	sadd.s32 $0x180, s2;
	v4 =	vld [tilespmem:s29+$0xD0];
	[tilespmem:s10+$0x20] =	vst v8  }
0x262: {  	[tilespmem:s9+$0x20] =	vst v7;
	v5 =	vld [tilespmem:s7+$0x30]  }
0x263: {  	s18 =	sor.u32 $0x410, s6;
	v7 =	vld [tilespmem:s7+$0xFFFFFFB0];
	[tilespmem:s12+$0x40] =	vst v9;
	s12 =	smov.u32 s15  }
0x264: {  	s15 =	sor.u32 $0x420, s6;
	v8 =	vld [tilespmem:s29+$0xFFFFFF80];
	[tilespmem:s18+$0x9000] =	vst v10  }
0x265: {  	v9 =	vld [tilespmem:s29+$0x80];
	[tilespmem:s15+$0x9000] =	vst v10  }
0x266: {  	v11 =	vld [tilespmem:s29+$0xFFFFFF50];
	[tilespmem:s8+$0x10] =	vst v6  }
0x267: {  	v6 =	vld [tilespmem:s29+$0xFFFFFF00];
	[tilespmem:s10+$0x30] =	vst v5  }
0x268: {  	v5 =	vld [tilespmem:s29+$0xFFFFFFD0];
	[tilespmem:s9+$0x30] =	vst v7;
	v7 =	vperm.xlane v2, v0  }
0x269: {  	[tilespmem:s16+$0x0] =	vst v8;
	v8 =	vld [tilespmem:s7+$0xFFFFFFC0]  }
0x26a: {  	[tilespmem:s9+$0x60] =	vst v7  }
0x26b: {  	[tilespmem:s9+$0x70] =	vst v7  }
0x26c: {  	s15 =	sor.u32 $0x400, s13;
	[tilespmem:s9+$0x50] =	vst v2;
	v12 =	vld [tilespmem:s7+$0x40]  }
0x26d: {  	v13 =	vld [tilespmem:s29+$0x50];
	[tilespmem:s15+$0x9000] =	vst v7;
	v2 =	vmov v5  }
0x26e: {  	[tilespmem:s19+$0x0] =	vst v6  }
0x26f: {  	s15 =	sor.u32 $0x430, s6;
	s6 =	smov.u32 s2;
	[tilespmem:s12+$0x0] =	vst v9  }
0x270: {  	v9 =	vld [tilespmem:s7+$0xFFFFFF20];
	[tilespmem:s15+$0x9000] =	vst v10  }
0x271: {  	s2 =	sand.u32 $0x3, s14;
	v5 =	vperm.xlane v3, v0;
	s14 =	smov.u32 s26  }
0x272: {  	s2 =	sshll.u32 s2, $0x8;
	v10 =	vld [tilespmem:s29+$0xFFFFFF90];
	[tilespmem:s10+$0x40] =	vst v12  }
0x273: {  	s2 =	sadd.s32 s20, s2;
	v12 =	vld [tilespmem:s29+$0x0];
	[tilespmem:s10+$0x60] =	vst v5  }
0x274: {  	s18 =	sadd.s32 $0x100, s2;
	[tilespmem:s10+$0x70] =	vst v5  }
0x275: {  	s2 =	sor.u32 $0x400, s18;
	s15 =	sor.u32 $0x430, s18;
	v6 =	vld [tilespmem:s29+$0xFFFFFF10];
	[tilespmem:s8+$0x20] =	vst v9  }
0x276: {  	v9 =	vld [tilespmem:s7+$0xFFFFFF30];
	[tilespmem:s2+$0x9000] =	vst v5  }
0x277: {  	[tilespmem:s16+$0x10] =	vst v10  }
0x278: {  	[tilespmem:s4+$0x0] =	vst v12  }
0x279: {  	s2 =	sor.u32 $0x410, s13;
	v10 =	vld [tilespmem:s29+$0x90];
	[tilespmem:s9+$0x40] =	vst v8;
	s9 =	smov.u32 s16  }
0x27a: {  	v8 =	vld [tilespmem:s29+$0x10];
	[tilespmem:s2+$0x9000] =	vst v7;
	s2 =	sor.u32 $0x420, s13  }
0x27b: {  	[tilespmem:s2+$0x9000] =	vst v7  }
0x27c: {  	s16 =	simm.s32 $0x1;
	s2 =	sor.u32 $0x430, s13;
	s13 =	smov.u32 s17;
	[tilespmem:s8+$0x30] =	vst v9  }
0x27d: {  	s16 =	simm.s32 @!p0 $0x0;
	p0 =	por p1, p1;
	[tilespmem:s2+$0x9000] =	vst v7  }
0x27e: {  	s2 =	sshll.u32 s16, $0x9;
	[tilespmem:s12+$0x10] =	vst v10;
	v9 =	vld [tilespmem:s7+$0xFFFFFF40];
	v10 =	vperm.xlane v1, v0;
	s7 =	smov.u32 s29  }
0x27f: {  	s2 =	sadd.s32 s2, s20;
	s20 =	smov.u32 s11;
	v12 =	vld [tilespmem:s29+$0xA0];
	[tilespmem:s10+$0x50] =	vst v3;
	v3 =	vmov v13;
	s10 =	smov.u32 s4  }
0x280: {  	s4 =	sor.u32 $0x400, s2;
	[tilespmem:s8+$0x70] =	vst v10  }
0x281: {  	v7 =	vld [tilespmem:s29+$0xFFFFFFA0];
	[tilespmem:s4+$0x9000] =	vst v10  }
0x282: {  	[tilespmem:s8+$0x60] =	vst v10  }
0x283: {  	[tilespmem:s8+$0x50] =	vst v1;
	v1 =	vmov v11  }
0x284: {  	[tilespmem:s12+$0x20] =	vst v12  }
0x285: {  	s4 =	sor.u32 $0x410, s2;
	[tilespmem:s8+$0x40] =	vst v9;
	s8 =	smov.u32 s19  }
.Ltmp5:
0x286: {  	[tilespmem:s4+$0x9000] =	vst v10;
	s4 =	sor.u32 $0x420, s2;
	(pc) =	sbr.rel @p2 .LBB2_9-.Ltmp5, $4  }
0x287: {  	s2 =	sor.u32 $0x430, s2;
	v9 =	vld [tilespmem:s29+$0xB0];
	[tilespmem:s4+$0x9000] =	vst v10  }
0x288: {  	[tilespmem:s2+$0x9000] =	vst v10;
	s2 =	sor.u32 $0x410, s18  }
0x289: {  	s24 =	sadd.s32 $0x200, s24;
	[tilespmem:s2+$0x9000] =	vst v5;
	s2 =	sor.u32 $0x420, s18  }
0x28a: {  	s26 =	sadd.s32 $0x2, s26;
	p1 =	por !p1, !p1;
	s29 =	sadd.s32 $0x200, s29;
	[tilespmem:s2+$0x9000] =	vst v5  }
0x28b: {  	[tilespmem:s10+$0x10] =	vst v8  }
0x28c: {  	[tilespmem:s15+$0x9000] =	vst v5  }
0x28d: {  	[tilespmem:s9+$0x20] =	vst v7  }
0x28e: {  	[tilespmem:s8+$0x10] =	vst v6  }
0x28f: {  	[tilespmem:s12+$0x30] =	vst v9;
	v9 =	vperm.xlane v4, v0;
	v5 =	vld [tilespmem:s7+$0x20]  }
0x290: {  	v8 =	vld [tilespmem:s7+$0xC0];
	[tilespmem:s12+$0x50] =	vst v4  }
0x291: {  	v4 =	vld [tilespmem:s7+$0xFFFFFFB0];
	[tilespmem:s12+$0x60] =	vst v9  }
0x292: {  	s0 =	sor.u32 $0x400, s6;
	[tilespmem:s12+$0x70] =	vst v9  }
0x293: {  	[tilespmem:s0+$0x9000] =	vst v9  }
0x294: {  	[tilespmem:s10+$0x20] =	vst v5  }
0x295: {  	v5 =	vld [tilespmem:s7+$0x30];
	[tilespmem:s12+$0x40] =	vst v8  }
0x296: {  	s16 =	sor.u32 $0x410, s6;
	[tilespmem:s9+$0x30] =	vst v4  }
0x297: {  	s17 =	sor.u32 $0x420, s6;
	[tilespmem:s16+$0x9000] =	vst v9  }
0x298: {  	s19 =	sor.u32 $0x430, s6;
	[tilespmem:s17+$0x9000] =	vst v9  }
0x299: {  	v4 =	vperm.xlane v2, v0;
	[tilespmem:s19+$0x9000] =	vst v9  }
0x29a: {  	[tilespmem:s10+$0x30] =	vst v5  }
0x29b: {  	v5 =	vld [tilespmem:s7+$0xFFFFFFC0];
	[tilespmem:s9+$0x60] =	vst v4  }
0x29c: {  	[tilespmem:s9+$0x50] =	vst v2;
	v2 =	vld [tilespmem:s7+$0xFFFFFF20]  }
0x29d: {  	s18 =	sor.u32 $0x400, s13;
	v7 =	vperm.xlane v3, v0;
	[tilespmem:s9+$0x70] =	vst v4  }
0x29e: {  	v6 =	vld [tilespmem:s7+$0x40];
	[tilespmem:s18+$0x9000] =	vst v4  }
0x29f: {  	[tilespmem:s10+$0x60] =	vst v7  }
0x2a0: {  	s22 =	sand.u32 $0x3, s14;
	[tilespmem:s10+$0x70] =	vst v7  }
0x2a1: {  	s0 =	sshll.u32 s22, $0x8;
	[tilespmem:s8+$0x20] =	vst v2  }
0x2a2: {  	s0 =	sadd.s32 s20, s0;
	[tilespmem:s9+$0x40] =	vst v5  }
0x2a3: {  	s23 =	sor.u32 $0x410, s13;
	s0 =	sadd.s32 $0x100, s0;
	[tilespmem:s10+$0x40] =	vst v6;
	v2 =	vld [tilespmem:s7+$0xFFFFFF30]  }
0x2a4: {  	s2 =	sor.u32 $0x400, s0;
	[tilespmem:s23+$0x9000] =	vst v4  }
0x2a5: {  	s24 =	sor.u32 $0x420, s13;
	[tilespmem:s2+$0x9000] =	vst v7  }
0x2a6: {  	s4 =	sor.u32 $0x430, s13;
	[tilespmem:s24+$0x9000] =	vst v4;
	s2 =	simm.s32 $0x1  }
0x2a7: {  	s2 =	simm.s32 @!p0 $0x0;
	[tilespmem:s4+$0x9000] =	vst v4  }
0x2a8: {  	s2 =	sshll.u32 s2, $0x9;
	[tilespmem:s8+$0x30] =	vst v2;
	v2 =	vperm.xlane v1, v0  }
0x2a9: {  	[tilespmem:s10+$0x50] =	vst v3;
	s2 =	sadd.s32 s2, s20;
	v4 =	vld [tilespmem:s7+$0xFFFFFF40]  }
0x2aa: {  	s26 =	sor.u32 $0x400, s2;
	[tilespmem:s8+$0x70] =	vst v2  }
0x2ab: {  	[tilespmem:s26+$0x9000] =	vst v2  }
0x2ac: {  	[tilespmem:s8+$0x60] =	vst v2  }
0x2ad: {  	[tilespmem:s8+$0x50] =	vst v1  }
0x2ae: {  	s6 =	sor.u32 $0x410, s2;
	[tilespmem:s8+$0x40] =	vst v4  }
0x2af: {  	s8 =	sor.u32 $0x410, s0;
	[tilespmem:s6+$0x9000] =	vst v2  }
0x2b0: {  	s7 =	sor.u32 $0x420, s2;
	[tilespmem:s8+$0x9000] =	vst v7  }
0x2b1: {  	s2 =	sor.u32 $0x430, s2;
	[tilespmem:s7+$0x9000] =	vst v2  }
0x2b2: {  	s9 =	sor.u32 $0x420, s0;
	s7 =	smul.u32 $0x120, s21;
	[tilespmem:s2+$0x9000] =	vst v2  }
0x2b3: {  	s0 =	sor.u32 $0x430, s0;
	s4 =	rddreg [dreg:$0x3];
	[tilespmem:s9+$0x9000] =	vst v7  }
0x2b4: {  	s4 =	sadd.s32 s4, s7;
	[tilespmem:s0+$0x9000] =	vst v7  }
0x2b5: {  	p0 =	seq.s32 s21, $0x1F;
	s10 =	sshll.u32 s4, $0x5;
	s0 =	rddreg [dreg:$0xd]  }
0x2b6: {  	s12 =	simm.s32 $0x9000;
	s11 =	sadd.s32 s5, s10;
	s0 =	sadd.s32 @!p0 s7, s0  }
0x2b7: {  	[hbm4b:s11+s3] =	stream.linear.scatter [tilespmem:s12], [sflag:$0x4], $0x6000, $0x38;
	[tilespmem:$0x1B000] =	vst v63  }
0x2b8: {  	s2 =	rddreg [dreg:$0x0];
	s0 =	sshll.u32 @!p0 s0, $0x4  }
0x2b9: {  	s0 =	sadd.s32 @!p0 s2, s0;
	s2 =	simm.s32 @!p0 $0x0  }
0x2ba: {  	[tilespmem:s2], [sflag:$0x1] =	stream.linear.gather @!p0 [hbm4b:s0+s2], $0x3000, $0x38;
	[tilespmem:$0x1B000] =	vst v63  }
0x2bb: {  	_ =	swait.ge [sflag:s25], $0x3000  }
0x2bc: {  	[sflag:s25] =	ssyncset.done $0x0  }
0x2bd: {  	[sflag:s25] =	ssyncadd.s32 $0xFFFFD000  }
0x2be: {  	_ =	swait.ge [sflag:s31], $0x6000  }
0x2bf: {  	[sflag:s31] =	ssyncset.done $0x0  }
0x2c0: {  	s0 =	simm.s32 $0x3100;
	[sflag:s31] =	ssyncadd.s32 $0xFFFFA000  }
0x2c1: {  	v1 =	vld [tilespmem:s0+$0x80]  }
0x2c2: {  	s11 =	simm.s32 $0x0;
	v3 =	vld [tilespmem:s0+$0x0]  }
0x2c3: {  	s14 =	simm.s32 $0x180;
	s13 =	sand.u32 $0x7800, s11;
	v4 =	vld [tilespmem:s0+$0xFFFFFF80]  }
0x2c4: {  	s16 =	simm.s32 $0x100;
	s4 =	sand.u32 $0x380, s14;
	s2 =	sadd.s32 $0xF000, s13;
	v2 =	vld [tilespmem:s0+$0xD0]  }
0x2c5: {  	s17 =	simm.s32 $0x80;
	s15 =	sor.u32 s4, s2;
	s4 =	sand.u32 $0x300, s16;
	v6 =	vld [tilespmem:s0+$0x50]  }
0x2c6: {  	s18 =	sand.u32 $0x280, s17;
	s6 =	sor.u32 s4, s2;
	v7 =	vld [tilespmem:s0+$0xFFFFFFD0];
	[tilespmem:s15+$0x0] =	vst v1  }
0x2c7: {  	s14 =	sor.u32 s18, s2;
	[tilespmem:s6+$0x0] =	vst v3;
	v1 =	vld [tilespmem:s0+$0x90]  }
0x2c8: {  	[tilespmem:s14+$0x0] =	vst v4;
	v3 =	vld [tilespmem:s0+$0x10]  }
0x2c9: {  	v4 =	vld [tilespmem:s0+$0xFFFFFF90];
	_ =	sdelay $0x2  }
0x2ca: {  	[tilespmem:s15+$0x10] =	vst v1  }
0x2cb: {  	[tilespmem:s6+$0x10] =	vst v3;
	v1 =	vld [tilespmem:s0+$0xA0]  }
0x2cc: {  	[tilespmem:s14+$0x10] =	vst v4;
	v3 =	vld [tilespmem:s0+$0x20]  }
0x2cd: {  	v4 =	vld [tilespmem:s0+$0xFFFFFFA0];
	_ =	sdelay $0x2  }
0x2ce: {  	v5 =	vld [tilespmem:s0+$0xFFFFFF00];
	[tilespmem:s15+$0x20] =	vst v1  }
0x2cf: {  	[tilespmem:s6+$0x20] =	vst v3;
	v1 =	vld [tilespmem:s0+$0xB0]  }
0x2d0: {  	[tilespmem:s14+$0x20] =	vst v4;
	v3 =	vld [tilespmem:s0+$0x30]  }
0x2d1: {  	s19 =	sand.u32 $0x200, s11;
	v4 =	vld [tilespmem:s0+$0xFFFFFFB0]  }
0x2d2: {  	s4 =	sor.u32 s19, s2  }
0x2d3: {  	v8 =	vld [tilespmem:s0+$0xFFFFFF50];
	[tilespmem:s4+$0x0] =	vst v5  }
0x2d4: {  	[tilespmem:s15+$0x30] =	vst v1  }
0x2d5: {  	[tilespmem:s6+$0x30] =	vst v3  }
0x2d6: {  	v5 =	vperm.xlane v2, v0;
	[tilespmem:s14+$0x30] =	vst v4  }
0x2d7: {  	v1 =	vld [tilespmem:s0+$0xC0];
	[tilespmem:s15+$0x50] =	vst v2  }
0x2d8: {  	s8 =	simm.s32 $0x3300;
	s20 =	sand.u32 $0x7, s11;
	v10 =	vperm.xlane v7, v0;
	[tilespmem:s15+$0x60] =	vst v5  }
0x2d9: {  	s12 =	simm.s32 $0x400;
	s2 =	sshll.u32 s20, $0x7;
	v3 =	vld [tilespmem:s8+$0x80];
	[tilespmem:s15+$0x70] =	vst v5  }
0x2da: {  	s10 =	sand.u32 $0x7800, s12;
	s13 =	simm.s32 $0x280;
	s2 =	sadd.s32 $0x0, s2;
	v11 =	vld [tilespmem:s0+$0xFFFFFFC0];
	[tilespmem:s14+$0x60] =	vst v10  }
0x2db: {  	s16 =	sadd.s32 $0xF000, s10;
	s17 =	sand.u32 $0x280, s13;
	s22 =	sadd.s32 $0x180, s2;
	[tilespmem:s14+$0x70] =	vst v10  }
0x2dc: {  	s19 =	simm.s32 $0x380;
	s2 =	sadd.s32 $0x80, s2;
	s23 =	sor.u32 $0x400, s22;
	v2 =	vld [tilespmem:s0+$0xFFFFFF10];
	[tilespmem:s14+$0x50] =	vst v7  }
0x2dd: {  	s10 =	sor.u32 s17, s16;
	s13 =	sand.u32 $0x380, s19;
	s17 =	sor.u32 $0x400, s2;
	v7 =	vld [tilespmem:s0+$0x40];
	[tilespmem:s23+$0xF000] =	vst v5  }
0x2de: {  	s13 =	sor.u32 s13, s16;
	[tilespmem:s17+$0xF000] =	vst v10  }
0x2df: {  	v4 =	vld [tilespmem:s8+$0xD0];
	[tilespmem:s13+$0x0] =	vst v3  }
0x2e0: {  	[tilespmem:s15+$0x40] =	vst v1  }
0x2e1: {  	[tilespmem:s4+$0x10] =	vst v2  }
0x2e2: {  	[tilespmem:s6+$0x40] =	vst v7  }
0x2e3: {  	s24 =	sor.u32 $0x410, s22;
	[tilespmem:s14+$0x40] =	vst v11  }
0x2e4: {  	s23 =	sor.u32 $0x410, s2;
	[tilespmem:s24+$0xF000] =	vst v5  }
0x2e5: {  	s26 =	sor.u32 $0x420, s22;
	v1 =	vld [tilespmem:s8+$0xFFFFFF80];
	[tilespmem:s23+$0xF000] =	vst v10  }
0x2e6: {  	v9 =	vld [tilespmem:s8+$0xFFFFFF00];
	s24 =	sor.u32 $0x420, s2;
	[tilespmem:s26+$0xF000] =	vst v5  }
0x2e7: {  	s15 =	sor.u32 $0x430, s22;
	v3 =	vld [tilespmem:s0+$0xFFFFFF20];
	[tilespmem:s24+$0xF000] =	vst v10  }
0x2e8: {  	s11 =	sand.u32 $0x3, s11;
	s18 =	simm.s32 $0x200;
	v7 =	vld [tilespmem:s8+$0x0];
	s2 =	sor.u32 $0x430, s2;
	[tilespmem:s15+$0xF000] =	vst v5  }
0x2e9: {  	s11 =	sshll.u32 s11, $0x8;
	s9 =	sand.u32 $0x200, s18;
	v2 =	vld [tilespmem:s8+$0xFFFFFFD0];
	[tilespmem:s2+$0xF000] =	vst v10  }
0x2ea: {  	s11 =	sadd.s32 $0x0, s11;
	s20 =	simm.s32 $0x300;
	s9 =	sor.u32 s9, s16;
	[tilespmem:s10+$0x0] =	vst v1;
	v1 =	vld [tilespmem:s8+$0xFFFFFF50]  }
0x2eb: {  	s15 =	sadd.s32 $0x100, s11;
	s11 =	sand.u32 $0x300, s20;
	[tilespmem:s9+$0x0] =	vst v9;
	v9 =	vld [tilespmem:s8+$0xFFFFFF90]  }
0x2ec: {  	v5 =	vperm.xlane v6, v0;
	s11 =	sor.u32 s11, s16;
	[tilespmem:s4+$0x20] =	vst v3;
	v3 =	vld [tilespmem:s8+$0x50]  }
0x2ed: {  	[tilespmem:s11+$0x0] =	vst v7;
	v7 =	vld [tilespmem:s8+$0x90]  }
0x2ee: {  	[tilespmem:s6+$0x60] =	vst v5;
	v12 =	vld [tilespmem:s0+$0xFFFFFF30]  }
0x2ef: {  	p1 =	por $0x0, $0x0;
	s22 =	sor.u32 $0x400, s15;
	[tilespmem:s6+$0x70] =	vst v5  }
0x2f0: {  	p2 =	por p1, p1;
	s14 =	simm.s32 $0x1;
	[tilespmem:s22+$0xF000] =	vst v5  }
0x2f1: {  	s14 =	simm.s32 @!p2 $0x0;
	[tilespmem:s10+$0x10] =	vst v9  }
0x2f2: {  	s26 =	sshll.u32 s14, $0x9;
	[tilespmem:s13+$0x10] =	vst v7;
	v9 =	vperm.xlane v8, v0  }
0x2f3: {  	s2 =	sadd.s32 $0x0, s26;
	[tilespmem:s4+$0x30] =	vst v12;
	v10 =	vld [tilespmem:s8+$0xA0]  }
0x2f4: {  	s14 =	sor.u32 $0x400, s2;
	v7 =	vld [tilespmem:s0+$0xFFFFFF40];
	[tilespmem:s4+$0x70] =	vst v9  }
0x2f5: {  	[tilespmem:s14+$0xF000] =	vst v9  }
0x2f6: {  	[tilespmem:s4+$0x60] =	vst v9  }
0x2f7: {  	[tilespmem:s4+$0x50] =	vst v8  }
0x2f8: {  	[tilespmem:s13+$0x20] =	vst v10  }
0x2f9: {  	s29 =	simm.s32 $0x4;
	p6 =	por !p1, !p1;
	s17 =	sor.u32 $0x410, s2;
	[tilespmem:s4+$0x40] =	vst v7  }
0x2fa: {  	p1 =	por p6, p6;
	p2 =	por !p6, !p6;
	s18 =	sor.u32 $0x420, s2;
	[tilespmem:s17+$0xF000] =	vst v9  }
0x2fb: {  	s24 =	simm.s32 $0x4;
	s2 =	sor.u32 $0x430, s2;
	s22 =	simm.s32 $0x4;
	v8 =	vld [tilespmem:s8+$0x10];
	[tilespmem:s18+$0xF000] =	vst v9  }
0x2fc: {  	s20 =	simm.s32 $0x2;
	s26 =	simm.s32 $0x400;
	s16 =	sand.u32 $0x7, s22;
	[tilespmem:s2+$0xF000] =	vst v9;
	v9 =	vld [tilespmem:s8+$0xB0]  }
0x2fd: {  	s19 =	sor.u32 $0x410, s15;
	s23 =	sor.u32 $0x420, s15;
	[tilespmem:s6+$0x50] =	vst v6;
	s0 =	sshll.u32 s16, $0x7  }
0x2fe: {  	v6 =	vld [tilespmem:s8+$0xFFFFFF10];
	s6 =	simm.s32 $0x400;
	[tilespmem:s19+$0xF000] =	vst v5;
	s19 =	simm.s32 $0x3500;
	s0 =	sadd.s32 $0x400, s0  }
0x2ff: {  	[tilespmem:s23+$0xF000] =	vst v5;
	s16 =	sor.u32 $0x430, s15;
	s14 =	sadd.s32 $0x80, s0;
	s0 =	sadd.s32 $0x180, s0;
	v7 =	vld [tilespmem:s8+$0xFFFFFFA0]  }
.LBB2_11:
0x300: {  	s24 =	sadd.s32 $0x4, s24;
	[tilespmem:s11+$0x10] =	vst v8;
	s22 =	sadd.s32 $0x4, s22;
	s12 =	sadd.s32 $0x400, s12  }
0x301: {  	s2 =	sand.u32 $0x7, s22;
	p3 =	slt.u32 s24, $0x5C;
	v8 =	vld [tilespmem:s8+$0x20];
	[tilespmem:s13+$0x30] =	vst v9  }
0x302: {  	v10 =	vperm.xlane v4, v0;
	s18 =	sor.u32 $0x400, s0;
	s4 =	sand.u32 $0x7800, s12;
	s2 =	sshll.u32 s2, $0x7;
	v9 =	vld [tilespmem:s8+$0xC0];
	[tilespmem:s16+$0xF000] =	vst v5  }
0x303: {  	s15 =	sand.u32 $0x200, s26;
	s17 =	sadd.s32 $0x80, s26;
	s16 =	sadd.s32 $0xF000, s4;
	[tilespmem:s13+$0x50] =	vst v4  }
0x304: {  	s23 =	sadd.s32 $0x100, s26;
	s4 =	sor.u32 s15, s16;
	s15 =	sand.u32 $0x280, s17;
	[tilespmem:s13+$0x60] =	vst v10  }
0x305: {  	s17 =	sor.u32 s15, s16;
	s15 =	sand.u32 $0x300, s23;
	s23 =	sadd.s32 $0x180, s26;
	[tilespmem:s13+$0x70] =	vst v10  }
0x306: {  	s2 =	sadd.s32 s12, s2;
	s15 =	sor.u32 s15, s16;
	s23 =	sand.u32 $0x380, s23;
	[tilespmem:s18+$0xF000] =	vst v10  }
0x307: {  	s18 =	sadd.s32 $0x80, s2;
	s16 =	sor.u32 s23, s16;
	s2 =	sadd.s32 $0x180, s2;
	v4 =	vld [tilespmem:s19+$0xD0];
	[tilespmem:s11+$0x20] =	vst v8  }
0x308: {  	[tilespmem:s10+$0x20] =	vst v7;
	v5 =	vld [tilespmem:s8+$0x30]  }
0x309: {  	s23 =	sor.u32 $0x410, s0;
	v7 =	vld [tilespmem:s8+$0xFFFFFFB0];
	[tilespmem:s13+$0x40] =	vst v9;
	s13 =	smov.u32 s16  }
0x30a: {  	s16 =	sor.u32 $0x420, s0;
	v8 =	vld [tilespmem:s19+$0xFFFFFF80];
	[tilespmem:s23+$0xF000] =	vst v10  }
0x30b: {  	v9 =	vld [tilespmem:s19+$0x80];
	[tilespmem:s16+$0xF000] =	vst v10  }
0x30c: {  	v11 =	vld [tilespmem:s19+$0xFFFFFF50];
	[tilespmem:s9+$0x10] =	vst v6  }
0x30d: {  	v6 =	vld [tilespmem:s19+$0xFFFFFF00];
	[tilespmem:s11+$0x30] =	vst v5  }
0x30e: {  	v5 =	vld [tilespmem:s19+$0xFFFFFFD0];
	[tilespmem:s10+$0x30] =	vst v7;
	v7 =	vperm.xlane v2, v0  }
0x30f: {  	[tilespmem:s17+$0x0] =	vst v8;
	v8 =	vld [tilespmem:s8+$0xFFFFFFC0]  }
0x310: {  	[tilespmem:s10+$0x60] =	vst v7  }
0x311: {  	[tilespmem:s10+$0x70] =	vst v7  }
0x312: {  	s16 =	sor.u32 $0x400, s14;
	[tilespmem:s10+$0x50] =	vst v2;
	v12 =	vld [tilespmem:s8+$0x40]  }
0x313: {  	v13 =	vld [tilespmem:s19+$0x50];
	[tilespmem:s16+$0xF000] =	vst v7;
	v2 =	vmov v5  }
0x314: {  	[tilespmem:s4+$0x0] =	vst v6  }
0x315: {  	s16 =	sor.u32 $0x430, s0;
	s0 =	smov.u32 s2;
	[tilespmem:s13+$0x0] =	vst v9  }
0x316: {  	v9 =	vld [tilespmem:s8+$0xFFFFFF20];
	[tilespmem:s16+$0xF000] =	vst v10  }
0x317: {  	s2 =	sand.u32 $0x3, s20;
	v5 =	vperm.xlane v3, v0;
	s20 =	smov.u32 s29  }
0x318: {  	s2 =	sshll.u32 s2, $0x8;
	v10 =	vld [tilespmem:s19+$0xFFFFFF90];
	[tilespmem:s11+$0x40] =	vst v12  }
0x319: {  	s2 =	sadd.s32 s6, s2;
	v12 =	vld [tilespmem:s19+$0x0];
	[tilespmem:s11+$0x60] =	vst v5  }
0x31a: {  	s2 =	sadd.s32 $0x100, s2;
	[tilespmem:s11+$0x70] =	vst v5  }
0x31b: {  	s23 =	sor.u32 $0x400, s2;
	s16 =	sor.u32 $0x430, s2;
	v6 =	vld [tilespmem:s19+$0xFFFFFF10];
	[tilespmem:s9+$0x20] =	vst v9  }
0x31c: {  	v9 =	vld [tilespmem:s8+$0xFFFFFF30];
	[tilespmem:s23+$0xF000] =	vst v5  }
0x31d: {  	[tilespmem:s17+$0x10] =	vst v10  }
0x31e: {  	[tilespmem:s15+$0x0] =	vst v12  }
0x31f: {  	s23 =	sor.u32 $0x410, s14;
	v10 =	vld [tilespmem:s19+$0x90];
	[tilespmem:s10+$0x40] =	vst v8;
	s10 =	smov.u32 s17  }
0x320: {  	s17 =	sor.u32 $0x420, s14;
	v8 =	vld [tilespmem:s19+$0x10];
	[tilespmem:s23+$0xF000] =	vst v7  }
0x321: {  	[tilespmem:s17+$0xF000] =	vst v7  }
0x322: {  	s17 =	sor.u32 $0x430, s14;
	s14 =	smov.u32 s18;
	s18 =	simm.s32 $0x1;
	[tilespmem:s9+$0x30] =	vst v9  }
0x323: {  	s18 =	simm.s32 @!p1 $0x0;
	p1 =	por p2, p2;
	[tilespmem:s17+$0xF000] =	vst v7  }
0x324: {  	s17 =	sshll.u32 s18, $0x9;
	[tilespmem:s13+$0x10] =	vst v10;
	v9 =	vld [tilespmem:s8+$0xFFFFFF40];
	v10 =	vperm.xlane v1, v0;
	s8 =	smov.u32 s19  }
0x325: {  	s17 =	sadd.s32 s17, s6;
	s6 =	smov.u32 s12;
	v12 =	vld [tilespmem:s19+$0xA0];
	[tilespmem:s11+$0x50] =	vst v3;
	v3 =	vmov v13;
	s11 =	smov.u32 s15  }
0x326: {  	s15 =	sor.u32 $0x400, s17;
	[tilespmem:s9+$0x70] =	vst v10  }
0x327: {  	v7 =	vld [tilespmem:s19+$0xFFFFFFA0];
	[tilespmem:s15+$0xF000] =	vst v10  }
0x328: {  	[tilespmem:s9+$0x60] =	vst v10  }
0x329: {  	[tilespmem:s9+$0x50] =	vst v1;
	v1 =	vmov v11  }
0x32a: {  	[tilespmem:s13+$0x20] =	vst v12  }
0x32b: {  	s15 =	sor.u32 $0x410, s17;
	[tilespmem:s9+$0x40] =	vst v9;
	s9 =	smov.u32 s4  }
.Ltmp6:
0x32c: {  	s4 =	sor.u32 $0x420, s17;
	[tilespmem:s15+$0xF000] =	vst v10;
	(pc) =	sbr.rel @p3 .LBB2_11-.Ltmp6, $4  }
0x32d: {  	v9 =	vld [tilespmem:s19+$0xB0];
	[tilespmem:s4+$0xF000] =	vst v10;
	s4 =	sor.u32 $0x430, s17  }
0x32e: {  	[tilespmem:s4+$0xF000] =	vst v10;
	s4 =	sor.u32 $0x410, s2  }
0x32f: {  	s26 =	sadd.s32 $0x200, s26;
	s2 =	sor.u32 $0x420, s2;
	[tilespmem:s4+$0xF000] =	vst v5  }
0x330: {  	s29 =	sadd.s32 $0x2, s29;
	p2 =	por !p2, !p2;
	s19 =	sadd.s32 $0x200, s19;
	[tilespmem:s2+$0xF000] =	vst v5  }
0x331: {  	[tilespmem:s11+$0x10] =	vst v8  }
0x332: {  	[tilespmem:s16+$0xF000] =	vst v5  }
0x333: {  	[tilespmem:s10+$0x20] =	vst v7  }
0x334: {  	[tilespmem:s9+$0x10] =	vst v6  }
0x335: {  	[tilespmem:s13+$0x30] =	vst v9;
	v9 =	vperm.xlane v4, v0;
	v5 =	vld [tilespmem:s8+$0x20]  }
0x336: {  	v8 =	vld [tilespmem:s8+$0xC0];
	[tilespmem:s13+$0x50] =	vst v4  }
0x337: {  	v4 =	vld [tilespmem:s8+$0xFFFFFFB0];
	[tilespmem:s13+$0x60] =	vst v9  }
0x338: {  	s2 =	sor.u32 $0x400, s0;
	[tilespmem:s13+$0x70] =	vst v9  }
0x339: {  	[tilespmem:s2+$0xF000] =	vst v9  }
0x33a: {  	[tilespmem:s11+$0x20] =	vst v5  }
0x33b: {  	v5 =	vld [tilespmem:s8+$0x30];
	[tilespmem:s13+$0x40] =	vst v8  }
0x33c: {  	s4 =	sor.u32 $0x410, s0;
	[tilespmem:s10+$0x30] =	vst v4  }
0x33d: {  	s12 =	sor.u32 $0x420, s0;
	[tilespmem:s4+$0xF000] =	vst v9  }
0x33e: {  	s15 =	sor.u32 $0x430, s0;
	[tilespmem:s12+$0xF000] =	vst v9  }
0x33f: {  	v4 =	vperm.xlane v2, v0;
	[tilespmem:s15+$0xF000] =	vst v9  }
0x340: {  	[tilespmem:s11+$0x30] =	vst v5  }
0x341: {  	v5 =	vld [tilespmem:s8+$0xFFFFFFC0];
	[tilespmem:s10+$0x60] =	vst v4  }
0x342: {  	[tilespmem:s10+$0x50] =	vst v2;
	v2 =	vld [tilespmem:s8+$0xFFFFFF20]  }
0x343: {  	v7 =	vperm.xlane v3, v0;
	s13 =	sor.u32 $0x400, s14;
	[tilespmem:s10+$0x70] =	vst v4  }
0x344: {  	v6 =	vld [tilespmem:s8+$0x40];
	[tilespmem:s13+$0xF000] =	vst v4  }
0x345: {  	[tilespmem:s11+$0x60] =	vst v7  }
0x346: {  	s16 =	sand.u32 $0x3, s20;
	[tilespmem:s11+$0x70] =	vst v7  }
0x347: {  	s0 =	sshll.u32 s16, $0x8;
	[tilespmem:s9+$0x20] =	vst v2  }
0x348: {  	s0 =	sadd.s32 s6, s0;
	[tilespmem:s10+$0x40] =	vst v5  }
0x349: {  	s18 =	sor.u32 $0x410, s14;
	s0 =	sadd.s32 $0x100, s0;
	[tilespmem:s11+$0x40] =	vst v6  }
0x34a: {  	s17 =	sor.u32 $0x400, s0;
	v2 =	vld [tilespmem:s8+$0xFFFFFF30];
	[tilespmem:s18+$0xF000] =	vst v4  }
0x34b: {  	s19 =	sor.u32 $0x420, s14;
	[tilespmem:s17+$0xF000] =	vst v7  }
0x34c: {  	s4 =	sor.u32 $0x430, s14;
	[tilespmem:s19+$0xF000] =	vst v4  }
0x34d: {  	s2 =	simm.s32 $0x1;
	[tilespmem:s4+$0xF000] =	vst v4  }
0x34e: {  	s2 =	simm.s32 @!p1 $0x0;
	[tilespmem:s11+$0x50] =	vst v3  }
0x34f: {  	s24 =	sor.u32 $0x410, s0;
	s2 =	sshll.u32 s2, $0x9;
	[tilespmem:s9+$0x30] =	vst v2;
	v2 =	vperm.xlane v1, v0  }
0x350: {  	s2 =	sadd.s32 s2, s6;
	[tilespmem:s24+$0xF000] =	vst v7;
	v4 =	vld [tilespmem:s8+$0xFFFFFF40]  }
0x351: {  	s20 =	sor.u32 $0x400, s2;
	[tilespmem:s9+$0x70] =	vst v2  }
0x352: {  	[tilespmem:s20+$0xF000] =	vst v2  }
0x353: {  	[tilespmem:s9+$0x60] =	vst v2  }
0x354: {  	[tilespmem:s9+$0x50] =	vst v1  }
0x355: {  	s22 =	sor.u32 $0x410, s2;
	[tilespmem:s9+$0x40] =	vst v4  }
0x356: {  	s23 =	sor.u32 $0x420, s2;
	[tilespmem:s22+$0xF000] =	vst v2  }
0x357: {  	s2 =	sor.u32 $0x430, s2;
	[tilespmem:s23+$0xF000] =	vst v2  }
0x358: {  	s26 =	sor.u32 $0x420, s0;
	[tilespmem:s2+$0xF000] =	vst v2  }
0x359: {  	s0 =	sor.u32 $0x430, s0;
	s4 =	rddreg [dreg:$0xe];
	[tilespmem:s26+$0xF000] =	vst v7  }
0x35a: {  	s4 =	sadd.s32 s7, s4;
	[tilespmem:s0+$0xF000] =	vst v7  }
0x35b: {  	s6 =	sshll.u32 s4, $0x5;
	s0 =	rddreg [dreg:$0xf]  }
0x35c: {  	s9 =	simm.s32 $0xF000;
	s8 =	sadd.s32 s5, s6;
	s0 =	sadd.s32 @!p0 s7, s0  }
0x35d: {  	[hbm4b:s8+s3] =	stream.linear.scatter [tilespmem:s9], [sflag:$0x5], $0x6000, $0x38;
	[tilespmem:$0x1B000] =	vst v63  }
0x35e: {  	s2 =	rddreg [dreg:$0x0];
	s0 =	sshll.u32 @!p0 s0, $0x4  }
0x35f: {  	s4 =	simm.s32 @!p0 $0x3000;
	s0 =	sadd.s32 @!p0 s2, s0;
	s2 =	simm.s32 @!p0 $0x0  }
0x360: {  	[tilespmem:s4], [sflag:$0x2] =	stream.linear.gather @!p0 [hbm4b:s0+s2], $0x3000, $0x38;
	[tilespmem:$0x1B000] =	vst v63  }
0x361: {  	_ =	swait.ge [sflag:s28], $0x3000  }
0x362: {  	[sflag:s28] =	ssyncset.done $0x0  }
0x363: {  	[sflag:s28] =	ssyncadd.s32 $0xFFFFD000  }
0x364: {  	_ =	swait.ge [sflag:s1], $0x6000  }
0x365: {  	[sflag:s1] =	ssyncset.done $0x0  }
0x366: {  	s0 =	simm.s32 $0x6100;
	[sflag:s1] =	ssyncadd.s32 $0xFFFFA000  }
0x367: {  	v1 =	vld [tilespmem:s0+$0x80]  }
0x368: {  	s11 =	simm.s32 $0x0;
	v3 =	vld [tilespmem:s0+$0x0]  }
0x369: {  	s12 =	simm.s32 $0x180;
	s10 =	sand.u32 $0x7800, s11;
	v4 =	vld [tilespmem:s0+$0xFFFFFF80]  }
0x36a: {  	s14 =	simm.s32 $0x100;
	s2 =	sadd.s32 $0x15000, s10;
	s4 =	sand.u32 $0x380, s12;
	v2 =	vld [tilespmem:s0+$0xD0]  }
0x36b: {  	s15 =	simm.s32 $0x80;
	s13 =	sor.u32 s4, s2;
	s4 =	sand.u32 $0x300, s14;
	v6 =	vld [tilespmem:s0+$0x50]  }
0x36c: {  	s16 =	sand.u32 $0x280, s15;
	s6 =	sor.u32 s4, s2;
	v7 =	vld [tilespmem:s0+$0xFFFFFFD0];
	[tilespmem:s13+$0x0] =	vst v1  }
0x36d: {  	s14 =	sor.u32 s16, s2;
	[tilespmem:s6+$0x0] =	vst v3;
	v1 =	vld [tilespmem:s0+$0x90]  }
0x36e: {  	[tilespmem:s14+$0x0] =	vst v4;
	v3 =	vld [tilespmem:s0+$0x10]  }
0x36f: {  	v4 =	vld [tilespmem:s0+$0xFFFFFF90];
	_ =	sdelay $0x2  }
0x370: {  	[tilespmem:s13+$0x10] =	vst v1  }
0x371: {  	[tilespmem:s6+$0x10] =	vst v3;
	v1 =	vld [tilespmem:s0+$0xA0]  }
0x372: {  	[tilespmem:s14+$0x10] =	vst v4;
	v3 =	vld [tilespmem:s0+$0x20]  }
0x373: {  	v4 =	vld [tilespmem:s0+$0xFFFFFFA0];
	_ =	sdelay $0x2  }
0x374: {  	v5 =	vld [tilespmem:s0+$0xFFFFFF00];
	[tilespmem:s13+$0x20] =	vst v1  }
0x375: {  	[tilespmem:s6+$0x20] =	vst v3;
	v1 =	vld [tilespmem:s0+$0xB0]  }
0x376: {  	[tilespmem:s14+$0x20] =	vst v4;
	v3 =	vld [tilespmem:s0+$0x30]  }
0x377: {  	s17 =	sand.u32 $0x200, s11;
	v4 =	vld [tilespmem:s0+$0xFFFFFFB0]  }
0x378: {  	s4 =	sor.u32 s17, s2  }
0x379: {  	v8 =	vld [tilespmem:s0+$0xFFFFFF50];
	[tilespmem:s4+$0x0] =	vst v5  }
0x37a: {  	[tilespmem:s13+$0x30] =	vst v1  }
0x37b: {  	[tilespmem:s6+$0x30] =	vst v3  }
0x37c: {  	v5 =	vperm.xlane v2, v0;
	[tilespmem:s14+$0x30] =	vst v4  }
0x37d: {  	v1 =	vld [tilespmem:s0+$0xC0];
	[tilespmem:s13+$0x50] =	vst v2  }
0x37e: {  	s18 =	sand.u32 $0x7, s11;
	v10 =	vperm.xlane v7, v0;
	[tilespmem:s13+$0x60] =	vst v5  }
0x37f: {  	s12 =	simm.s32 $0x400;
	s2 =	sshll.u32 s18, $0x7;
	[tilespmem:s13+$0x70] =	vst v5  }
0x380: {  	s23 =	sand.u32 $0x7800, s12;
	s2 =	sadd.s32 $0x0, s2;
	v11 =	vld [tilespmem:s0+$0xFFFFFFC0];
	[tilespmem:s14+$0x60] =	vst v10  }
0x381: {  	s24 =	simm.s32 $0x280;
	s26 =	sadd.s32 $0x15000, s23;
	s15 =	sadd.s32 $0x180, s2;
	v2 =	vld [tilespmem:s0+$0xFFFFFF10];
	[tilespmem:s14+$0x70] =	vst v10  }
0x382: {  	s17 =	sand.u32 $0x280, s24;
	s2 =	sadd.s32 $0x80, s2;
	s19 =	sor.u32 $0x400, s15;
	[tilespmem:s14+$0x50] =	vst v7;
	v7 =	vld [tilespmem:s0+$0x40]  }
0x383: {  	s10 =	sor.u32 s17, s26;
	s17 =	sor.u32 $0x400, s2;
	[tilespmem:s19+$0x15000] =	vst v5  }
0x384: {  	[tilespmem:s17+$0x15000] =	vst v10  }
0x385: {  	[tilespmem:s13+$0x40] =	vst v1  }
0x386: {  	s8 =	simm.s32 $0x6300;
	[tilespmem:s4+$0x10] =	vst v2  }
0x387: {  	v3 =	vld [tilespmem:s8+$0x80];
	[tilespmem:s6+$0x40] =	vst v7  }
0x388: {  	s20 =	sor.u32 $0x410, s15;
	[tilespmem:s14+$0x40] =	vst v11  }
0x389: {  	s23 =	sor.u32 $0x410, s2;
	s19 =	simm.s32 $0x380;
	[tilespmem:s20+$0x15000] =	vst v5  }
0x38a: {  	s22 =	sor.u32 $0x420, s15;
	v9 =	vld [tilespmem:s8+$0xFFFFFF00];
	s13 =	sand.u32 $0x380, s19;
	[tilespmem:s23+$0x15000] =	vst v10  }
0x38b: {  	v1 =	vld [tilespmem:s8+$0xFFFFFF80];
	s13 =	sor.u32 s13, s26;
	[tilespmem:s22+$0x15000] =	vst v5  }
0x38c: {  	s24 =	sor.u32 $0x420, s2;
	v4 =	vld [tilespmem:s8+$0xD0];
	[tilespmem:s13+$0x0] =	vst v3  }
0x38d: {  	s15 =	sor.u32 $0x430, s15;
	v3 =	vld [tilespmem:s0+$0xFFFFFF20];
	[tilespmem:s24+$0x15000] =	vst v10  }
0x38e: {  	s11 =	sand.u32 $0x3, s11;
	s18 =	simm.s32 $0x200;
	s2 =	sor.u32 $0x430, s2;
	v7 =	vld [tilespmem:s8+$0x0];
	[tilespmem:s15+$0x15000] =	vst v5  }
0x38f: {  	s11 =	sshll.u32 s11, $0x8;
	s9 =	sand.u32 $0x200, s18;
	v2 =	vld [tilespmem:s8+$0xFFFFFFD0];
	[tilespmem:s2+$0x15000] =	vst v10  }
0x390: {  	s11 =	sadd.s32 $0x0, s11;
	s9 =	sor.u32 s9, s26;
	s20 =	simm.s32 $0x300;
	[tilespmem:s10+$0x0] =	vst v1;
	v1 =	vld [tilespmem:s8+$0xFFFFFF50]  }
0x391: {  	s15 =	sadd.s32 $0x100, s11;
	s11 =	sand.u32 $0x300, s20;
	[tilespmem:s9+$0x0] =	vst v9;
	v9 =	vld [tilespmem:s8+$0xFFFFFF90]  }
0x392: {  	v5 =	vperm.xlane v6, v0;
	s11 =	sor.u32 s11, s26;
	[tilespmem:s4+$0x20] =	vst v3;
	v3 =	vld [tilespmem:s8+$0x50]  }
0x393: {  	[tilespmem:s11+$0x0] =	vst v7;
	v7 =	vld [tilespmem:s8+$0x90]  }
0x394: {  	[tilespmem:s6+$0x60] =	vst v5;
	v12 =	vld [tilespmem:s0+$0xFFFFFF30]  }
0x395: {  	p5 =	por $0x0, $0x0;
	s22 =	sor.u32 $0x400, s15;
	[tilespmem:s6+$0x70] =	vst v5  }
0x396: {  	p2 =	por p5, p5;
	s14 =	simm.s32 $0x1;
	[tilespmem:s22+$0x15000] =	vst v5  }
0x397: {  	s14 =	simm.s32 @!p2 $0x0;
	[tilespmem:s10+$0x10] =	vst v9  }
0x398: {  	s26 =	sshll.u32 s14, $0x9;
	v9 =	vperm.xlane v8, v0;
	[tilespmem:s13+$0x10] =	vst v7  }
0x399: {  	s2 =	sadd.s32 $0x0, s26;
	[tilespmem:s4+$0x30] =	vst v12;
	v10 =	vld [tilespmem:s8+$0xA0]  }
0x39a: {  	s14 =	sor.u32 $0x400, s2;
	v7 =	vld [tilespmem:s0+$0xFFFFFF40];
	[tilespmem:s4+$0x70] =	vst v9  }
0x39b: {  	[tilespmem:s14+$0x15000] =	vst v9  }
0x39c: {  	[tilespmem:s4+$0x60] =	vst v9  }
0x39d: {  	[tilespmem:s4+$0x50] =	vst v8  }
0x39e: {  	[tilespmem:s13+$0x20] =	vst v10  }
0x39f: {  	s29 =	simm.s32 $0x4;
	p6 =	por !p5, !p5;
	s17 =	sor.u32 $0x410, s2;
	[tilespmem:s4+$0x40] =	vst v7  }
0x3a0: {  	p1 =	por p6, p6;
	p2 =	por !p6, !p6;
	s18 =	sor.u32 $0x420, s2;
	[tilespmem:s17+$0x15000] =	vst v9  }
0x3a1: {  	s24 =	simm.s32 $0x4;
	s22 =	simm.s32 $0x4;
	s2 =	sor.u32 $0x430, s2;
	v8 =	vld [tilespmem:s8+$0x10];
	[tilespmem:s18+$0x15000] =	vst v9  }
0x3a2: {  	s20 =	simm.s32 $0x2;
	s19 =	sor.u32 $0x410, s15;
	s16 =	sand.u32 $0x7, s22;
	[tilespmem:s2+$0x15000] =	vst v9;
	v9 =	vld [tilespmem:s8+$0xB0]  }
0x3a3: {  	s23 =	sor.u32 $0x420, s15;
	s26 =	simm.s32 $0x400;
	[tilespmem:s6+$0x50] =	vst v6;
	s0 =	sshll.u32 s16, $0x7  }
0x3a4: {  	v6 =	vld [tilespmem:s8+$0xFFFFFF10];
	s6 =	simm.s32 $0x400;
	[tilespmem:s19+$0x15000] =	vst v5;
	s19 =	simm.s32 $0x6500;
	s0 =	sadd.s32 $0x400, s0  }
0x3a5: {  	[tilespmem:s23+$0x15000] =	vst v5;
	s16 =	sor.u32 $0x430, s15;
	s14 =	sadd.s32 $0x80, s0;
	s0 =	sadd.s32 $0x180, s0;
	v7 =	vld [tilespmem:s8+$0xFFFFFFA0]  }
.LBB2_13:
0x3a6: {  	s24 =	sadd.s32 $0x4, s24;
	[tilespmem:s11+$0x10] =	vst v8;
	s22 =	sadd.s32 $0x4, s22;
	s12 =	sadd.s32 $0x400, s12  }
0x3a7: {  	s2 =	sand.u32 $0x7, s22;
	p3 =	slt.u32 s24, $0x5C;
	v8 =	vld [tilespmem:s8+$0x20];
	[tilespmem:s13+$0x30] =	vst v9  }
0x3a8: {  	v10 =	vperm.xlane v4, v0;
	s18 =	sor.u32 $0x400, s0;
	s4 =	sand.u32 $0x7800, s12;
	s2 =	sshll.u32 s2, $0x7;
	v9 =	vld [tilespmem:s8+$0xC0];
	[tilespmem:s16+$0x15000] =	vst v5  }
0x3a9: {  	s15 =	sand.u32 $0x200, s26;
	s17 =	sadd.s32 $0x80, s26;
	s16 =	sadd.s32 $0x15000, s4;
	[tilespmem:s13+$0x50] =	vst v4  }
0x3aa: {  	s23 =	sadd.s32 $0x100, s26;
	s4 =	sor.u32 s15, s16;
	s15 =	sand.u32 $0x280, s17;
	[tilespmem:s13+$0x60] =	vst v10  }
0x3ab: {  	s17 =	sor.u32 s15, s16;
	s15 =	sand.u32 $0x300, s23;
	s23 =	sadd.s32 $0x180, s26;
	[tilespmem:s13+$0x70] =	vst v10  }
0x3ac: {  	s2 =	sadd.s32 s12, s2;
	s15 =	sor.u32 s15, s16;
	s23 =	sand.u32 $0x380, s23;
	[tilespmem:s18+$0x15000] =	vst v10  }
0x3ad: {  	s18 =	sadd.s32 $0x80, s2;
	s16 =	sor.u32 s23, s16;
	s2 =	sadd.s32 $0x180, s2;
	v4 =	vld [tilespmem:s19+$0xD0];
	[tilespmem:s11+$0x20] =	vst v8  }
0x3ae: {  	[tilespmem:s10+$0x20] =	vst v7;
	v5 =	vld [tilespmem:s8+$0x30]  }
0x3af: {  	s23 =	sor.u32 $0x410, s0;
	v7 =	vld [tilespmem:s8+$0xFFFFFFB0];
	[tilespmem:s13+$0x40] =	vst v9;
	s13 =	smov.u32 s16  }
0x3b0: {  	s16 =	sor.u32 $0x420, s0;
	v8 =	vld [tilespmem:s19+$0xFFFFFF80];
	[tilespmem:s23+$0x15000] =	vst v10  }
0x3b1: {  	v9 =	vld [tilespmem:s19+$0x80];
	[tilespmem:s16+$0x15000] =	vst v10  }
0x3b2: {  	v11 =	vld [tilespmem:s19+$0xFFFFFF50];
	[tilespmem:s9+$0x10] =	vst v6  }
0x3b3: {  	v6 =	vld [tilespmem:s19+$0xFFFFFF00];
	[tilespmem:s11+$0x30] =	vst v5  }
0x3b4: {  	v5 =	vld [tilespmem:s19+$0xFFFFFFD0];
	[tilespmem:s10+$0x30] =	vst v7;
	v7 =	vperm.xlane v2, v0  }
0x3b5: {  	[tilespmem:s17+$0x0] =	vst v8;
	v8 =	vld [tilespmem:s8+$0xFFFFFFC0]  }
0x3b6: {  	[tilespmem:s10+$0x60] =	vst v7  }
0x3b7: {  	[tilespmem:s10+$0x70] =	vst v7  }
0x3b8: {  	s16 =	sor.u32 $0x400, s14;
	[tilespmem:s10+$0x50] =	vst v2;
	v12 =	vld [tilespmem:s8+$0x40]  }
0x3b9: {  	v13 =	vld [tilespmem:s19+$0x50];
	[tilespmem:s16+$0x15000] =	vst v7;
	v2 =	vmov v5  }
0x3ba: {  	[tilespmem:s4+$0x0] =	vst v6  }
0x3bb: {  	s16 =	sor.u32 $0x430, s0;
	s0 =	smov.u32 s2;
	[tilespmem:s13+$0x0] =	vst v9  }
0x3bc: {  	v9 =	vld [tilespmem:s8+$0xFFFFFF20];
	[tilespmem:s16+$0x15000] =	vst v10  }
0x3bd: {  	s2 =	sand.u32 $0x3, s20;
	v5 =	vperm.xlane v3, v0;
	s20 =	smov.u32 s29  }
0x3be: {  	s2 =	sshll.u32 s2, $0x8;
	v10 =	vld [tilespmem:s19+$0xFFFFFF90];
	[tilespmem:s11+$0x40] =	vst v12  }
0x3bf: {  	s2 =	sadd.s32 s6, s2;
	v12 =	vld [tilespmem:s19+$0x0];
	[tilespmem:s11+$0x60] =	vst v5  }
0x3c0: {  	s2 =	sadd.s32 $0x100, s2;
	[tilespmem:s11+$0x70] =	vst v5  }
0x3c1: {  	s23 =	sor.u32 $0x400, s2;
	s16 =	sor.u32 $0x430, s2;
	v6 =	vld [tilespmem:s19+$0xFFFFFF10];
	[tilespmem:s9+$0x20] =	vst v9  }
0x3c2: {  	v9 =	vld [tilespmem:s8+$0xFFFFFF30];
	[tilespmem:s23+$0x15000] =	vst v5  }
0x3c3: {  	[tilespmem:s17+$0x10] =	vst v10  }
0x3c4: {  	[tilespmem:s15+$0x0] =	vst v12  }
0x3c5: {  	s23 =	sor.u32 $0x410, s14;
	v10 =	vld [tilespmem:s19+$0x90];
	[tilespmem:s10+$0x40] =	vst v8;
	s10 =	smov.u32 s17  }
0x3c6: {  	s17 =	sor.u32 $0x420, s14;
	v8 =	vld [tilespmem:s19+$0x10];
	[tilespmem:s23+$0x15000] =	vst v7  }
0x3c7: {  	[tilespmem:s17+$0x15000] =	vst v7  }
0x3c8: {  	s17 =	sor.u32 $0x430, s14;
	s14 =	smov.u32 s18;
	s18 =	simm.s32 $0x1;
	[tilespmem:s9+$0x30] =	vst v9  }
0x3c9: {  	s18 =	simm.s32 @!p1 $0x0;
	p1 =	por p2, p2;
	[tilespmem:s17+$0x15000] =	vst v7  }
0x3ca: {  	s17 =	sshll.u32 s18, $0x9;
	[tilespmem:s13+$0x10] =	vst v10;
	v9 =	vld [tilespmem:s8+$0xFFFFFF40];
	v10 =	vperm.xlane v1, v0;
	s8 =	smov.u32 s19  }
0x3cb: {  	s17 =	sadd.s32 s17, s6;
	s6 =	smov.u32 s12;
	v12 =	vld [tilespmem:s19+$0xA0];
	[tilespmem:s11+$0x50] =	vst v3;
	v3 =	vmov v13;
	s11 =	smov.u32 s15  }
0x3cc: {  	s15 =	sor.u32 $0x400, s17;
	[tilespmem:s9+$0x70] =	vst v10  }
0x3cd: {  	v7 =	vld [tilespmem:s19+$0xFFFFFFA0];
	[tilespmem:s15+$0x15000] =	vst v10  }
0x3ce: {  	[tilespmem:s9+$0x60] =	vst v10  }
0x3cf: {  	[tilespmem:s9+$0x50] =	vst v1;
	v1 =	vmov v11  }
0x3d0: {  	[tilespmem:s13+$0x20] =	vst v12  }
0x3d1: {  	s15 =	sor.u32 $0x410, s17;
	[tilespmem:s9+$0x40] =	vst v9;
	s9 =	smov.u32 s4  }
.Ltmp7:
0x3d2: {  	s4 =	sor.u32 $0x420, s17;
	[tilespmem:s15+$0x15000] =	vst v10;
	(pc) =	sbr.rel @p3 .LBB2_13-.Ltmp7, $4  }
0x3d3: {  	v9 =	vld [tilespmem:s19+$0xB0];
	[tilespmem:s4+$0x15000] =	vst v10;
	s4 =	sor.u32 $0x430, s17  }
0x3d4: {  	[tilespmem:s4+$0x15000] =	vst v10;
	s4 =	sor.u32 $0x410, s2  }
0x3d5: {  	s26 =	sadd.s32 $0x200, s26;
	s2 =	sor.u32 $0x420, s2;
	[tilespmem:s4+$0x15000] =	vst v5  }
0x3d6: {  	s29 =	sadd.s32 $0x2, s29;
	p2 =	por !p2, !p2;
	s19 =	sadd.s32 $0x200, s19;
	[tilespmem:s2+$0x15000] =	vst v5  }
0x3d7: {  	[tilespmem:s11+$0x10] =	vst v8  }
0x3d8: {  	[tilespmem:s16+$0x15000] =	vst v5  }
0x3d9: {  	[tilespmem:s10+$0x20] =	vst v7  }
0x3da: {  	[tilespmem:s9+$0x10] =	vst v6;
	v57 =	vld [tilespmem:s8+$0x20]  }
0x3db: {  	v56 =	vperm.xlane v4, v0;
	[tilespmem:s13+$0x30] =	vst v9;
	v58 =	vld [tilespmem:s8+$0xFFFFFFB0]  }
0x3dc: {  	v55 =	vld [tilespmem:s8+$0xC0];
	[tilespmem:s13+$0x50] =	vst v4  }
0x3dd: {  	[tilespmem:s13+$0x60] =	vst v56  }
0x3de: {  	s2 =	sor.u32 $0x400, s0;
	[tilespmem:s13+$0x70] =	vst v56  }
0x3df: {  	[tilespmem:s2+$0x15000] =	vst v56  }
0x3e0: {  	[tilespmem:s11+$0x20] =	vst v57  }
0x3e1: {  	v59 =	vperm.xlane v2, v0;
	[tilespmem:s10+$0x30] =	vst v58  }
0x3e2: {  	[tilespmem:s13+$0x40] =	vst v55  }
0x3e3: {  	v60 =	vld [tilespmem:s8+$0xFFFFFFC0];
	[tilespmem:s10+$0x60] =	vst v59  }
0x3e4: {  	[tilespmem:s10+$0x70] =	vst v59  }
0x3e5: {  	s26 =	sor.u32 $0x410, s0;
	v5 =	vld [tilespmem:s8+$0x30];
	[tilespmem:s10+$0x50] =	vst v2  }
0x3e6: {  	s4 =	sor.u32 $0x400, s14;
	v2 =	vld [tilespmem:s8+$0xFFFFFF20];
	[tilespmem:s26+$0x15000] =	vst v56  }
0x3e7: {  	s29 =	sor.u32 $0x420, s0;
	[tilespmem:s4+$0x15000] =	vst v59  }
0x3e8: {  	s12 =	sor.u32 $0x430, s0;
	[tilespmem:s29+$0x15000] =	vst v56  }
0x3e9: {  	[tilespmem:s12+$0x15000] =	vst v56  }
0x3ea: {  	[tilespmem:s11+$0x30] =	vst v5  }
0x3eb: {  	v62 =	vperm.xlane v3, v0;
	[tilespmem:s9+$0x20] =	vst v2  }
0x3ec: {  	[tilespmem:s10+$0x40] =	vst v60  }
0x3ed: {  	v61 =	vld [tilespmem:s8+$0x40];
	[tilespmem:s11+$0x60] =	vst v62  }
0x3ee: {  	s16 =	sor.u32 $0x410, s14;
	[tilespmem:s11+$0x70] =	vst v62;
	v2 =	vld [tilespmem:s8+$0xFFFFFF30]  }
0x3ef: {  	s17 =	sor.u32 $0x420, s14;
	s13 =	sand.u32 $0x3, s20;
	[tilespmem:s16+$0x15000] =	vst v59  }
0x3f0: {  	s0 =	sshll.u32 s13, $0x8;
	s4 =	sor.u32 $0x430, s14;
	[tilespmem:s17+$0x15000] =	vst v59  }
0x3f1: {  	s0 =	sadd.s32 s6, s0;
	[tilespmem:s4+$0x15000] =	vst v59  }
0x3f2: {  	s2 =	simm.s32 $0x1;
	s0 =	sadd.s32 $0x100, s0;
	[tilespmem:s11+$0x40] =	vst v61  }
0x3f3: {  	s2 =	simm.s32 @!p1 $0x0;
	s15 =	sor.u32 $0x400, s0;
	[tilespmem:s9+$0x30] =	vst v2  }
0x3f4: {  	s2 =	sshll.u32 s2, $0x9;
	v2 =	vperm.xlane v1, v0;
	[tilespmem:s15+$0x15000] =	vst v62  }
0x3f5: {  	s2 =	sadd.s32 s2, s6;
	[tilespmem:s11+$0x50] =	vst v3  }
0x3f6: {  	s18 =	sor.u32 $0x400, s2;
	v63 =	vld [tilespmem:s8+$0xFFFFFF40];
	[tilespmem:s9+$0x70] =	vst v2  }
0x3f7: {  	s22 =	sor.u32 $0x410, s0;
	[tilespmem:s18+$0x15000] =	vst v2  }
0x3f8: {  	[tilespmem:s22+$0x15000] =	vst v62  }
0x3f9: {  	[tilespmem:s9+$0x60] =	vst v2  }
0x3fa: {  	[tilespmem:s9+$0x50] =	vst v1  }
0x3fb: {  	s19 =	sor.u32 $0x410, s2;
	[tilespmem:s9+$0x40] =	vst v63  }
0x3fc: {  	s20 =	sor.u32 $0x420, s2;
	[tilespmem:s19+$0x15000] =	vst v2  }
0x3fd: {  	s2 =	sor.u32 $0x430, s2;
	[tilespmem:s20+$0x15000] =	vst v2  }
0x3fe: {  	[tilespmem:s2+$0x15000] =	vst v2  }
.Ltmp8:
0x3ff: {  	s4 =	rddreg [dreg:$0x10];
	(pc) =	sbr.rel @p0 .LBB2_16-.Ltmp8, $4  }
0x400: {  	s23 =	sor.u32 $0x420, s0;
	s4 =	sadd.s32 s7, s4  }
0x401: {  	s0 =	sor.u32 $0x430, s0;
	[tilespmem:s23+$0x15000] =	vst v62;
	s24 =	sshll.u32 s4, $0x5  }
0x402: {  	s29 =	simm.s32 $0x15000;
	[tilespmem:s0+$0x15000] =	vst v62;
	s26 =	sadd.s32 s5, s24  }
0x403: {  	[hbm4b:s26+s3] =	stream.linear.scatter [tilespmem:s29], [sflag:$0x6], $0x6000, $0x38;
	[tilespmem:$0x1B000] =	vst v63  }
.Ltmp9:
0x404: {  	s0 =	rddreg [dreg:$0x11];
	(pc) =	sbr.rel .LBB2_8-.Ltmp9, $4  }
0x405: {  	s0 =	sadd.s32 s7, s0  }
0x406: {  	s2 =	rddreg [dreg:$0x0];
	s0 =	sshll.u32 s0, $0x4  }
0x407: {  	s29 =	simm.s32 $0x6000;
	s21 =	sadd.s32 $0x1, s21;
	s0 =	sadd.s32 s2, s0  }
0x408: {  	[tilespmem:s29], [sflag:$0x3] =	stream.linear.gather [hbm4b:s0+s3], $0x3000, $0x38;
	[tilespmem:$0x1B000] =	vst v63  }
.LBB2_17:
0x409: {  	_ =	sfence.sel $0x180000  }
0x40a: {  	[bflag:$0x0] =	sbarrier.arrive $0xFFFF  }
0x40b: {  	_ =	strace $0x90000047  }
0x40c: {  	s0 =	stileid.u32;
	[bflag:$0x2] =	sbarrier.arrive $0xFFFF  }
0x40d: {  	p0 =	sne.s32 s0, $0x0;
	s0 =	rddreg [dreg:$0x2]  }
0x40e: {  	s0 =	sadd.s32 @!p0 $0x100000, s0  }
0x40f: {  	[sflag:s0] =	ssyncadd.tile.s32 @!p0 $0x1;
	_ =	shalt  }
.Lfunc_end2:
_tile_overlayer_lowered:
.L_overlay_start_2:
0x410: {  	(tag) =	ssettag $0x2  }
0x411: {  	s0 =	rddreg [dreg:$0x0];
	s2 =	stileid.u32  }
0x412: {  	s1 =	rddreg [dreg:$0x1];
	p0 =	sne.s32 s2, $0x0  }
0x413: {  	s3 =	rddreg [dreg:$0x2];
	[bflag:$0x3] =	sbarrier.arrive $0xFFFF;
	s2 =	simm.s32 @!p0 $0x1C07  }
0x414: {  	[timem:s3], [sflag:s2] =	dma.local @!p0 [hbm:s0], s1  }
0x415: {  	s0 =	simm.s32 @!p0 $0x7  }
0x416: {  	_ =	swait.ge @!p0 [sflag:s0], s1  }
0x417: {  	s1 =	ssub.s32 @!p0 $0x0, s1;
	[sflag:s0] =	ssyncset.done @!p0 $0x0  }
0x418: {  	[sflag:s0] =	ssyncadd.s32 @!p0 s1  }
0x419: {  	[bflag:$0x3] =	sbarrier.arrive $0xFFFF  }
0x41a: {  	_ =	shalt  }

// kernel: sparse-core-data-format-call.cloned.1.call-start
scs
called_computation_lowered:
.L_overlay_start_0:
0x0: {  	s2 =	sld [smem:$0x3FD9]  }
0x1: {  	s3 =	sld [smem:$0x3FFE];
	_ =	sdelay $0x1  }
0x2: {  	s1 =	srdreg.scid  }
0x3: {  	s0 =	sand.u32 $0x1, s1  }
0x4: {  	s18 =	sshll.u32 s0, $0xA;
	s2 =	sadd.s32 s3, s2  }
0x5: {  	s2 =	sadd.s32 s2, s18  }
0x6: {  	[smem:$0x3FC7] =	sst s2  }
0x7: {  	_ = 	snop  }
0x8: {  	s2 =	sld [smem:$0x3FD0];
	(tm) =	ssettm $0x1  }
0x9: {  	s19 =	sld [smem:$0x3FFB];
	_ =	sdelay $0x3  }
0xa: {  	_ =	strace s19  }
0xb: {  	s3 =	sld [smem:$0x3FFC];
	_ =	sdelay $0x3  }
0xc: {  	_ =	strace s3  }
0xd: {  	s3 =	sld [smem:$0x3FFD];
	_ =	sdelay $0x3  }
0xe: {  	_ =	strace s3  }
0xf: {  	_ =	strace $0x8FFFFFFF  }
0x10: {  	s20 =	sld [smem:$0x3FDB];
	_ =	sdelay $0x1  }
0x11: {  	s4 =	simm.s32 $_scs_section_size  }
0x12: {  	s5 =	simm.s32 $_size__tile_overlayer_lowered;
	s6 =	simm.s32 $_tile_overlayer_lowered  }
0x13: {  	s23 =	simm.s32 $0x1BFF;
	s22 =	sshll.u32 s6, $0x1;
	s3 =	sadd.s32 s4, s20  }
0x14: {  	s7 =	simm.s32 $0x0;
	s21 =	sshll.u32 s5, $0x1;
	s5 =	sadd.s32 s22, s3  }
0x15: {  	[timem:s7], [sflag:s23] =	dma.local [hbm:s5], s21  }
0x16: {  	_ =	swait.ge [sflag:s23], s21  }
0x17: {  	s4 =	ssub.s32 $0x0, s21;
	[sflag:s23] =	ssyncset.done $0x0  }
0x18: {  	[sflag:s23] =	ssyncadd.s32 s4;
	_ =	sdelay $0x1  }
0x19: {  	s24 =	simm.s32 $0x1B8B  }
0x1a: {  	_ =	swait.ge [sflag:s24], $0x1  }
0x1b: {  	[sflag:s24] =	ssyncset.done $0x0  }
0x1c: {  	s26 =	simm.s32 $0x1B8E;
	s25 =	sld [smem:$0x3FFE];
	[sflag:s24] =	ssyncadd.s32 $0xFFFFFFFF  }
0x1d: {  	s27 =	simm.s32 $execute0_lowered;
	[smem:$0x3FD2] =	sst s26  }
0x1e: {  	s5 =	sshll.u32 s27, $0x1;
	_ =	strace $0x80000049;
	[dreg:$0x1] =	wrdreg $0xFFFFFFFF  }
0x1f: {  	s28 =	simm.s32 $_size_execute0_lowered;
	s3 =	sadd.s32 s3, s5;
	[dreg:$0x0] =	wrdreg $0x0  }
0x20: {  	s5 =	sshll.u32 s28, $0x1;
	[dreg:$0x2] =	wrdreg s3  }
0x21: {  	[dreg:$0x3] =	wrdreg s5  }
0x22: {  	[dreg:$0x4] =	wrdreg $0xC0  }
0x23: {  	_ =	task [dreg:s7], $0x5FFFF  }
0x24: {  	[dreg:$0x1] =	wrdreg $0xFFFFFFFF  }
0x25: {  	[dreg:$0x0] =	wrdreg $0x60  }
0x26: {  	[dreg:$0x2] =	wrdreg s25  }
0x27: {  	[dreg:$0x3] =	wrdreg s2  }
0x28: {  	[dreg:$0x4] =	wrdreg $0x9  }
0x29: {  	_ =	task.clear_ibuf [dreg:s7], $0x5FFFF;
	_ =	strace $0x90000049  }
0x2a: {  	s29 =	simm.s32 $0x9;
	_ =	strace $0x8000004B  }
0x2b: {  	_ =	swait.ge [sflag:s29], $0x1  }
0x2c: {  	[sflag:s29] =	ssyncadd.s32 $0xFFFFFFFF  }
0x2d: {  	_ =	strace $0x9000004B  }
0x2e: {  	_ =	sfence  }
0x2f: {  	s30 =	sld [smem:$0x0];
	_ =	sdelay $0x2  }
0x30: {  	s31 =	sshll.u32 s1, $0xD;
	s1 =	sshrl.u32 s1, $0x2  }
0x31: {  	s3 =	sand.u32 $0x4000, s31;
	s1 =	sadd.s32 s1, s30  }
0x32: {  	s0 =	sor.u32 s3, s0;
	s1 =	sshll.u32 s1, $0x11  }
0x33: {  	s0 =	sor.u32 s1, s0  }
0x34: {  	s0 =	sadd.s32 $0x8F2B, s0  }
0x35: {  	[sflag:s0] =	ssyncadd.remote.s32 $0x1  }
0x36: {  	_ =	sfence.sel $0xFFFF  }
0x37: {  	[dreg:$0x0] =	wrdreg $0xFFFFFFFF;
	(pc) =	sbr.abs _section_cstart, $3  }
0x38: {  	[dreg:$0x1] =	wrdreg $0xFFFFFFFF  }
0x39: {  	_ =	task.clear_ibuf [dreg:s7], $0x2FFFF;
	_ =	strace $0x9FFFFFFF  }
0x3a: {  	(tm) =	ssettm $0x7FFFFFFF  }
0x3b: {  	_ =	shalt  }
tec
execute0_lowered:
.L_overlay_start_1:
0x0: {  	(tag) =	ssettag $0x1  }
0x1: {  	s4 =	rddreg [dreg:$0x0];
	s0 =	stileid.u32;
	_ =	strace $0x8000004A  }
0x2: {  	s5 =	srdreg.scid;
	s8 =	simm.s32 $0x2;
	s20 =	simm.s32 $0x0  }
0x3: {  	p0 =	por $0x0, $0x0;
	s9 =	simm.s32 $0xC00;
	s19 =	simm.s32 $0x0  }
0x4: {  	s21 =	simm.s32 $0x0;
	s22 =	simm.s32 $0x0;
	s10 =	simm.s32 $0x0  }
0x5: {  	s11 =	simm.s32 $0x0;
	s13 =	simm.s32 $0x0;
	s14 =	simm.s32 $0x0  }
0x6: {  	s15 =	simm.s32 $0x0;
	s18 =	simm.s32 $0x0;
	s3 =	sand.u32 $0x1, s0  }
0x7: {  	s5 =	sshll.u32 s5, $0x4;
	s4 =	sadd.s32 $0x800, s4;
	s6 =	ssub.s32 $0x2, s3  }
.Ltmp0:
0x8: {  	s7 =	sshrl.u32 s6, $0x1;
	s6 =	sand.u32 $0x1, s6;
	(pc) =	sbr.rel .LBB1_1-.Ltmp0, $4  }
0x9: {  	s5 =	sand.u32 $0x10, s5;
	s17 =	smov.u32 s3;
	s6 =	sadd.s32 s6, s7  }
0xa: {  	s31 =	sor.u32 s0, s5;
	s5 =	simm.s32 $0x1;
	s6 =	smul.u32 $0x90, s6  }
0xb: {  	s0 =	simm.s32 $0x0;
	s7 =	sshrl.u32 s31, $0x1;
	[sflag:s5] =	ssyncpa.u1 $0x0  }
0xc: {  	[sflag:s8] =	ssyncpa.u1 $0x0;
	s16 =	smov.u32 s7;
	s8 =	sor.u32 $0x1, s6  }
.LBB1_4:
0xd: {  	s28 =	sshrl.u32 s10, $0x3  }
0xe: {  	s29 =	sshll.u32 s11, $0x3;
	s28 =	smul.u32 $0xC00, s28  }
0xf: {  	s30 =	sshll.u32 s10, $0x7;
	s29 =	sand.u32 $0xFFFFFC00, s29  }
0x10: {  	s2 =	sand.u32 $0x7F, s11;
	s1 =	sand.u32 $0x380, s30;
	s28 =	sadd.s32 s29, s28  }
0x11: {  	s27 =	sshra.s32 s27, $0x2;
	p1 =	sgt.s32 s13, $0x1;
	s28 =	sor.u32 s1, s28  }
0x12: {  	s31 =	sshra.s32 s13, $0x1F;
	s29 =	sor.u32 s2, s28;
	s28 =	smulhi.u32 $0xAAAAAAAB, s28  }
0x13: {  	s26 =	sadd.s32 s27, s26;
	s31 =	sand.u32 s31, s13;
	s30 =	smulhi.u32 $0xAAAAAAAB, s29  }
0x14: {  	s31 =	sxor.u32 $0xFFFFFFFF, s31;
	s1 =	sshra.s32 s0, $0x1F;
	s28 =	sshrl.u32 s28, $0x8  }
0x15: {  	s12 =	sshrl.u32 s30, $0x8;
	s30 =	smov.u32 s13;
	s2 =	smulhi.u32 $0x1555556, s28  }
0x16: {  	s1 =	sand.u32 s1, s0;
	s27 =	smul.u32 $0x180, s12;
	s30 =	simm.s32 @!p1 $0x1  }
0x17: {  	p1 =	sgt.s32 s0, $0x17F;
	s12 =	smov.u32 s0;
	s30 =	sadd.s32 s31, s30  }
0x18: {  	s12 =	simm.s32 @!p1 $0x17F;
	s31 =	smov.u32 s11;
	s2 =	smul.u32 $0xC0, s2  }
0x19: {  	p1 =	sgt.s32 s30, $0x0;
	s30 =	ssub.s32 $0x1, s30;
	s1 =	ssub.s32 s12, s1  }
0x1a: {  	s30 =	simm.s32 @p1 $0x0;
	s12 =	sadd.s32 $0xFFFFFE81, s1;
	p1 =	sgt.s32 s11, $0x100  }
0x1b: {  	s31 =	simm.s32 @!p1 $0x100;
	p1 =	sgt.s32 s12, $0x0;
	s12 =	sshra.s32 s11, $0x1F  }
0x1c: {  	v5 =	vld [tilespmem:s24+$0xFFFFFFD0];
	[tilespmem:s25+$0x2040 ss:$0x81] =	vst.msk $0xffff, v4;
	s27 =	ssub.s32 s29, s27;
	s1 =	ssub.s32 $0x180, s1;
	s12 =	sand.u32 s12, s11  }
0x1d: {  	v58 =	vld [tilespmem:s24+$0xFFFFFFE0];
	[tilespmem:s25+$0x2850 ss:$0x81] =	vst.msk $0xffff, v3;
	s1 =	simm.s32 @p1 $0x0;
	p1 =	sgt.s32 s10, $0x40;
	s12 =	ssub.s32 s31, s12  }
0x1e: {  	v59 =	vld [tilespmem:s24+$0xFFFFFFF0];
	[tilespmem:s25+$0x3060 ss:$0x81] =	vst.msk $0xffff, v2;
	s31 =	smov.u32 s10;
	s1 =	smul.u32 s30, s1;
	s30 =	sadd.s32 $0xFFFFFF00, s12  }
0x1f: {  	[tilespmem:s25+$0x0 ss:$0x81] =	vst.msk $0xffff, v1;
	v60 =	vld [tilespmem:s24+$0x0];
	s31 =	simm.s32 @!p1 $0x40;
	p1 =	sgt.s32 s30, $0x7F;
	s30 =	sshra.s32 s10, $0x1F  }
0x20: {  	v61 =	vld [tilespmem:s24+$0x10];
	[tilespmem:s26+$0x3870 ss:$0x81] =	vst.msk $0xffff, v0;
	s29 =	smul.u32 $0x360000, s13;
	s12 =	ssub.s32 $0x180, s12;
	s25 =	sand.u32 s30, s10  }
0x21: {  	v62 =	vld [tilespmem:s24+$0x20];
	[tilespmem:s26+$0x810 ss:$0x81] =	vst.msk $0xffff, v5;
	s12 =	simm.s32 @p1 $0x0;
	s30 =	smul.u32 $0x2400, s0;
	s25 =	ssub.s32 s31, s25  }
0x22: {  	v63 =	vld [tilespmem:s24+$0xFFFFFFC0];
	[tilespmem:s26+$0x1020 ss:$0x81] =	vst.msk $0xffff, v58;
	s2 =	ssub.s32 s28, s2;
	s1 =	smul.u32 s12, s1;
	s28 =	sadd.s32 $0xFFFFFFC0, s25  }
0x23: {  	[tilespmem:s26+$0x1830 ss:$0x81] =	vst.msk $0xffff, v59;
	s31 =	rddreg [dreg:$0x1];
	s12 =	ssub.s32 $0xC0, s25;
	p1 =	sgt.s32 s28, $0x7F  }
0x24: {  	[tilespmem:s26+$0x2040 ss:$0x81] =	vst.msk $0xffff, v60;
	s2 =	smul.u32 $0x30, s2;
	s24 =	sadd.s32 s31, s29;
	s12 =	simm.s32 @p1 $0x0  }
0x25: {  	[tilespmem:s26+$0x2850 ss:$0x81] =	vst.msk $0xffff, v61;
	s29 =	sand.u32 $0x7, s27;
	s28 =	sadd.s32 s30, s24;
	s1 =	smul.u32 s12, s1  }
0x26: {  	[tilespmem:s26+$0x3060 ss:$0x81] =	vst.msk $0xffff, v62;
	s30 =	sshrl.u32 s27, $0x3;
	s31 =	sshll.u32 s29, $0x12;
	s2 =	sadd.s32 s2, s28  }
0x27: {  	[tilespmem:s26+$0x0 ss:$0x81] =	vst.msk $0xffff, v63;
	s2 =	sadd.s32 s30, s2;
	s12 =	sor.u32 $0x400, s31;
	s1 =	sand.u32 $0x3FFFFFFF, s1  }
0x28: {  	[hbm4b:s2+s12] =	stream.strided.scatter [tilespmem:s23], [sflag:$0x2], s1, s9, s12, $0x20;
	[tilespmem:$0x10100] =	vst v63  }
.LBB1_5:
0x29: {  	p1 =	slt.u32 s18, $0x2  }
0x2a: {  	s2 =	smov.u32 s22;
	s23 =	sadd.s32 $0x80, s14;
	s24 =	smov.u32 s15  }
0x2b: {  	s25 =	smov.u32 s16;
	p0 =	por !p0, !p0;
	p2 =	sgt.s32 @!p1 s22, $0x1  }
0x2c: {  	s1 =	sshra.s32 @!p1 s22, $0x1F;
	s12 =	sshra.s32 @!p1 s21, $0x1F;
	p4 =	sgt.s32 @!p1 s19, $0x100  }
0x2d: {  	p2 =	por !p2, p1;
	s1 =	sand.u32 @!p1 s1, s22;
	s12 =	sand.u32 @!p1 s12, s21  }
0x2e: {  	s2 =	simm.s32 @p2 $0x1;
	s1 =	sxor.u32 @!p1 $0xFFFFFFFF, s1;
	p2 =	sgt.s32 @!p1 s21, $0x17F  }
0x2f: {  	s1 =	sadd.s32 @!p1 s1, s2;
	p2 =	por !p2, p1;
	s2 =	smov.u32 s21  }
0x30: {  	s22 =	smov.u32 s13;
	p3 =	sgt.s32 @!p1 s1, $0x0;
	s2 =	simm.s32 @p2 $0x17F  }
0x31: {  	s1 =	ssub.s32 @!p1 $0x1, s1;
	p2 =	por !p3, p1;
	s2 =	ssub.s32 @!p1 s2, s12  }
0x32: {  	s21 =	smov.u32 s20;
	s1 =	simm.s32 @!p2 $0x0;
	s12 =	sadd.s32 @!p1 $0xFFFFFE81, s2  }
0x33: {  	p2 =	sgt.s32 @!p1 s20, $0x40;
	p3 =	sgt.s32 @!p1 s12, $0x0;
	s12 =	sshra.s32 @!p1 s20, $0x1F  }
0x34: {  	s2 =	ssub.s32 @!p1 $0x180, s2;
	p2 =	por !p2, p1;
	s12 =	sand.u32 @!p1 s12, s20  }
0x35: {  	s20 =	sshra.s32 @!p1 s19, $0x1F;
	s21 =	simm.s32 @p2 $0x40;
	p2 =	por !p4, p1  }
0x36: {  	p3 =	por !p3, p1;
	s20 =	sand.u32 @!p1 s20, s19;
	s19 =	simm.s32 @p2 $0x100  }
0x37: {  	s2 =	simm.s32 @!p3 $0x0;
	s12 =	ssub.s32 @!p1 s21, s12;
	s19 =	ssub.s32 @!p1 s19, s20  }
0x38: {  	s1 =	smul.u32 @!p1 s1, s2;
	s2 =	sadd.s32 @!p1 $0xFFFFFFC0, s12;
	s20 =	sadd.s32 @!p1 $0xFFFFFF00, s19  }
0x39: {  	s13 =	smov.u32 s17;
	p2 =	sgt.s32 @!p1 s2, $0x7F;
	p3 =	sgt.s32 @!p1 s20, $0x7F  }
0x3a: {  	s2 =	ssub.s32 @!p1 $0xC0, s12;
	s12 =	ssub.s32 @!p1 $0x180, s19;
	p3 =	por !p3, p1  }
0x3b: {  	s19 =	sadd.s32 $0x80, s15;
	s12 =	simm.s32 @!p3 $0x0;
	p3 =	sgt.s32 s23, $0xBF  }
0x3c: {  	p2 =	por !p2, p1;
	s1 =	smul.u32 @!p1 s12, s1;
	s24 =	smov.u32 @p3 s19  }
0x3d: {  	s2 =	simm.s32 @!p2 $0x0;
	s12 =	sadd.s32 $0x10, s16;
	p2 =	sgt.s32 s24, $0x17F  }
0x3e: {  	s23 =	simm.s32 @p3 $0x0;
	s1 =	smul.u32 @!p1 s2, s1;
	s25 =	smov.u32 @p2 s12  }
0x3f: {  	s2 =	sadd.s32 $0x2, s17;
	s12 =	smov.u32 s17;
	p3 =	sgt.s32 s25, $0x17F  }
0x40: {  	s21 =	smov.u32 s0;
	s0 =	smov.u32 s16;
	s12 =	smov.u32 @p3 s2  }
0x41: {  	s20 =	smov.u32 s10;
	s24 =	simm.s32 @p2 $0x0;
	p2 =	sgt.s32 s12, $0x1  }
0x42: {  	s10 =	smov.u32 s14;
	s12 =	smov.u32 @p2 s3;
	p2 =	sne.s32 s18, s8  }
.Ltmp1:
0x43: {  	s19 =	smov.u32 s11;
	s11 =	smov.u32 s15;
	(pc) =	sbr.rel @!p2 .LBB1_6-.Ltmp1, $4  }
0x44: {  	s14 =	smov.u32 s23;
	s1 =	sand.u32 @!p1 $0x3FFFFFFF, s1;
	s2 =	simm.s32 @!p1 $0x2  }
0x45: {  	s15 =	smov.u32 s24;
	s25 =	smov.u32 @p3 s7;
	_ =	swait.ge @!p1 [sflag:s2], s1  }
0x46: {  	s1 =	ssub.s32 @!p1 $0x0, s1;
	s16 =	smov.u32 s25;
	[sflag:s2] =	ssyncset.done @!p1 $0x0  }
0x47: {  	s18 =	sadd.s32 $0x1, s18;
	[sflag:s2] =	ssyncadd.s32 @!p1 s1;
	s17 =	smov.u32 s12  }
.LBB1_1:
0x48: {  	p1 =	sge.u32 s18, s6  }
0x49: {  	s23 =	sshll.u32 @!p1 s15, $0x8;
	s24 =	sshll.u32 @!p1 s14, $0x3  }
0x4a: {  	s25 =	sshll.u32 @!p1 s15, $0x7;
	s23 =	sand.u32 @!p1 $0xFFFFF800, s23;
	s24 =	sand.u32 @!p1 $0xFFFFFC00, s24  }
0x4b: {  	s23 =	sadd.s32 @!p1 s23, s24;
	s24 =	sand.u32 @!p1 $0x300, s25  }
0x4c: {  	s23 =	sor.u32 @!p1 s24, s23  }
0x4d: {  	s23 =	sshrl.u32 @!p1 s23, $0x8  }
0x4e: {  	s24 =	smulhi.u32 @!p1 $0xAAAAAB, s23  }
0x4f: {  	s31 =	sadd.s32 $0xFFFFFFFF, s18;
	s26 =	sxor.u32 @!p1 $0xFFFFFFFF, s18;
	s28 =	smul.u32 @!p1 $0x480000, s17  }
0x50: {  	s27 =	sand.u32 @!p1 $0x78, s14;
	s25 =	sand.u32 @!p1 $0x80, s25;
	s24 =	smul.u32 @!p1 $0x180, s24  }
0x51: {  	s26 =	sshll.u32 @!p1 s26, $0xE;
	s25 =	sor.u32 @!p1 s27, s25;
	s27 =	smul.u32 @!p1 $0x3000, s16  }
0x52: {  	s23 =	ssub.s32 @!p1 s23, s24;
	s24 =	sand.u32 @!p1 $0x4000, s26;
	s26 =	sadd.s32 @!p1 s4, s28  }
0x53: {  	s25 =	sshrl.u32 @!p1 s25, $0x3;
	s26 =	sadd.s32 @!p1 s27, s26;
	s27 =	sand.u32 @!p1 $0x7, s14  }
0x54: {  	s23 =	sshll.u32 @!p1 s23, $0x5;
	s25 =	sadd.s32 @!p1 s25, s26;
	s26 =	sshll.u32 @!p1 s27, $0x12  }
0x55: {  	s23 =	sadd.s32 @!p1 s23, s25;
	s25 =	sor.u32 @!p1 $0x400, s26;
	s26 =	simm.s32 @!p1 $0x800  }
0x56: {  	[tilespmem:s24], [sflag:$0x1] =	stream.strided.gather @!p1 [hbm4b:s23+s25], $0x4000, s26, s25, $0x38;
	[tilespmem:$0x10100] =	vst v63  }
0x57: {  	p1 =	sge.u32 s31, s6  }
.Ltmp2:
0x58: {  	_ = 	snop;
	(pc) =	sbr.rel @p1 .LBB1_5-.Ltmp2, $1  }
0x59: {  	_ =	sdelay $0x3  }
0x5a: {  	s23 =	simm.s32 $0x1  }
0x5b: {  	_ =	swait.ge [sflag:s5], $0x4000;
	s23 =	simm.s32 @!p0 $0x0  }
0x5c: {  	[sflag:s5] =	ssyncset.done $0x0;
	s24 =	sshll.u32 s23, $0xE  }
0x5d: {  	[sflag:s5] =	ssyncadd.s32 $0xFFFFC000;
	s24 =	sor.u32 $0x40, s24  }
0x5e: {  	s23 =	smul.u32 $0x10200, s23;
	v0 =	vld [tilespmem:s24+$0x30]  }
0x5f: {  	v1 =	vld [tilespmem:s24+$0xFFFFFFD0]  }
0x60: {  	s23 =	sshrl.u32 s23, $0x2;
	v5 =	vld [tilespmem:s24+$0xFFFFFFE0]  }
0x61: {  	v6 =	vld [tilespmem:s24+$0xFFFFFFF0];
	s26 =	sor.u32 $0x8000, s23  }
0x62: {  	s31 =	sand.u32 $0x1, s18;
	v4 =	vld [tilespmem:s24+$0x0];
	s25 =	sadd.s32 $0x0, s26  }
0x63: {  	v3 =	vld [tilespmem:s24+$0x10];
	s23 =	smul.u32 $0x10200, s31;
	[tilespmem:s25+$0x3870 ss:$0x81] =	vst.msk $0xffff, v0  }
0x64: {  	v2 =	vld [tilespmem:s24+$0x20];
	[tilespmem:s25+$0x810 ss:$0x81] =	vst.msk $0xffff, v1  }
0x65: {  	s23 =	sshrl.u32 s23, $0x2;
	v1 =	vld [tilespmem:s24+$0xFFFFFFC0];
	[tilespmem:s25+$0x1020 ss:$0x81] =	vst.msk $0xffff, v5;
	s24 =	sadd.s32 $0x80, s24  }
0x66: {  	s27 =	simm.s32 $0x4;
	s28 =	simm.s32 $0x8;
	s23 =	sor.u32 $0x8000, s23;
	[tilespmem:s25+$0x1830 ss:$0x81] =	vst.msk $0xffff, v6;
	v0 =	vld [tilespmem:s24+$0x30]  }
.LBB1_3:
0x67: {  	p1 =	sne.s32 s28, $0x1FC;
	v5 =	vld [tilespmem:s24+$0xFFFFFFD0];
	[tilespmem:s25+$0x2040 ss:$0x81] =	vst.msk $0xffff, v4  }
0x68: {  	v6 =	vld [tilespmem:s24+$0xFFFFFFE0];
	[tilespmem:s25+$0x2850 ss:$0x81] =	vst.msk $0xffff, v3  }
0x69: {  	s29 =	sshra.s32 s27, $0x2;
	s27 =	smov.u32 s28;
	v7 =	vld [tilespmem:s24+$0xFFFFFFF0];
	[tilespmem:s25+$0x3060 ss:$0x81] =	vst.msk $0xffff, v2  }
.Ltmp3:
0x6a: {  	v4 =	vld [tilespmem:s24+$0x0];
	[tilespmem:s25+$0x0 ss:$0x81] =	vst.msk $0xffff, v1;
	s25 =	sadd.s32 s29, s26;
	(pc) =	sbr.rel @p1 .LBB1_3-.Ltmp3, $4  }
0x6b: {  	v3 =	vld [tilespmem:s24+$0x10];
	[tilespmem:s25+$0x3870 ss:$0x81] =	vst.msk $0xffff, v0  }
0x6c: {  	[tilespmem:s25+$0x810 ss:$0x81] =	vst.msk $0xffff, v5;
	v2 =	vld [tilespmem:s24+$0x20]  }
0x6d: {  	v1 =	vld [tilespmem:s24+$0xFFFFFFC0];
	[tilespmem:s25+$0x1020 ss:$0x81] =	vst.msk $0xffff, v6;
	s24 =	sadd.s32 $0x80, s24  }
0x6e: {  	s28 =	sadd.s32 $0x4, s28;
	v0 =	vld [tilespmem:s24+$0x30];
	[tilespmem:s25+$0x1830 ss:$0x81] =	vst.msk $0xffff, v7  }
.Ltmp4:
0x6f: {  	_ = 	snop;
	(pc) =	sbr.rel .LBB1_4-.Ltmp4, $1  }
0x70: {  	_ =	sdelay $0x3  }
.LBB1_6:
0x71: {  	_ =	sfence.sel $0x180000  }
0x72: {  	s0 =	simm.s32 $0x1;
	[bflag:$0x0] =	sbarrier.arrive $0xFFFF  }
0x73: {  	s30 =	simm.s32 $0x2;
	[sflag:s0] =	ssyncpa.u1 $0x1  }
0x74: {  	[sflag:s30] =	ssyncpa.u1 $0x1  }
0x75: {  	_ =	strace $0x9000004A  }
0x76: {  	s31 =	stileid.u32;
	[bflag:$0x2] =	sbarrier.arrive $0xFFFF  }
0x77: {  	p0 =	sne.s32 s31, $0x0;
	s0 =	rddreg [dreg:$0x2]  }
0x78: {  	s0 =	sadd.s32 @!p0 $0x100000, s0  }
0x79: {  	[sflag:s0] =	ssyncadd.tile.s32 @!p0 $0x1;
	_ =	shalt  }
.Lfunc_end1:
_tile_overlayer_lowered:
.L_overlay_start_2:
0x7a: {  	(tag) =	ssettag $0x2  }
0x7b: {  	s0 =	rddreg [dreg:$0x0];
	s2 =	stileid.u32  }
0x7c: {  	s1 =	rddreg [dreg:$0x1];
	p0 =	sne.s32 s2, $0x0  }
0x7d: {  	s3 =	rddreg [dreg:$0x2];
	[bflag:$0x3] =	sbarrier.arrive $0xFFFF;
	s2 =	simm.s32 @!p0 $0x1C01  }
0x7e: {  	[timem:s3], [sflag:s2] =	dma.local @!p0 [hbm:s0], s1  }
0x7f: {  	s0 =	simm.s32 @!p0 $0x1  }
0x80: {  	_ =	swait.ge @!p0 [sflag:s0], s1  }
0x81: {  	s1 =	ssub.s32 @!p0 $0x0, s1;
	[sflag:s0] =	ssyncset.done @!p0 $0x0  }
0x82: {  	[sflag:s0] =	ssyncadd.s32 @!p0 s1  }
0x83: {  	[bflag:$0x3] =	sbarrier.arrive $0xFFFF  }
0x84: {  	_ =	shalt  }

</sc_bundles>
